<compile_context>
chip_gen: v7x
topology: tpu7x:2x2x1
jax: 0.10.2.dev20260603
libtpu: 0.0.44.dev20260713+nightly
codegen_flags: <defaults>
</compile_context>

<pallas_src>
import functools

import jax
import jax.numpy as jnp
from jax import lax
from jax.experimental import pallas as pl
from jax.experimental.pallas import tpu as pltpu
from jax.experimental.pallas import tpu_sc as plsc

NC, NS, L = 2, 16, 16
NW = NC * NS
D = 128
BLK = 512
KW = 128


def _round_up(x, m):
    return (x + m - 1) // m * m


def _mesh():
    return plsc.VectorSubcoreMesh(
        core_axis_name="c", subcore_axis_name="s", num_cores=NC, num_subcores=NS
    )


CH = 8


def _make_sc_deg(n_pad, e_pad):
    epw = e_pad // NW
    nwin = epw // KW
    nch = nwin // CH
    rpt = n_pad // NS

    @functools.partial(
        pl.kernel,
        out_type=jax.ShapeDtypeStruct((NC, n_pad, D), jnp.float32),
        mesh=_mesh(),
        scratch_types=[
            pltpu.VMEM_SHARED((n_pad, D), jnp.float32),
            pltpu.VMEM((nch, CH, KW), jnp.int32),
            pltpu.VMEM((KW, D), jnp.float32),
            pltpu.SemaphoreType.DMA,
        ],
    )
    def deg_kernel(dst_hbm, out_hbm, acc_sh, didx, ones_v, sem):
        c = lax.axis_index("c")
        s = lax.axis_index("s")
        wid = s * NC + c
        pltpu.sync_copy(dst_hbm.at[wid], didx)

        def fill_z(i, _):
            ones_v[i // (D // L), pl.ds((i % (D // L)) * L, L)] = jnp.zeros((L,), jnp.float32)
            return 0

        lax.fori_loop(0, KW * D // L, fill_z, 0)

        def zcopy(j, _):
            pltpu.sync_copy(ones_v, acc_sh.at[pl.ds(s * rpt + j * KW, KW)])
            return 0

        lax.fori_loop(0, rpt // KW, zcopy, 0)

        def fill_o(i, _):
            ones_v[i // (D // L), pl.ds((i % (D // L)) * L, L)] = jnp.ones((L,), jnp.float32)
            return 0

        lax.fori_loop(0, KW * D // L, fill_o, 0)
        plsc.subcore_barrier()

        def group(k, _):
            for j in range(CH):
                pltpu.async_copy(ones_v, acc_sh.at[didx.at[k, j]], sem, add=True)
            for j in range(CH):
                pltpu.make_async_copy(ones_v, acc_sh.at[didx.at[k, j]], sem).wait()
            return 0

        lax.fori_loop(0, nch, group, 0)
        plsc.subcore_barrier()
        pltpu.sync_copy(acc_sh.at[pl.ds(s * rpt, rpt)], out_hbm.at[c, pl.ds(s * rpt, rpt)])

    return deg_kernel


def _make_sc_edge(n_pad, e_pad):
    epw = e_pad // NW
    nwin = epw // KW
    nch = nwin // CH
    rpt = n_pad // NS
    assert nch % 2 == 0

    @functools.partial(
        pl.kernel,
        out_type=jax.ShapeDtypeStruct((NC, n_pad, D), jnp.float32),
        mesh=_mesh(),
        scratch_types=[
            pltpu.VMEM_SHARED((n_pad, D), jnp.float32),
            pltpu.VMEM((CH, KW), jnp.int32),
            pltpu.VMEM((CH, KW), jnp.int32),
            pltpu.VMEM((CH, KW), jnp.int32),
            pltpu.VMEM((CH, KW), jnp.int32),
            pltpu.VMEM((KW, D), jnp.float32),
            pltpu.VMEM((KW, D), jnp.float32),
            pltpu.SemaphoreType.DMA,
            pltpu.SemaphoreType.DMA,
            pltpu.SemaphoreType.DMA,
            pltpu.SemaphoreType.DMA,
        ],
    )
    def edge_kernel(y_hbm, src_hbm, dst_hbm, out_hbm, acc_sh,
                    sidx_a, didx_a, sidx_b, didx_b, rows0, rows1,
                    sem_ia, sem_ib, sem_g0, sem_g1):
        c = lax.axis_index("c")
        s = lax.axis_index("s")
        wid = s * NC + c

        def fill_z(i, _):
            rows0[i // (D // L), pl.ds((i % (D // L)) * L, L)] = jnp.zeros((L,), jnp.float32)
            return 0

        lax.fori_loop(0, KW * D // L, fill_z, 0)

        def zcopy(j, _):
            pltpu.sync_copy(rows0, acc_sh.at[pl.ds(s * rpt + j * KW, KW)])
            return 0

        lax.fori_loop(0, rpt // KW, zcopy, 0)
        plsc.subcore_barrier()

        pltpu.async_copy(src_hbm.at[wid, 0], sidx_a, sem_ia)
        pltpu.async_copy(dst_hbm.at[wid, 0], didx_a, sem_ia)

        def do_chunk(k, sidx, didx, sem_i, sidx_n, didx_n, sem_i_n):
            pltpu.make_async_copy(src_hbm.at[wid, k], sidx, sem_i).wait()
            pltpu.make_async_copy(dst_hbm.at[wid, k], didx, sem_i).wait()

            @pl.when(k + 1 < nch)
            def _():
                pltpu.async_copy(src_hbm.at[wid, k + 1], sidx_n, sem_i_n)
                pltpu.async_copy(dst_hbm.at[wid, k + 1], didx_n, sem_i_n)

            pltpu.async_copy(y_hbm.at[sidx.at[0]], rows0, sem_g0)
            for j in range(CH):
                rj, sj = (rows0, sem_g0) if j % 2 == 0 else (rows1, sem_g1)
                if j + 1 < CH:
                    rn, sn = (rows1, sem_g1) if j % 2 == 0 else (rows0, sem_g0)
                    pltpu.async_copy(y_hbm.at[sidx.at[j + 1]], rn, sn)
                pltpu.make_async_copy(y_hbm.at[sidx.at[j]], rj, sj).wait()
                pltpu.sync_copy(rj, acc_sh.at[didx.at[j]], add=True)

        def pair(p, _):
            do_chunk(2 * p, sidx_a, didx_a, sem_ia, sidx_b, didx_b, sem_ib)
            do_chunk(2 * p + 1, sidx_b, didx_b, sem_ib, sidx_a, didx_a, sem_ia)
            return 0

        lax.fori_loop(0, nch // 2, pair, 0)
        plsc.subcore_barrier()
        pltpu.sync_copy(acc_sh.at[pl.ds(s * rpt, rpt)], out_hbm.at[c, pl.ds(s * rpt, rpt)])

    return edge_kernel


def _lane_cumprod(x):
    n_rows = x.shape[0]
    c = x
    sh = 1
    while sh < D:
        c = c * jnp.concatenate(
            [jnp.ones((n_rows, sh), jnp.float32), c[:, : D - sh]], axis=1
        )
        sh *= 2
    return c


def _dense_body(n_real, sphex_ref, wg_ref, wi_ref, bi_ref, xw_ref, intra_ref, cs_ref):
    i = pl.program_id(0)
    sp = sphex_ref[...]
    cosx = jnp.cos(sp)
    sinx = jnp.sin(sp)
    cum = _lane_cumprod(sinx)
    gex = jnp.concatenate([cosx[:, :1], cosx[:, 1:] * cum[:, : D - 1]], axis=1)
    dn = (((1,), (1,)), ((), ()))
    xw_ref[...] = lax.dot_general(gex, wg_ref[...], dn, preferred_element_type=jnp.float32)
    intra_ref[...] = (
        lax.dot_general(gex, wi_ref[...], dn, preferred_element_type=jnp.float32)
        + bi_ref[...]
    )
    rows = i * BLK + lax.broadcasted_iota(jnp.int32, (BLK, D), 0)
    gexm = jnp.where(rows < n_real, gex, 0.0)

    @pl.when(i == 0)
    def _():
        cs_ref[...] = jnp.zeros_like(cs_ref)

    cs_ref[...] += jnp.sum(gexm, axis=0, keepdims=True)


def _scale_body(xw_ref, degp_ref, y_ref, dinv_ref):
    dp = degp_ref[...]
    deg = dp[0, :, :1] + dp[1, :, :1]
    dinv = jnp.where(deg > 0.0, lax.rsqrt(jnp.maximum(deg, 1.0)), 0.0)
    y_ref[...] = xw_ref[...] * dinv
    dinv_ref[...] = dinv


def _final_body(n_real, accp_ref, dinv_ref, bg_ref, cs_ref, wg_ref, wi_ref, msg_ref, z_ref):
    i = pl.program_id(0)
    a = accp_ref[0] + accp_ref[1]
    msg_ref[...] = a * dinv_ref[...] + bg_ref[...]

    @pl.when(i == 0)
    def _():
        mean = cs_ref[...] * (1.0 / n_real)
        mt = 6.0 * wg_ref[...] + 2.0 * wi_ref[...]
        dn = (((1,), (1,)), ((), ()))
        arow = lax.dot_general(mean, mt, dn, preferred_element_type=jnp.float32)
        g2 = jnp.sum(arow * arow)
        g = jnp.sqrt(g2)
        gs = jnp.maximum(g, 1e-12)
        z_mean = -0.5 * n_real * jnp.sum(mean * arow)
        z_int = n_real * (gs - jnp.log(2.0 * gs) + jnp.log1p(-jnp.exp(-2.0 * gs)))
        z_ref[...] = jnp.broadcast_to(z_mean + z_int, (1, 1))


def kernel(edge_index, batch, sphex, W_g2g, b_g2g, W_intra, b_intra):
    n = sphex.shape[0]
    e = edge_index.shape[1]
    n_pad = _round_up(n, 2048)
    if n_pad == n:
        n_pad += 2048
    e_pad = _round_up(e, 2 * NW * KW * CH)
    grid = n_pad // BLK
    epw = e_pad // NW
    nwin = epw // KW
    nch = nwin // CH

    pad_e = e_pad - e
    ar = jnp.arange(pad_e, dtype=jnp.int32)
    src_p = jnp.concatenate([edge_index[0], ar % n]).reshape(NW, nch, CH, KW)
    dst_p = jnp.concatenate([edge_index[1], n + ar % (n_pad - n)]).reshape(NW, nch, CH, KW)
    sphex_p = jnp.pad(sphex, ((0, n_pad - n), (0, 0)))
    bg2 = b_g2g.reshape(1, D)
    bi2 = b_intra.reshape(1, D)

    sc_deg = _make_sc_deg(n_pad, e_pad)
    sc_edge = _make_sc_edge(n_pad, e_pad)

    degp = sc_deg(dst_p)

    f32 = jnp.float32
    xw, intra, colsum = pl.pallas_call(
        functools.partial(_dense_body, n),
        grid=(grid,),
        in_specs=[
            pl.BlockSpec((BLK, D), lambda i: (i, 0)),
            pl.BlockSpec((D, D), lambda i: (0, 0)),
            pl.BlockSpec((D, D), lambda i: (0, 0)),
            pl.BlockSpec((1, D), lambda i: (0, 0)),
        ],
        out_specs=[
            pl.BlockSpec((BLK, D), lambda i: (i, 0)),
            pl.BlockSpec((BLK, D), lambda i: (i, 0)),
            pl.BlockSpec((1, D), lambda i: (0, 0)),
        ],
        out_shape=[
            jax.ShapeDtypeStruct((n_pad, D), f32),
            jax.ShapeDtypeStruct((n_pad, D), f32),
            jax.ShapeDtypeStruct((1, D), f32),
        ],
    )(sphex_p, W_g2g, W_intra, bi2)

    y, dinv = pl.pallas_call(
        _scale_body,
        grid=(grid,),
        in_specs=[
            pl.BlockSpec((BLK, D), lambda i: (i, 0)),
            pl.BlockSpec((NC, BLK, D), lambda i: (0, i, 0)),
        ],
        out_specs=[
            pl.BlockSpec((BLK, D), lambda i: (i, 0)),
            pl.BlockSpec((BLK, 1), lambda i: (i, 0)),
        ],
        out_shape=[
            jax.ShapeDtypeStruct((n_pad, D), f32),
            jax.ShapeDtypeStruct((n_pad, 1), f32),
        ],
    )(xw, degp)

    accp = sc_edge(y, src_p, dst_p)

    msg, logz = pl.pallas_call(
        functools.partial(_final_body, n),
        grid=(grid,),
        in_specs=[
            pl.BlockSpec((NC, BLK, D), lambda i: (0, i, 0)),
            pl.BlockSpec((BLK, 1), lambda i: (i, 0)),
            pl.BlockSpec((1, D), lambda i: (0, 0)),
            pl.BlockSpec((1, D), lambda i: (0, 0)),
            pl.BlockSpec((D, D), lambda i: (0, 0)),
            pl.BlockSpec((D, D), lambda i: (0, 0)),
        ],
        out_specs=[
            pl.BlockSpec((BLK, D), lambda i: (i, 0)),
            pl.BlockSpec((1, 1), lambda i: (0, 0)),
        ],
        out_shape=[
            jax.ShapeDtypeStruct((n_pad, D), f32),
            jax.ShapeDtypeStruct((1, 1), f32),
        ],
    )(accp, dinv, bg2, colsum, W_g2g, W_intra)

    return msg[:n], intra[:n], logz

# --- scband reference (transcript-rebuilt; emitter-appended) ---
"""Pipeline reference for scband-simcomen-7181185319174 (READ-ONLY COPY).

The authoritative reference and input builder live on the scoring server;
editing this copy changes nothing except your own understanding.
"""

import jax, jax.numpy as jnp
import numpy as np

N_NODES = 10000
N_EDGES = 320000
D = 128
N_NEIGHBORS = 6


def calc_gex(sphex):
    # spherical -> cartesian gene expression (unit-sphere parametrization)
    cos = jnp.cos(sphex)
    sin = jnp.sin(sphex)
    cum = jnp.cumprod(sin, axis=1)
    return jnp.concatenate([cos[:, :1], cos[:, 1:] * cum[:, :-1]], axis=1)


def gcn_conv(x, edge_index, W, b):
    # PyG GCNConv with add_self_loops=False, normalize=True
    n = x.shape[0]
    src = edge_index[0]
    dst = edge_index[1]
    xw = x @ W.T
    deg = jnp.zeros((n,), x.dtype).at[dst].add(1.0)
    dinv = jnp.where(deg > 0, 1.0 / jnp.sqrt(jnp.where(deg > 0, deg, 1.0)), 0.0)
    norm = dinv[src] * dinv[dst]
    out = jnp.zeros_like(xw).at[dst].add(norm[:, None] * xw[src])
    return out + b


def setup_inputs(seed: int = 0):
    key = jax.random.key(seed)
    ks = jax.random.split(key, 6)
    edge_index = jax.random.randint(ks[0], (2, N_EDGES), 0, N_NODES, dtype=jnp.int32)
    batch = jnp.zeros((N_NODES,), dtype=jnp.int32)
    sphex = jax.random.normal(ks[1], (N_NODES, D), dtype=jnp.float32)
    W_g2g = jax.random.normal(ks[2], (D, D), dtype=jnp.float32) * 0.05
    b_g2g = jnp.zeros((D,), dtype=jnp.float32)
    W_intra = jax.random.normal(ks[3], (D, D), dtype=jnp.float32) * 0.05
    b_intra = jnp.zeros((D,), dtype=jnp.float32)
    return {"edge_index": edge_index, "batch": batch, "sphex": sphex,
            "W_g2g": W_g2g, "b_g2g": b_g2g, "W_intra": W_intra, "b_intra": b_intra}


def reference(edge_index, batch, sphex, W_g2g, b_g2g, W_intra, b_intra):
    gex = calc_gex(sphex)
    # G2G message passing (GCNConv)
    msg = gcn_conv(gex, edge_index, W_g2g, b_g2g)
    # intracellular regulation (Linear)
    msg_intra = gex @ W_intra.T + b_intra
    # MFT log partition function
    num_spots = gex.shape[0]
    mean_genes = jnp.mean(gex, axis=0).reshape(-1, 1)
    g = jnp.linalg.norm((N_NEIGHBORS * W_g2g + 2.0 * W_intra) @ mean_genes)
    z_mean = -num_spots * (mean_genes.T @ (W_intra + 0.5 * N_NEIGHBORS * W_g2g) @ mean_genes)
    # z_interaction: num_spots * log(sinh(g)/g), computed stably as g - log(2g) + log1p(-exp(-2g))
    g_safe = jnp.maximum(g, 1e-12)
    z_interaction = num_spots * (g_safe - jnp.log(2.0 * g_safe) + jnp.log1p(-jnp.exp(-2.0 * g_safe)))
    log_z_mft = z_mean + z_interaction
    return (msg, msg_intra, log_z_mft)

if __name__ == "__main__":
    import jax
    _d = setup_inputs()
    print(jax.jit(kernel)(*tuple(_d.values())))

</pallas_src>

<mosaic_0001>
#map = affine_map<(d0, d1) -> (0, 0, 0, 0)>
#map1 = affine_map<(d0, d1) -> (0, 0, 0)>
module attributes {stable_mosaic.version = 14 : i64} {
  func.func @deg_kernel(%arg0: i32, %arg1: i32, %arg2: memref<32x10x8x128xi32, #tpu.memory_space<hbm>>, %arg3: memref<2x10240x128xf32, #tpu.memory_space<hbm>>, %arg4: memref<10240x128xf32, #tpu.memory_space<vmem_shared>>, %arg5: memref<10x8x128xi32, #tpu.memory_space<vmem>>, %arg6: memref<128x128xf32, #tpu.memory_space<vmem>>, %arg7: memref<!tpu.dma_semaphore, #tpu.memory_space<semaphore_mem>>) attributes {dimension_semantics = [#tpu.dimension_semantics<core_parallel>, #tpu.dimension_semantics<subcore_parallel>], iteration_bounds = array<i64: 2, 16>, scalar_prefetch = 0 : i64, scratch_operands = 4 : i64, tpu.core_type = #tpu.core_type<sc_vector_subcore>, window_params = [{transform_indices = #map}, {transform_indices = #map1}]} {
    %mul3A = arith.constant 2 : i32
    %mul3A_0 = arith.muli %arg1, %mul3A : i32
    %add3A = arith.addi %mul3A_0, %arg0 : i32
    "tpu.region"() ({
      %run_scoped3A = tpu.sem_alloc : memref<!tpu.dma_semaphore, #tpu.memory_space<semaphore_mem>>
      %dma_start3A = arith.constant 0 : i32
      %dma_start3A_33 = arith.constant 0 : i32
      %dma_start3A_34 = arith.constant 0 : i32
      %dma_start3A_35 = tpu.memref_slice %arg2[%add3A, %dma_start3A, %dma_start3A_33, %dma_start3A_34] : memref<32x10x8x128xi32, #tpu.memory_space<hbm>> -> memref<1x10x8x128xi32, #tpu.memory_space<hbm>>
      %dma_start3A_36 = tpu.memref_squeeze %dma_start3A_35 : memref<1x10x8x128xi32, #tpu.memory_space<hbm>> -> memref<10x8x128xi32, #tpu.memory_space<hbm>>
      %dma_start3A_37 = arith.constant 0 : i32
      %dma_start3A_38 = arith.constant 0 : i32
      %dma_start3A_39 = arith.constant 0 : i32
      %dma_start3A_40 = tpu.memref_slice %arg2[%add3A, %dma_start3A_37, %dma_start3A_38, %dma_start3A_39] : memref<32x10x8x128xi32, #tpu.memory_space<hbm>> -> memref<1x10x8x128xi32, #tpu.memory_space<hbm>>
      %dma_start3A_41 = tpu.memref_squeeze %dma_start3A_40 : memref<1x10x8x128xi32, #tpu.memory_space<hbm>> -> memref<10x8x128xi32, #tpu.memory_space<hbm>>
      tpu.enqueue_dma source(%dma_start3A_41 : memref<10x8x128xi32, #tpu.memory_space<hbm>>) target(%arg5 : memref<10x8x128xi32, #tpu.memory_space<vmem>>) target_semaphore(%run_scoped3A : memref<!tpu.dma_semaphore, #tpu.memory_space<semaphore_mem>>)
      %dma_wait3A = arith.constant 0 : i32
      %dma_wait3A_42 = arith.constant 0 : i32
      %dma_wait3A_43 = arith.constant 0 : i32
      %dma_wait3A_44 = tpu.memref_slice %arg2[%add3A, %dma_wait3A, %dma_wait3A_42, %dma_wait3A_43] : memref<32x10x8x128xi32, #tpu.memory_space<hbm>> -> memref<1x10x8x128xi32, #tpu.memory_space<hbm>>
      %dma_wait3A_45 = tpu.memref_squeeze %dma_wait3A_44 : memref<1x10x8x128xi32, #tpu.memory_space<hbm>> -> memref<10x8x128xi32, #tpu.memory_space<hbm>>
      %dma_wait3A_46 = arith.constant 0 : i32
      %dma_wait3A_47 = arith.constant 0 : i32
      %dma_wait3A_48 = arith.constant 0 : i32
      %dma_wait3A_49 = tpu.memref_slice %arg2[%add3A, %dma_wait3A_46, %dma_wait3A_47, %dma_wait3A_48] : memref<32x10x8x128xi32, #tpu.memory_space<hbm>> -> memref<1x10x8x128xi32, #tpu.memory_space<hbm>>
      %dma_wait3A_50 = tpu.memref_squeeze %dma_wait3A_49 : memref<1x10x8x128xi32, #tpu.memory_space<hbm>> -> memref<10x8x128xi32, #tpu.memory_space<hbm>>
      tpu.wait_dma2 semaphore(%run_scoped3A : memref<!tpu.dma_semaphore, #tpu.memory_space<semaphore_mem>>) src(%dma_wait3A_50 : memref<10x8x128xi32, #tpu.memory_space<hbm>>) dst(%arg5 : memref<10x8x128xi32, #tpu.memory_space<vmem>>)
      tpu.yield
    }) : () -> ()
    %scan3A = arith.constant 0 : i32
    %scan3A_1 = arith.constant 0 : i32
    %scan3A_2 = arith.constant 1024 : i32
    %scan3A_3 = arith.addi %scan3A_1, %scan3A_2 : i32
    %scan3A_4 = arith.constant 1 : i32
    %scan3A_5 = scf.for %scan3A_33 = %scan3A_1 to %scan3A_3 step %scan3A_4 iter_args(%scan3A_34 = %scan3A) -> (i32)  : i32 {
      %broadcast_in_dim3A = arith.constant 0.000000e+00 : f32
      %broadcast_in_dim3A_35 = vector.broadcast %broadcast_in_dim3A : f32 to vector<16xf32>
      %jit3A = arith.constant 8 : i32
      %div3A = arith.divsi %scan3A_33, %jit3A : i32
      %sign3A = arith.constant 0 : i32
      %sign3A_36 = arith.cmpi sgt, %scan3A_33, %sign3A : i32
      %sign3A_37 = arith.extui %sign3A_36 : i1 to i32
      %sign3A_38 = arith.constant 0 : i32
      %sign3A_39 = arith.cmpi slt, %scan3A_33, %sign3A_38 : i32
      %sign3A_40 = arith.extui %sign3A_39 : i1 to i32
      %sign3A_41 = arith.subi %sign3A_37, %sign3A_40 : i32
      %sign3A_42 = arith.constant 0 : i32
      %sign3A_43 = arith.cmpi sgt, %jit3A, %sign3A_42 : i32
      %sign3A_44 = arith.extui %sign3A_43 : i1 to i32
      %sign3A_45 = arith.constant 0 : i32
      %sign3A_46 = arith.cmpi slt, %jit3A, %sign3A_45 : i32
      %sign3A_47 = arith.extui %sign3A_46 : i1 to i32
      %sign3A_48 = arith.subi %sign3A_44, %sign3A_47 : i32
      %ne3A = arith.cmpi ne, %sign3A_41, %sign3A_48 : i32
      %rem3A = arith.remsi %scan3A_33, %jit3A : i32
      %ne3A_49 = arith.constant 0 : i32
      %ne3A_50 = arith.cmpi ne, %rem3A, %ne3A_49 : i32
      %and3A = arith.andi %ne3A, %ne3A_50 : i1
      %sub3A = arith.constant 1 : i32
      %sub3A_51 = arith.subi %div3A, %sub3A : i32
      %select_n3A = arith.select %and3A, %sub3A_51, %div3A : i32
      %jit3A_52 = arith.constant 8 : i32
      %eq3A = arith.constant 0 : i32
      %eq3A_53 = arith.cmpi eq, %jit3A_52, %eq3A : i32
      %jit3A_54 = arith.constant 1 : i32
      %select_n3A_55 = arith.select %eq3A_53, %jit3A_54, %jit3A_52 : i32
      %rem3A_56 = arith.remsi %scan3A_33, %select_n3A_55 : i32
      %ne3A_57 = arith.constant 0 : i32
      %ne3A_58 = arith.cmpi ne, %rem3A_56, %ne3A_57 : i32
      %lt3A = arith.constant 0 : i32
      %lt3A_59 = arith.cmpi slt, %rem3A_56, %lt3A : i32
      %lt3A_60 = arith.constant 0 : i32
      %lt3A_61 = arith.cmpi slt, %select_n3A_55, %lt3A_60 : i32
      %ne3A_62 = arith.xori %lt3A_59, %lt3A_61 : i1
      %and3A_63 = arith.andi %ne3A_62, %ne3A_58 : i1
      %add3A_64 = arith.addi %rem3A_56, %select_n3A_55 : i32
      %select_n3A_65 = arith.select %and3A_63, %add3A_64, %rem3A_56 : i32
      %mul3A_66 = arith.constant 16 : i32
      %mul3A_67 = arith.muli %select_n3A_65, %mul3A_66 : i32
      %swap3A = arith.index_cast %select_n3A : i32 to index
      %swap3A_68 = arith.index_cast %mul3A_67 : i32 to index
      %swap3A_69 = tpu.vector_load %arg6[%swap3A, %swap3A_68] {strides = array<i32>} : memref<128x128xf32, #tpu.memory_space<vmem>>, vector<1x16xf32>,
      %swap3A_70 = vector.shape_cast %swap3A_69 : vector<1x16xf32> to vector<16xf32>
      %swap3A_71 = vector.shape_cast %broadcast_in_dim3A_35 : vector<16xf32> to vector<1x16xf32>
      tpu.vector_store %arg6[%swap3A, %swap3A_68], %swap3A_71 {strides = array<i32>} : memref<128x128xf32, #tpu.memory_space<vmem>>, vector<1x16xf32>,
      %scan3A_72 = arith.constant 0 : i32
      scf.yield %scan3A_72 : i32
    }
    %scan3A_6 = arith.constant 1024 : i32
    %scan3A_7 = arith.constant 0 : i32
    %scan3A_8 = arith.constant 0 : i32
    %scan3A_9 = arith.constant 5 : i32
    %scan3A_10 = arith.addi %scan3A_8, %scan3A_9 : i32
    %scan3A_11 = arith.constant 1 : i32
    %scan3A_12 = scf.for %scan3A_33 = %scan3A_8 to %scan3A_10 step %scan3A_11 iter_args(%scan3A_34 = %scan3A_7) -> (i32)  : i32 {
      %mul3A_35 = arith.constant 640 : i32
      %mul3A_36 = arith.muli %arg1, %mul3A_35 : i32
      %mul3A_37 = arith.constant 128 : i32
      %mul3A_38 = arith.muli %scan3A_33, %mul3A_37 : i32
      %add3A_39 = arith.addi %mul3A_36, %mul3A_38 : i32
      "tpu.region"() ({
        %run_scoped3A = tpu.sem_alloc : memref<!tpu.dma_semaphore, #tpu.memory_space<semaphore_mem>>
        %dma_start3A = arith.constant 0 : i32
        %dma_start3A_41 = tpu.memref_slice %arg4[%add3A_39, %dma_start3A] : memref<10240x128xf32, #tpu.memory_space<vmem_shared>> -> memref<128x128xf32, #tpu.memory_space<vmem_shared>>
        %dma_start3A_42 = arith.constant 0 : i32
        %dma_start3A_43 = tpu.memref_slice %arg4[%add3A_39, %dma_start3A_42] : memref<10240x128xf32, #tpu.memory_space<vmem_shared>> -> memref<128x128xf32, #tpu.memory_space<vmem_shared>>
        tpu.enqueue_dma source(%arg6 : memref<128x128xf32, #tpu.memory_space<vmem>>) target(%dma_start3A_43 : memref<128x128xf32, #tpu.memory_space<vmem_shared>>) target_semaphore(%run_scoped3A : memref<!tpu.dma_semaphore, #tpu.memory_space<semaphore_mem>>)
        %dma_wait3A = arith.constant 0 : i32
        %dma_wait3A_44 = tpu.memref_slice %arg4[%add3A_39, %dma_wait3A] : memref<10240x128xf32, #tpu.memory_space<vmem_shared>> -> memref<128x128xf32, #tpu.memory_space<vmem_shared>>
        %dma_wait3A_45 = arith.constant 0 : i32
        %dma_wait3A_46 = tpu.memref_slice %arg4[%add3A_39, %dma_wait3A_45] : memref<10240x128xf32, #tpu.memory_space<vmem_shared>> -> memref<128x128xf32, #tpu.memory_space<vmem_shared>>
        tpu.wait_dma2 semaphore(%run_scoped3A : memref<!tpu.dma_semaphore, #tpu.memory_space<semaphore_mem>>) src(%arg6 : memref<128x128xf32, #tpu.memory_space<vmem>>) dst(%dma_wait3A_46 : memref<128x128xf32, #tpu.memory_space<vmem_shared>>)
        tpu.yield
      }) : () -> ()
      %scan3A_40 = arith.constant 0 : i32
      scf.yield %scan3A_40 : i32
    }
    %scan3A_13 = arith.constant 5 : i32
    %scan3A_14 = arith.constant 0 : i32
    %scan3A_15 = arith.constant 0 : i32
    %scan3A_16 = arith.constant 1024 : i32
    %scan3A_17 = arith.addi %scan3A_15, %scan3A_16 : i32
    %scan3A_18 = arith.constant 1 : i32
    %scan3A_19 = scf.for %scan3A_33 = %scan3A_15 to %scan3A_17 step %scan3A_18 iter_args(%scan3A_34 = %scan3A_14) -> (i32)  : i32 {
      %broadcast_in_dim3A = arith.constant 1.000000e+00 : f32
      %broadcast_in_dim3A_35 = vector.broadcast %broadcast_in_dim3A : f32 to vector<16xf32>
      %jit3A = arith.constant 8 : i32
      %div3A = arith.divsi %scan3A_33, %jit3A : i32
      %sign3A = arith.constant 0 : i32
      %sign3A_36 = arith.cmpi sgt, %scan3A_33, %sign3A : i32
      %sign3A_37 = arith.extui %sign3A_36 : i1 to i32
      %sign3A_38 = arith.constant 0 : i32
      %sign3A_39 = arith.cmpi slt, %scan3A_33, %sign3A_38 : i32
      %sign3A_40 = arith.extui %sign3A_39 : i1 to i32
      %sign3A_41 = arith.subi %sign3A_37, %sign3A_40 : i32
      %sign3A_42 = arith.constant 0 : i32
      %sign3A_43 = arith.cmpi sgt, %jit3A, %sign3A_42 : i32
      %sign3A_44 = arith.extui %sign3A_43 : i1 to i32
      %sign3A_45 = arith.constant 0 : i32
      %sign3A_46 = arith.cmpi slt, %jit3A, %sign3A_45 : i32
      %sign3A_47 = arith.extui %sign3A_46 : i1 to i32
      %sign3A_48 = arith.subi %sign3A_44, %sign3A_47 : i32
      %ne3A = arith.cmpi ne, %sign3A_41, %sign3A_48 : i32
      %rem3A = arith.remsi %scan3A_33, %jit3A : i32
      %ne3A_49 = arith.constant 0 : i32
      %ne3A_50 = arith.cmpi ne, %rem3A, %ne3A_49 : i32
      %and3A = arith.andi %ne3A, %ne3A_50 : i1
      %sub3A = arith.constant 1 : i32
      %sub3A_51 = arith.subi %div3A, %sub3A : i32
      %select_n3A = arith.select %and3A, %sub3A_51, %div3A : i32
      %jit3A_52 = arith.constant 8 : i32
      %eq3A = arith.constant 0 : i32
      %eq3A_53 = arith.cmpi eq, %jit3A_52, %eq3A : i32
      %jit3A_54 = arith.constant 1 : i32
      %select_n3A_55 = arith.select %eq3A_53, %jit3A_54, %jit3A_52 : i32
      %rem3A_56 = arith.remsi %scan3A_33, %select_n3A_55 : i32
      %ne3A_57 = arith.constant 0 : i32
      %ne3A_58 = arith.cmpi ne, %rem3A_56, %ne3A_57 : i32
      %lt3A = arith.constant 0 : i32
      %lt3A_59 = arith.cmpi slt, %rem3A_56, %lt3A : i32
      %lt3A_60 = arith.constant 0 : i32
      %lt3A_61 = arith.cmpi slt, %select_n3A_55, %lt3A_60 : i32
      %ne3A_62 = arith.xori %lt3A_59, %lt3A_61 : i1
      %and3A_63 = arith.andi %ne3A_62, %ne3A_58 : i1
      %add3A_64 = arith.addi %rem3A_56, %select_n3A_55 : i32
      %select_n3A_65 = arith.select %and3A_63, %add3A_64, %rem3A_56 : i32
      %mul3A_66 = arith.constant 16 : i32
      %mul3A_67 = arith.muli %select_n3A_65, %mul3A_66 : i32
      %swap3A = arith.index_cast %select_n3A : i32 to index
      %swap3A_68 = arith.index_cast %mul3A_67 : i32 to index
      %swap3A_69 = tpu.vector_load %arg6[%swap3A, %swap3A_68] {strides = array<i32>} : memref<128x128xf32, #tpu.memory_space<vmem>>, vector<1x16xf32>,
      %swap3A_70 = vector.shape_cast %swap3A_69 : vector<1x16xf32> to vector<16xf32>
      %swap3A_71 = vector.shape_cast %broadcast_in_dim3A_35 : vector<16xf32> to vector<1x16xf32>
      tpu.vector_store %arg6[%swap3A, %swap3A_68], %swap3A_71 {strides = array<i32>} : memref<128x128xf32, #tpu.memory_space<vmem>>, vector<1x16xf32>,
      %scan3A_72 = arith.constant 0 : i32
      scf.yield %scan3A_72 : i32
    }
    %scan3A_20 = arith.constant 1024 : i32
    %barrier3A = arith.constant 0 : index
    tpu.barrier barrier_id(%barrier3A)
    %scan3A_21 = arith.constant 0 : i32
    %scan3A_22 = arith.constant 0 : i32
    %scan3A_23 = arith.constant 10 : i32
    %scan3A_24 = arith.addi %scan3A_22, %scan3A_23 : i32
    %scan3A_25 = arith.constant 1 : i32
    %scan3A_26 = scf.for %scan3A_33 = %scan3A_22 to %scan3A_24 step %scan3A_25 iter_args(%scan3A_34 = %scan3A_21) -> (i32)  : i32 {
      %dma_start3A = arith.constant 0 : i32
      %dma_start3A_35 = arith.constant 0 : i32
      %dma_start3A_36 = tpu.memref_slice %arg5[%scan3A_33, %dma_start3A, %dma_start3A_35] : memref<10x8x128xi32, #tpu.memory_space<vmem>> -> memref<1x1x128xi32, #tpu.memory_space<vmem>>
      %dma_start3A_37 = tpu.memref_squeeze %dma_start3A_36 : memref<1x1x128xi32, #tpu.memory_space<vmem>> -> memref<128xi32, #tpu.memory_space<vmem>>
      %dma_start3A_38 = arith.constant 0 : i32
      %dma_start3A_39 = arith.constant 0 : i32
      %dma_start3A_40 = tpu.memref_slice %arg4[%dma_start3A_38, %dma_start3A_39] : memref<10240x128xf32, #tpu.memory_space<vmem_shared>> -> memref<10240x128xf32, #tpu.memory_space<vmem_shared>>
      tpu.enqueue_indirect_dma source(%arg6 : memref<128x128xf32, #tpu.memory_space<vmem>>) target(%dma_start3A_40 : memref<10240x128xf32, #tpu.memory_space<vmem_shared>>) offsets(%dma_start3A_37 : memref<128xi32, #tpu.memory_space<vmem>>) semaphore(%arg7 : memref<!tpu.dma_semaphore, #tpu.memory_space<semaphore_mem>>) {add = true}
      %dma_start3A_41 = arith.constant 1 : i32
      %dma_start3A_42 = arith.constant 0 : i32
      %dma_start3A_43 = tpu.memref_slice %arg5[%scan3A_33, %dma_start3A_41, %dma_start3A_42] : memref<10x8x128xi32, #tpu.memory_space<vmem>> -> memref<1x1x128xi32, #tpu.memory_space<vmem>>
      %dma_start3A_44 = tpu.memref_squeeze %dma_start3A_43 : memref<1x1x128xi32, #tpu.memory_space<vmem>> -> memref<128xi32, #tpu.memory_space<vmem>>
      %dma_start3A_45 = arith.constant 0 : i32
      %dma_start3A_46 = arith.constant 0 : i32
      %dma_start3A_47 = tpu.memref_slice %arg4[%dma_start3A_45, %dma_start3A_46] : memref<10240x128xf32, #tpu.memory_space<vmem_shared>> -> memref<10240x128xf32, #tpu.memory_space<vmem_shared>>
      tpu.enqueue_indirect_dma source(%arg6 : memref<128x128xf32, #tpu.memory_space<vmem>>) target(%dma_start3A_47 : memref<10240x128xf32, #tpu.memory_space<vmem_shared>>) offsets(%dma_start3A_44 : memref<128xi32, #tpu.memory_space<vmem>>) semaphore(%arg7 : memref<!tpu.dma_semaphore, #tpu.memory_space<semaphore_mem>>) {add = true}
      %dma_start3A_48 = arith.constant 2 : i32
      %dma_start3A_49 = arith.constant 0 : i32
      %dma_start3A_50 = tpu.memref_slice %arg5[%scan3A_33, %dma_start3A_48, %dma_start3A_49] : memref<10x8x128xi32, #tpu.memory_space<vmem>> -> memref<1x1x128xi32, #tpu.memory_space<vmem>>
      %dma_start3A_51 = tpu.memref_squeeze %dma_start3A_50 : memref<1x1x128xi32, #tpu.memory_space<vmem>> -> memref<128xi32, #tpu.memory_space<vmem>>
      %dma_start3A_52 = arith.constant 0 : i32
      %dma_start3A_53 = arith.constant 0 : i32
      %dma_start3A_54 = tpu.memref_slice %arg4[%dma_start3A_52, %dma_start3A_53] : memref<10240x128xf32, #tpu.memory_space<vmem_shared>> -> memref<10240x128xf32, #tpu.memory_space<vmem_shared>>
      tpu.enqueue_indirect_dma source(%arg6 : memref<128x128xf32, #tpu.memory_space<vmem>>) target(%dma_start3A_54 : memref<10240x128xf32, #tpu.memory_space<vmem_shared>>) offsets(%dma_start3A_51 : memref<128xi32, #tpu.memory_space<vmem>>) semaphore(%arg7 : memref<!tpu.dma_semaphore, #tpu.memory_space<semaphore_mem>>) {add = true}
      %dma_start3A_55 = arith.constant 3 : i32
      %dma_start3A_56 = arith.constant 0 : i32
      %dma_start3A_57 = tpu.memref_slice %arg5[%scan3A_33, %dma_start3A_55, %dma_start3A_56] : memref<10x8x128xi32, #tpu.memory_space<vmem>> -> memref<1x1x128xi32, #tpu.memory_space<vmem>>
      %dma_start3A_58 = tpu.memref_squeeze %dma_start3A_57 : memref<1x1x128xi32, #tpu.memory_space<vmem>> -> memref<128xi32, #tpu.memory_space<vmem>>
      %dma_start3A_59 = arith.constant 0 : i32
      %dma_start3A_60 = arith.constant 0 : i32
      %dma_start3A_61 = tpu.memref_slice %arg4[%dma_start3A_59, %dma_start3A_60] : memref<10240x128xf32, #tpu.memory_space<vmem_shared>> -> memref<10240x128xf32, #tpu.memory_space<vmem_shared>>
      tpu.enqueue_indirect_dma source(%arg6 : memref<128x128xf32, #tpu.memory_space<vmem>>) target(%dma_start3A_61 : memref<10240x128xf32, #tpu.memory_space<vmem_shared>>) offsets(%dma_start3A_58 : memref<128xi32, #tpu.memory_space<vmem>>) semaphore(%arg7 : memref<!tpu.dma_semaphore, #tpu.memory_space<semaphore_mem>>) {add = true}
      %dma_start3A_62 = arith.constant 4 : i32
      %dma_start3A_63 = arith.constant 0 : i32
      %dma_start3A_64 = tpu.memref_slice %arg5[%scan3A_33, %dma_start3A_62, %dma_start3A_63] : memref<10x8x128xi32, #tpu.memory_space<vmem>> -> memref<1x1x128xi32, #tpu.memory_space<vmem>>
      %dma_start3A_65 = tpu.memref_squeeze %dma_start3A_64 : memref<1x1x128xi32, #tpu.memory_space<vmem>> -> memref<128xi32, #tpu.memory_space<vmem>>
      %dma_start3A_66 = arith.constant 0 : i32
      %dma_start3A_67 = arith.constant 0 : i32
      %dma_start3A_68 = tpu.memref_slice %arg4[%dma_start3A_66, %dma_start3A_67] : memref<10240x128xf32, #tpu.memory_space<vmem_shared>> -> memref<10240x128xf32, #tpu.memory_space<vmem_shared>>
      tpu.enqueue_indirect_dma source(%arg6 : memref<128x128xf32, #tpu.memory_space<vmem>>) target(%dma_start3A_68 : memref<10240x128xf32, #tpu.memory_space<vmem_shared>>) offsets(%dma_start3A_65 : memref<128xi32, #tpu.memory_space<vmem>>) semaphore(%arg7 : memref<!tpu.dma_semaphore, #tpu.memory_space<semaphore_mem>>) {add = true}
      %dma_start3A_69 = arith.constant 5 : i32
      %dma_start3A_70 = arith.constant 0 : i32
      %dma_start3A_71 = tpu.memref_slice %arg5[%scan3A_33, %dma_start3A_69, %dma_start3A_70] : memref<10x8x128xi32, #tpu.memory_space<vmem>> -> memref<1x1x128xi32, #tpu.memory_space<vmem>>
      %dma_start3A_72 = tpu.memref_squeeze %dma_start3A_71 : memref<1x1x128xi32, #tpu.memory_space<vmem>> -> memref<128xi32, #tpu.memory_space<vmem>>
      %dma_start3A_73 = arith.constant 0 : i32
      %dma_start3A_74 = arith.constant 0 : i32
      %dma_start3A_75 = tpu.memref_slice %arg4[%dma_start3A_73, %dma_start3A_74] : memref<10240x128xf32, #tpu.memory_space<vmem_shared>> -> memref<10240x128xf32, #tpu.memory_space<vmem_shared>>
      tpu.enqueue_indirect_dma source(%arg6 : memref<128x128xf32, #tpu.memory_space<vmem>>) target(%dma_start3A_75 : memref<10240x128xf32, #tpu.memory_space<vmem_shared>>) offsets(%dma_start3A_72 : memref<128xi32, #tpu.memory_space<vmem>>) semaphore(%arg7 : memref<!tpu.dma_semaphore, #tpu.memory_space<semaphore_mem>>) {add = true}
      %dma_start3A_76 = arith.constant 6 : i32
      %dma_start3A_77 = arith.constant 0 : i32
      %dma_start3A_78 = tpu.memref_slice %arg5[%scan3A_33, %dma_start3A_76, %dma_start3A_77] : memref<10x8x128xi32, #tpu.memory_space<vmem>> -> memref<1x1x128xi32, #tpu.memory_space<vmem>>
      %dma_start3A_79 = tpu.memref_squeeze %dma_start3A_78 : memref<1x1x128xi32, #tpu.memory_space<vmem>> -> memref<128xi32, #tpu.memory_space<vmem>>
      %dma_start3A_80 = arith.constant 0 : i32
      %dma_start3A_81 = arith.constant 0 : i32
      %dma_start3A_82 = tpu.memref_slice %arg4[%dma_start3A_80, %dma_start3A_81] : memref<10240x128xf32, #tpu.memory_space<vmem_shared>> -> memref<10240x128xf32, #tpu.memory_space<vmem_shared>>
      tpu.enqueue_indirect_dma source(%arg6 : memref<128x128xf32, #tpu.memory_space<vmem>>) target(%dma_start3A_82 : memref<10240x128xf32, #tpu.memory_space<vmem_shared>>) offsets(%dma_start3A_79 : memref<128xi32, #tpu.memory_space<vmem>>) semaphore(%arg7 : memref<!tpu.dma_semaphore, #tpu.memory_space<semaphore_mem>>) {add = true}
      %dma_start3A_83 = arith.constant 7 : i32
      %dma_start3A_84 = arith.constant 0 : i32
      %dma_start3A_85 = tpu.memref_slice %arg5[%scan3A_33, %dma_start3A_83, %dma_start3A_84] : memref<10x8x128xi32, #tpu.memory_space<vmem>> -> memref<1x1x128xi32, #tpu.memory_space<vmem>>
      %dma_start3A_86 = tpu.memref_squeeze %dma_start3A_85 : memref<1x1x128xi32, #tpu.memory_space<vmem>> -> memref<128xi32, #tpu.memory_space<vmem>>
      %dma_start3A_87 = arith.constant 0 : i32
      %dma_start3A_88 = arith.constant 0 : i32
      %dma_start3A_89 = tpu.memref_slice %arg4[%dma_start3A_87, %dma_start3A_88] : memref<10240x128xf32, #tpu.memory_space<vmem_shared>> -> memref<10240x128xf32, #tpu.memory_space<vmem_shared>>
      tpu.enqueue_indirect_dma source(%arg6 : memref<128x128xf32, #tpu.memory_space<vmem>>) target(%dma_start3A_89 : memref<10240x128xf32, #tpu.memory_space<vmem_shared>>) offsets(%dma_start3A_86 : memref<128xi32, #tpu.memory_space<vmem>>) semaphore(%arg7 : memref<!tpu.dma_semaphore, #tpu.memory_space<semaphore_mem>>) {add = true}
      %dma_wait3A = arith.constant 0 : i32
      %dma_wait3A_90 = arith.constant 0 : i32
      %dma_wait3A_91 = tpu.memref_slice %arg5[%scan3A_33, %dma_wait3A, %dma_wait3A_90] : memref<10x8x128xi32, #tpu.memory_space<vmem>> -> memref<1x1x128xi32, #tpu.memory_space<vmem>>
      %dma_wait3A_92 = tpu.memref_squeeze %dma_wait3A_91 : memref<1x1x128xi32, #tpu.memory_space<vmem>> -> memref<128xi32, #tpu.memory_space<vmem>>
      %dma_wait3A_93 = arith.constant 0 : i32
      %dma_wait3A_94 = arith.constant 0 : i32
      %dma_wait3A_95 = tpu.memref_slice %arg4[%dma_wait3A_93, %dma_wait3A_94] : memref<10240x128xf32, #tpu.memory_space<vmem_shared>> -> memref<10240x128xf32, #tpu.memory_space<vmem_shared>>
      tpu.wait_indirect_dma semaphore(%arg7 : memref<!tpu.dma_semaphore, #tpu.memory_space<semaphore_mem>>) src(%arg6 : memref<128x128xf32, #tpu.memory_space<vmem>>) dst(%dma_wait3A_95 : memref<10240x128xf32, #tpu.memory_space<vmem_shared>>)
      %dma_wait3A_96 = arith.constant 1 : i32
      %dma_wait3A_97 = arith.constant 0 : i32
      %dma_wait3A_98 = tpu.memref_slice %arg5[%scan3A_33, %dma_wait3A_96, %dma_wait3A_97] : memref<10x8x128xi32, #tpu.memory_space<vmem>> -> memref<1x1x128xi32, #tpu.memory_space<vmem>>
      %dma_wait3A_99 = tpu.memref_squeeze %dma_wait3A_98 : memref<1x1x128xi32, #tpu.memory_space<vmem>> -> memref<128xi32, #tpu.memory_space<vmem>>
      %dma_wait3A_100 = arith.constant 0 : i32
      %dma_wait3A_101 = arith.constant 0 : i32
      %dma_wait3A_102 = tpu.memref_slice %arg4[%dma_wait3A_100, %dma_wait3A_101] : memref<10240x128xf32, #tpu.memory_space<vmem_shared>> -> memref<10240x128xf32, #tpu.memory_space<vmem_shared>>
      tpu.wait_indirect_dma semaphore(%arg7 : memref<!tpu.dma_semaphore, #tpu.memory_space<semaphore_mem>>) src(%arg6 : memref<128x128xf32, #tpu.memory_space<vmem>>) dst(%dma_wait3A_102 : memref<10240x128xf32, #tpu.memory_space<vmem_shared>>)
      %dma_wait3A_103 = arith.constant 2 : i32
      %dma_wait3A_104 = arith.constant 0 : i32
      %dma_wait3A_105 = tpu.memref_slice %arg5[%scan3A_33, %dma_wait3A_103, %dma_wait3A_104] : memref<10x8x128xi32, #tpu.memory_space<vmem>> -> memref<1x1x128xi32, #tpu.memory_space<vmem>>
      %dma_wait3A_106 = tpu.memref_squeeze %dma_wait3A_105 : memref<1x1x128xi32, #tpu.memory_space<vmem>> -> memref<128xi32, #tpu.memory_space<vmem>>
      %dma_wait3A_107 = arith.constant 0 : i32
      %dma_wait3A_108 = arith.constant 0 : i32
      %dma_wait3A_109 = tpu.memref_slice %arg4[%dma_wait3A_107, %dma_wait3A_108] : memref<10240x128xf32, #tpu.memory_space<vmem_shared>> -> memref<10240x128xf32, #tpu.memory_space<vmem_shared>>
      tpu.wait_indirect_dma semaphore(%arg7 : memref<!tpu.dma_semaphore, #tpu.memory_space<semaphore_mem>>) src(%arg6 : memref<128x128xf32, #tpu.memory_space<vmem>>) dst(%dma_wait3A_109 : memref<10240x128xf32, #tpu.memory_space<vmem_shared>>)
      %dma_wait3A_110 = arith.constant 3 : i32
      %dma_wait3A_111 = arith.constant 0 : i32
      %dma_wait3A_112 = tpu.memref_slice %arg5[%scan3A_33, %dma_wait3A_110, %dma_wait3A_111] : memref<10x8x128xi32, #tpu.memory_space<vmem>> -> memref<1x1x128xi32, #tpu.memory_space<vmem>>
      %dma_wait3A_113 = tpu.memref_squeeze %dma_wait3A_112 : memref<1x1x128xi32, #tpu.memory_space<vmem>> -> memref<128xi32, #tpu.memory_space<vmem>>
      %dma_wait3A_114 = arith.constant 0 : i32
      %dma_wait3A_115 = arith.constant 0 : i32
      %dma_wait3A_116 = tpu.memref_slice %arg4[%dma_wait3A_114, %dma_wait3A_115] : memref<10240x128xf32, #tpu.memory_space<vmem_shared>> -> memref<10240x128xf32, #tpu.memory_space<vmem_shared>>
      tpu.wait_indirect_dma semaphore(%arg7 : memref<!tpu.dma_semaphore, #tpu.memory_space<semaphore_mem>>) src(%arg6 : memref<128x128xf32, #tpu.memory_space<vmem>>) dst(%dma_wait3A_116 : memref<10240x128xf32, #tpu.memory_space<vmem_shared>>)
      %dma_wait3A_117 = arith.constant 4 : i32
      %dma_wait3A_118 = arith.constant 0 : i32
      %dma_wait3A_119 = tpu.memref_slice %arg5[%scan3A_33, %dma_wait3A_117, %dma_wait3A_118] : memref<10x8x128xi32, #tpu.memory_space<vmem>> -> memref<1x1x128xi32, #tpu.memory_space<vmem>>
      %dma_wait3A_120 = tpu.memref_squeeze %dma_wait3A_119 : memref<1x1x128xi32, #tpu.memory_space<vmem>> -> memref<128xi32, #tpu.memory_space<vmem>>
      %dma_wait3A_121 = arith.constant 0 : i32
      %dma_wait3A_122 = arith.constant 0 : i32
      %dma_wait3A_123 = tpu.memref_slice %arg4[%dma_wait3A_121, %dma_wait3A_122] : memref<10240x128xf32, #tpu.memory_space<vmem_shared>> -> memref<10240x128xf32, #tpu.memory_space<vmem_shared>>
      tpu.wait_indirect_dma semaphore(%arg7 : memref<!tpu.dma_semaphore, #tpu.memory_space<semaphore_mem>>) src(%arg6 : memref<128x128xf32, #tpu.memory_space<vmem>>) dst(%dma_wait3A_123 : memref<10240x128xf32, #tpu.memory_space<vmem_shared>>)
      %dma_wait3A_124 = arith.constant 5 : i32
      %dma_wait3A_125 = arith.constant 0 : i32
      %dma_wait3A_126 = tpu.memref_slice %arg5[%scan3A_33, %dma_wait3A_124, %dma_wait3A_125] : memref<10x8x128xi32, #tpu.memory_space<vmem>> -> memref<1x1x128xi32, #tpu.memory_space<vmem>>
      %dma_wait3A_127 = tpu.memref_squeeze %dma_wait3A_126 : memref<1x1x128xi32, #tpu.memory_space<vmem>> -> memref<128xi32, #tpu.memory_space<vmem>>
      %dma_wait3A_128 = arith.constant 0 : i32
      %dma_wait3A_129 = arith.constant 0 : i32
      %dma_wait3A_130 = tpu.memref_slice %arg4[%dma_wait3A_128, %dma_wait3A_129] : memref<10240x128xf32, #tpu.memory_space<vmem_shared>> -> memref<10240x128xf32, #tpu.memory_space<vmem_shared>>
      tpu.wait_indirect_dma semaphore(%arg7 : memref<!tpu.dma_semaphore, #tpu.memory_space<semaphore_mem>>) src(%arg6 : memref<128x128xf32, #tpu.memory_space<vmem>>) dst(%dma_wait3A_130 : memref<10240x128xf32, #tpu.memory_space<vmem_shared>>)
      %dma_wait3A_131 = arith.constant 6 : i32
      %dma_wait3A_132 = arith.constant 0 : i32
      %dma_wait3A_133 = tpu.memref_slice %arg5[%scan3A_33, %dma_wait3A_131, %dma_wait3A_132] : memref<10x8x128xi32, #tpu.memory_space<vmem>> -> memref<1x1x128xi32, #tpu.memory_space<vmem>>
      %dma_wait3A_134 = tpu.memref_squeeze %dma_wait3A_133 : memref<1x1x128xi32, #tpu.memory_space<vmem>> -> memref<128xi32, #tpu.memory_space<vmem>>
      %dma_wait3A_135 = arith.constant 0 : i32
      %dma_wait3A_136 = arith.constant 0 : i32
      %dma_wait3A_137 = tpu.memref_slice %arg4[%dma_wait3A_135, %dma_wait3A_136] : memref<10240x128xf32, #tpu.memory_space<vmem_shared>> -> memref<10240x128xf32, #tpu.memory_space<vmem_shared>>
      tpu.wait_indirect_dma semaphore(%arg7 : memref<!tpu.dma_semaphore, #tpu.memory_space<semaphore_mem>>) src(%arg6 : memref<128x128xf32, #tpu.memory_space<vmem>>) dst(%dma_wait3A_137 : memref<10240x128xf32, #tpu.memory_space<vmem_shared>>)
      %dma_wait3A_138 = arith.constant 7 : i32
      %dma_wait3A_139 = arith.constant 0 : i32
      %dma_wait3A_140 = tpu.memref_slice %arg5[%scan3A_33, %dma_wait3A_138, %dma_wait3A_139] : memref<10x8x128xi32, #tpu.memory_space<vmem>> -> memref<1x1x128xi32, #tpu.memory_space<vmem>>
      %dma_wait3A_141 = tpu.memref_squeeze %dma_wait3A_140 : memref<1x1x128xi32, #tpu.memory_space<vmem>> -> memref<128xi32, #tpu.memory_space<vmem>>
      %dma_wait3A_142 = arith.constant 0 : i32
      %dma_wait3A_143 = arith.constant 0 : i32
      %dma_wait3A_144 = tpu.memref_slice %arg4[%dma_wait3A_142, %dma_wait3A_143] : memref<10240x128xf32, #tpu.memory_space<vmem_shared>> -> memref<10240x128xf32, #tpu.memory_space<vmem_shared>>
      tpu.wait_indirect_dma semaphore(%arg7 : memref<!tpu.dma_semaphore, #tpu.memory_space<semaphore_mem>>) src(%arg6 : memref<128x128xf32, #tpu.memory_space<vmem>>) dst(%dma_wait3A_144 : memref<10240x128xf32, #tpu.memory_space<vmem_shared>>)
      %scan3A_145 = arith.constant 0 : i32
      scf.yield %scan3A_145 : i32
    }
    %scan3A_27 = arith.constant 10 : i32
    %barrier3A_28 = arith.constant 0 : index
    tpu.barrier barrier_id(%barrier3A_28)
    %mul3A_29 = arith.constant 640 : i32
    %mul3A_30 = arith.muli %arg1, %mul3A_29 : i32
    %mul3A_31 = arith.constant 640 : i32
    %mul3A_32 = arith.muli %arg1, %mul3A_31 : i32
    "tpu.region"() ({
      %run_scoped3A = tpu.sem_alloc : memref<!tpu.dma_semaphore, #tpu.memory_space<semaphore_mem>>
      %dma_start3A = arith.constant 0 : i32
      %dma_start3A_33 = tpu.memref_slice %arg3[%arg0, %mul3A_32, %dma_start3A] : memref<2x10240x128xf32, #tpu.memory_space<hbm>> -> memref<1x640x128xf32, #tpu.memory_space<hbm>>
      %dma_start3A_34 = tpu.memref_squeeze %dma_start3A_33 : memref<1x640x128xf32, #tpu.memory_space<hbm>> -> memref<640x128xf32, #tpu.memory_space<hbm>>
      %dma_start3A_35 = arith.constant 0 : i32
      %dma_start3A_36 = tpu.memref_slice %arg4[%mul3A_30, %dma_start3A_35] : memref<10240x128xf32, #tpu.memory_space<vmem_shared>> -> memref<640x128xf32, #tpu.memory_space<vmem_shared>>
      tpu.enqueue_dma source(%dma_start3A_36 : memref<640x128xf32, #tpu.memory_space<vmem_shared>>) target(%dma_start3A_34 : memref<640x128xf32, #tpu.memory_space<hbm>>) target_semaphore(%run_scoped3A : memref<!tpu.dma_semaphore, #tpu.memory_space<semaphore_mem>>)
      %dma_wait3A = arith.constant 0 : i32
      %dma_wait3A_37 = tpu.memref_slice %arg3[%arg0, %mul3A_32, %dma_wait3A] : memref<2x10240x128xf32, #tpu.memory_space<hbm>> -> memref<1x640x128xf32, #tpu.memory_space<hbm>>
      %dma_wait3A_38 = tpu.memref_squeeze %dma_wait3A_37 : memref<1x640x128xf32, #tpu.memory_space<hbm>> -> memref<640x128xf32, #tpu.memory_space<hbm>>
      %dma_wait3A_39 = arith.constant 0 : i32
      %dma_wait3A_40 = tpu.memref_slice %arg4[%mul3A_30, %dma_wait3A_39] : memref<10240x128xf32, #tpu.memory_space<vmem_shared>> -> memref<640x128xf32, #tpu.memory_space<vmem_shared>>
      tpu.wait_dma2 semaphore(%run_scoped3A : memref<!tpu.dma_semaphore, #tpu.memory_space<semaphore_mem>>) src(%dma_wait3A_40 : memref<640x128xf32, #tpu.memory_space<vmem_shared>>) dst(%dma_wait3A_38 : memref<640x128xf32, #tpu.memory_space<hbm>>)
      tpu.yield
    }) : () -> ()
    return
  }
}

#map = affine_map<(d0, d1) -> (0, 0)>
#map1 = affine_map<(d0, d1) -> (0, 0, 0, 0)>
#map2 = affine_map<(d0, d1) -> (0, 0, 0)>
module attributes {stable_mosaic.version = 14 : i64} {
  func.func @edge_kernel(%arg0: i32, %arg1: i32, %arg2: memref<10240x128xf32, #tpu.memory_space<hbm>>, %arg3: memref<32x10x8x128xi32, #tpu.memory_space<hbm>>, %arg4: memref<32x10x8x128xi32, #tpu.memory_space<hbm>>, %arg5: memref<2x10240x128xf32, #tpu.memory_space<hbm>>, %arg6: memref<10240x128xf32, #tpu.memory_space<vmem_shared>>, %arg7: memref<8x128xi32, #tpu.memory_space<vmem>>, %arg8: memref<8x128xi32, #tpu.memory_space<vmem>>, %arg9: memref<8x128xi32, #tpu.memory_space<vmem>>, %arg10: memref<8x128xi32, #tpu.memory_space<vmem>>, %arg11: memref<128x128xf32, #tpu.memory_space<vmem>>, %arg12: memref<128x128xf32, #tpu.memory_space<vmem>>, %arg13: memref<!tpu.dma_semaphore, #tpu.memory_space<semaphore_mem>>, %arg14: memref<!tpu.dma_semaphore, #tpu.memory_space<semaphore_mem>>, %arg15: memref<!tpu.dma_semaphore, #tpu.memory_space<semaphore_mem>>, %arg16: memref<!tpu.dma_semaphore, #tpu.memory_space<semaphore_mem>>) attributes {dimension_semantics = [#tpu.dimension_semantics<core_parallel>, #tpu.dimension_semantics<subcore_parallel>], iteration_bounds = array<i64: 2, 16>, scalar_prefetch = 0 : i64, scratch_operands = 11 : i64, tpu.core_type = #tpu.core_type<sc_vector_subcore>, window_params = [{transform_indices = #map}, {transform_indices = #map1}, {transform_indices = #map1}, {transform_indices = #map2}]} {
    %mul3A = arith.constant 2 : i32
    %mul3A_0 = arith.muli %arg1, %mul3A : i32
    %add3A = arith.addi %mul3A_0, %arg0 : i32
    %scan3A = arith.constant 0 : i32
    %scan3A_1 = arith.constant 0 : i32
    %scan3A_2 = arith.constant 1024 : i32
    %scan3A_3 = arith.addi %scan3A_1, %scan3A_2 : i32
    %scan3A_4 = arith.constant 1 : i32
    %scan3A_5 = scf.for %scan3A_43 = %scan3A_1 to %scan3A_3 step %scan3A_4 iter_args(%scan3A_44 = %scan3A) -> (i32)  : i32 {
      %broadcast_in_dim3A = arith.constant 0.000000e+00 : f32
      %broadcast_in_dim3A_45 = vector.broadcast %broadcast_in_dim3A : f32 to vector<16xf32>
      %jit3A = arith.constant 8 : i32
      %div3A = arith.divsi %scan3A_43, %jit3A : i32
      %sign3A = arith.constant 0 : i32
      %sign3A_46 = arith.cmpi sgt, %scan3A_43, %sign3A : i32
      %sign3A_47 = arith.extui %sign3A_46 : i1 to i32
      %sign3A_48 = arith.constant 0 : i32
      %sign3A_49 = arith.cmpi slt, %scan3A_43, %sign3A_48 : i32
      %sign3A_50 = arith.extui %sign3A_49 : i1 to i32
      %sign3A_51 = arith.subi %sign3A_47, %sign3A_50 : i32
      %sign3A_52 = arith.constant 0 : i32
      %sign3A_53 = arith.cmpi sgt, %jit3A, %sign3A_52 : i32
      %sign3A_54 = arith.extui %sign3A_53 : i1 to i32
      %sign3A_55 = arith.constant 0 : i32
      %sign3A_56 = arith.cmpi slt, %jit3A, %sign3A_55 : i32
      %sign3A_57 = arith.extui %sign3A_56 : i1 to i32
      %sign3A_58 = arith.subi %sign3A_54, %sign3A_57 : i32
      %ne3A = arith.cmpi ne, %sign3A_51, %sign3A_58 : i32
      %rem3A = arith.remsi %scan3A_43, %jit3A : i32
      %ne3A_59 = arith.constant 0 : i32
      %ne3A_60 = arith.cmpi ne, %rem3A, %ne3A_59 : i32
      %and3A = arith.andi %ne3A, %ne3A_60 : i1
      %sub3A = arith.constant 1 : i32
      %sub3A_61 = arith.subi %div3A, %sub3A : i32
      %select_n3A = arith.select %and3A, %sub3A_61, %div3A : i32
      %jit3A_62 = arith.constant 8 : i32
      %eq3A = arith.constant 0 : i32
      %eq3A_63 = arith.cmpi eq, %jit3A_62, %eq3A : i32
      %jit3A_64 = arith.constant 1 : i32
      %select_n3A_65 = arith.select %eq3A_63, %jit3A_64, %jit3A_62 : i32
      %rem3A_66 = arith.remsi %scan3A_43, %select_n3A_65 : i32
      %ne3A_67 = arith.constant 0 : i32
      %ne3A_68 = arith.cmpi ne, %rem3A_66, %ne3A_67 : i32
      %lt3A = arith.constant 0 : i32
      %lt3A_69 = arith.cmpi slt, %rem3A_66, %lt3A : i32
      %lt3A_70 = arith.constant 0 : i32
      %lt3A_71 = arith.cmpi slt, %select_n3A_65, %lt3A_70 : i32
      %ne3A_72 = arith.xori %lt3A_69, %lt3A_71 : i1
      %and3A_73 = arith.andi %ne3A_72, %ne3A_68 : i1
      %add3A_74 = arith.addi %rem3A_66, %select_n3A_65 : i32
      %select_n3A_75 = arith.select %and3A_73, %add3A_74, %rem3A_66 : i32
      %mul3A_76 = arith.constant 16 : i32
      %mul3A_77 = arith.muli %select_n3A_75, %mul3A_76 : i32
      %swap3A = arith.index_cast %select_n3A : i32 to index
      %swap3A_78 = arith.index_cast %mul3A_77 : i32 to index
      %swap3A_79 = tpu.vector_load %arg11[%swap3A, %swap3A_78] {strides = array<i32>} : memref<128x128xf32, #tpu.memory_space<vmem>>, vector<1x16xf32>,
      %swap3A_80 = vector.shape_cast %swap3A_79 : vector<1x16xf32> to vector<16xf32>
      %swap3A_81 = vector.shape_cast %broadcast_in_dim3A_45 : vector<16xf32> to vector<1x16xf32>
      tpu.vector_store %arg11[%swap3A, %swap3A_78], %swap3A_81 {strides = array<i32>} : memref<128x128xf32, #tpu.memory_space<vmem>>, vector<1x16xf32>,
      %scan3A_82 = arith.constant 0 : i32
      scf.yield %scan3A_82 : i32
    }
    %scan3A_6 = arith.constant 1024 : i32
    %scan3A_7 = arith.constant 0 : i32
    %scan3A_8 = arith.constant 0 : i32
    %scan3A_9 = arith.constant 5 : i32
    %scan3A_10 = arith.addi %scan3A_8, %scan3A_9 : i32
    %scan3A_11 = arith.constant 1 : i32
    %scan3A_12 = scf.for %scan3A_43 = %scan3A_8 to %scan3A_10 step %scan3A_11 iter_args(%scan3A_44 = %scan3A_7) -> (i32)  : i32 {
      %mul3A_45 = arith.constant 640 : i32
      %mul3A_46 = arith.muli %arg1, %mul3A_45 : i32
      %mul3A_47 = arith.constant 128 : i32
      %mul3A_48 = arith.muli %scan3A_43, %mul3A_47 : i32
      %add3A_49 = arith.addi %mul3A_46, %mul3A_48 : i32
      "tpu.region"() ({
        %run_scoped3A = tpu.sem_alloc : memref<!tpu.dma_semaphore, #tpu.memory_space<semaphore_mem>>
        %dma_start3A_51 = arith.constant 0 : i32
        %dma_start3A_52 = tpu.memref_slice %arg6[%add3A_49, %dma_start3A_51] : memref<10240x128xf32, #tpu.memory_space<vmem_shared>> -> memref<128x128xf32, #tpu.memory_space<vmem_shared>>
        %dma_start3A_53 = arith.constant 0 : i32
        %dma_start3A_54 = tpu.memref_slice %arg6[%add3A_49, %dma_start3A_53] : memref<10240x128xf32, #tpu.memory_space<vmem_shared>> -> memref<128x128xf32, #tpu.memory_space<vmem_shared>>
        tpu.enqueue_dma source(%arg11 : memref<128x128xf32, #tpu.memory_space<vmem>>) target(%dma_start3A_54 : memref<128x128xf32, #tpu.memory_space<vmem_shared>>) target_semaphore(%run_scoped3A : memref<!tpu.dma_semaphore, #tpu.memory_space<semaphore_mem>>)
        %dma_wait3A = arith.constant 0 : i32
        %dma_wait3A_55 = tpu.memref_slice %arg6[%add3A_49, %dma_wait3A] : memref<10240x128xf32, #tpu.memory_space<vmem_shared>> -> memref<128x128xf32, #tpu.memory_space<vmem_shared>>
        %dma_wait3A_56 = arith.constant 0 : i32
        %dma_wait3A_57 = tpu.memref_slice %arg6[%add3A_49, %dma_wait3A_56] : memref<10240x128xf32, #tpu.memory_space<vmem_shared>> -> memref<128x128xf32, #tpu.memory_space<vmem_shared>>
        tpu.wait_dma2 semaphore(%run_scoped3A : memref<!tpu.dma_semaphore, #tpu.memory_space<semaphore_mem>>) src(%arg11 : memref<128x128xf32, #tpu.memory_space<vmem>>) dst(%dma_wait3A_57 : memref<128x128xf32, #tpu.memory_space<vmem_shared>>)
        tpu.yield
      }) : () -> ()
      %scan3A_50 = arith.constant 0 : i32
      scf.yield %scan3A_50 : i32
    }
    %scan3A_13 = arith.constant 5 : i32
    %barrier3A = arith.constant 0 : index
    tpu.barrier barrier_id(%barrier3A)
    %dma_start3A = arith.constant 0 : i32
    %dma_start3A_14 = arith.constant 0 : i32
    %dma_start3A_15 = arith.constant 0 : i32
    %dma_start3A_16 = tpu.memref_slice %arg3[%add3A, %dma_start3A, %dma_start3A_14, %dma_start3A_15] : memref<32x10x8x128xi32, #tpu.memory_space<hbm>> -> memref<1x1x8x128xi32, #tpu.memory_space<hbm>>
    %dma_start3A_17 = tpu.memref_squeeze %dma_start3A_16 : memref<1x1x8x128xi32, #tpu.memory_space<hbm>> -> memref<8x128xi32, #tpu.memory_space<hbm>>
    %dma_start3A_18 = arith.constant 0 : i32
    %dma_start3A_19 = arith.constant 0 : i32
    %dma_start3A_20 = tpu.memref_slice %arg3[%add3A, %dma_start3A, %dma_start3A_18, %dma_start3A_19] : memref<32x10x8x128xi32, #tpu.memory_space<hbm>> -> memref<1x1x8x128xi32, #tpu.memory_space<hbm>>
    %dma_start3A_21 = tpu.memref_squeeze %dma_start3A_20 : memref<1x1x8x128xi32, #tpu.memory_space<hbm>> -> memref<8x128xi32, #tpu.memory_space<hbm>>
    tpu.enqueue_dma source(%dma_start3A_21 : memref<8x128xi32, #tpu.memory_space<hbm>>) target(%arg7 : memref<8x128xi32, #tpu.memory_space<vmem>>) target_semaphore(%arg13 : memref<!tpu.dma_semaphore, #tpu.memory_space<semaphore_mem>>)
    %dma_start3A_22 = arith.constant 0 : i32
    %dma_start3A_23 = arith.constant 0 : i32
    %dma_start3A_24 = arith.constant 0 : i32
    %dma_start3A_25 = tpu.memref_slice %arg4[%add3A, %dma_start3A_22, %dma_start3A_23, %dma_start3A_24] : memref<32x10x8x128xi32, #tpu.memory_space<hbm>> -> memref<1x1x8x128xi32, #tpu.memory_space<hbm>>
    %dma_start3A_26 = tpu.memref_squeeze %dma_start3A_25 : memref<1x1x8x128xi32, #tpu.memory_space<hbm>> -> memref<8x128xi32, #tpu.memory_space<hbm>>
    %dma_start3A_27 = arith.constant 0 : i32
    %dma_start3A_28 = arith.constant 0 : i32
    %dma_start3A_29 = tpu.memref_slice %arg4[%add3A, %dma_start3A_22, %dma_start3A_27, %dma_start3A_28] : memref<32x10x8x128xi32, #tpu.memory_space<hbm>> -> memref<1x1x8x128xi32, #tpu.memory_space<hbm>>
    %dma_start3A_30 = tpu.memref_squeeze %dma_start3A_29 : memref<1x1x8x128xi32, #tpu.memory_space<hbm>> -> memref<8x128xi32, #tpu.memory_space<hbm>>
    tpu.enqueue_dma source(%dma_start3A_30 : memref<8x128xi32, #tpu.memory_space<hbm>>) target(%arg8 : memref<8x128xi32, #tpu.memory_space<vmem>>) target_semaphore(%arg13 : memref<!tpu.dma_semaphore, #tpu.memory_space<semaphore_mem>>)
    %scan3A_31 = arith.constant 0 : i32
    %scan3A_32 = arith.constant 0 : i32
    %scan3A_33 = arith.constant 5 : i32
    %scan3A_34 = arith.addi %scan3A_32, %scan3A_33 : i32
    %scan3A_35 = arith.constant 1 : i32
    %scan3A_36 = scf.for %scan3A_43 = %scan3A_32 to %scan3A_34 step %scan3A_35 iter_args(%scan3A_44 = %scan3A_31) -> (i32)  : i32 {
      %mul3A_45 = arith.constant 2 : i32
      %mul3A_46 = arith.muli %mul3A_45, %scan3A_43 : i32
      %dma_wait3A = arith.constant 0 : i32
      %dma_wait3A_47 = arith.constant 0 : i32
      %dma_wait3A_48 = tpu.memref_slice %arg3[%add3A, %mul3A_46, %dma_wait3A, %dma_wait3A_47] : memref<32x10x8x128xi32, #tpu.memory_space<hbm>> -> memref<1x1x8x128xi32, #tpu.memory_space<hbm>>
      %dma_wait3A_49 = tpu.memref_squeeze %dma_wait3A_48 : memref<1x1x8x128xi32, #tpu.memory_space<hbm>> -> memref<8x128xi32, #tpu.memory_space<hbm>>
      %dma_wait3A_50 = arith.constant 0 : i32
      %dma_wait3A_51 = arith.constant 0 : i32
      %dma_wait3A_52 = tpu.memref_slice %arg3[%add3A, %mul3A_46, %dma_wait3A_50, %dma_wait3A_51] : memref<32x10x8x128xi32, #tpu.memory_space<hbm>> -> memref<1x1x8x128xi32, #tpu.memory_space<hbm>>
      %dma_wait3A_53 = tpu.memref_squeeze %dma_wait3A_52 : memref<1x1x8x128xi32, #tpu.memory_space<hbm>> -> memref<8x128xi32, #tpu.memory_space<hbm>>
      tpu.wait_dma2 semaphore(%arg13 : memref<!tpu.dma_semaphore, #tpu.memory_space<semaphore_mem>>) src(%dma_wait3A_53 : memref<8x128xi32, #tpu.memory_space<hbm>>) dst(%arg7 : memref<8x128xi32, #tpu.memory_space<vmem>>)
      %dma_wait3A_54 = arith.constant 0 : i32
      %dma_wait3A_55 = arith.constant 0 : i32
      %dma_wait3A_56 = tpu.memref_slice %arg4[%add3A, %mul3A_46, %dma_wait3A_54, %dma_wait3A_55] : memref<32x10x8x128xi32, #tpu.memory_space<hbm>> -> memref<1x1x8x128xi32, #tpu.memory_space<hbm>>
      %dma_wait3A_57 = tpu.memref_squeeze %dma_wait3A_56 : memref<1x1x8x128xi32, #tpu.memory_space<hbm>> -> memref<8x128xi32, #tpu.memory_space<hbm>>
      %dma_wait3A_58 = arith.constant 0 : i32
      %dma_wait3A_59 = arith.constant 0 : i32
      %dma_wait3A_60 = tpu.memref_slice %arg4[%add3A, %mul3A_46, %dma_wait3A_58, %dma_wait3A_59] : memref<32x10x8x128xi32, #tpu.memory_space<hbm>> -> memref<1x1x8x128xi32, #tpu.memory_space<hbm>>
      %dma_wait3A_61 = tpu.memref_squeeze %dma_wait3A_60 : memref<1x1x8x128xi32, #tpu.memory_space<hbm>> -> memref<8x128xi32, #tpu.memory_space<hbm>>
      tpu.wait_dma2 semaphore(%arg13 : memref<!tpu.dma_semaphore, #tpu.memory_space<semaphore_mem>>) src(%dma_wait3A_61 : memref<8x128xi32, #tpu.memory_space<hbm>>) dst(%arg8 : memref<8x128xi32, #tpu.memory_space<vmem>>)
      %add3A_62 = arith.constant 1 : i32
      %add3A_63 = arith.addi %mul3A_46, %add3A_62 : i32
      %lt3A = arith.constant 10 : i32
      %lt3A_64 = arith.cmpi slt, %add3A_63, %lt3A : i32
      %convert_element_type3A = arith.extui %lt3A_64 : i1 to i32
      %cond3A = arith.constant 0 : i32
      %cond3A_65 = arith.cmpi ne, %convert_element_type3A, %cond3A : i32
      scf.if %cond3A_65 {
        %add3A_333 = arith.constant 1 : i32
        %add3A_334 = arith.addi %mul3A_46, %add3A_333 : i32
        %dma_start3A_335 = arith.constant 0 : i32
        %dma_start3A_336 = arith.constant 0 : i32
        %dma_start3A_337 = tpu.memref_slice %arg3[%add3A, %add3A_334, %dma_start3A_335, %dma_start3A_336] : memref<32x10x8x128xi32, #tpu.memory_space<hbm>> -> memref<1x1x8x128xi32, #tpu.memory_space<hbm>>
        %dma_start3A_338 = tpu.memref_squeeze %dma_start3A_337 : memref<1x1x8x128xi32, #tpu.memory_space<hbm>> -> memref<8x128xi32, #tpu.memory_space<hbm>>
        %dma_start3A_339 = arith.constant 0 : i32
        %dma_start3A_340 = arith.constant 0 : i32
        %dma_start3A_341 = tpu.memref_slice %arg3[%add3A, %add3A_334, %dma_start3A_339, %dma_start3A_340] : memref<32x10x8x128xi32, #tpu.memory_space<hbm>> -> memref<1x1x8x128xi32, #tpu.memory_space<hbm>>
        %dma_start3A_342 = tpu.memref_squeeze %dma_start3A_341 : memref<1x1x8x128xi32, #tpu.memory_space<hbm>> -> memref<8x128xi32, #tpu.memory_space<hbm>>
        tpu.enqueue_dma source(%dma_start3A_342 : memref<8x128xi32, #tpu.memory_space<hbm>>) target(%arg9 : memref<8x128xi32, #tpu.memory_space<vmem>>) target_semaphore(%arg14 : memref<!tpu.dma_semaphore, #tpu.memory_space<semaphore_mem>>)
        %add3A_343 = arith.constant 1 : i32
        %add3A_344 = arith.addi %mul3A_46, %add3A_343 : i32
        %dma_start3A_345 = arith.constant 0 : i32
        %dma_start3A_346 = arith.constant 0 : i32
        %dma_start3A_347 = tpu.memref_slice %arg4[%add3A, %add3A_344, %dma_start3A_345, %dma_start3A_346] : memref<32x10x8x128xi32, #tpu.memory_space<hbm>> -> memref<1x1x8x128xi32, #tpu.memory_space<hbm>>
        %dma_start3A_348 = tpu.memref_squeeze %dma_start3A_347 : memref<1x1x8x128xi32, #tpu.memory_space<hbm>> -> memref<8x128xi32, #tpu.memory_space<hbm>>
        %dma_start3A_349 = arith.constant 0 : i32
        %dma_start3A_350 = arith.constant 0 : i32
        %dma_start3A_351 = tpu.memref_slice %arg4[%add3A, %add3A_344, %dma_start3A_349, %dma_start3A_350] : memref<32x10x8x128xi32, #tpu.memory_space<hbm>> -> memref<1x1x8x128xi32, #tpu.memory_space<hbm>>
        %dma_start3A_352 = tpu.memref_squeeze %dma_start3A_351 : memref<1x1x8x128xi32, #tpu.memory_space<hbm>> -> memref<8x128xi32, #tpu.memory_space<hbm>>
        tpu.enqueue_dma source(%dma_start3A_352 : memref<8x128xi32, #tpu.memory_space<hbm>>) target(%arg10 : memref<8x128xi32, #tpu.memory_space<vmem>>) target_semaphore(%arg14 : memref<!tpu.dma_semaphore, #tpu.memory_space<semaphore_mem>>)
      } else {
      }
      %dma_start3A_66 = arith.constant 0 : i32
      %dma_start3A_67 = arith.constant 0 : i32
      %dma_start3A_68 = tpu.memref_slice %arg7[%dma_start3A_66, %dma_start3A_67] : memref<8x128xi32, #tpu.memory_space<vmem>> -> memref<1x128xi32, #tpu.memory_space<vmem>>
      %dma_start3A_69 = tpu.memref_squeeze %dma_start3A_68 : memref<1x128xi32, #tpu.memory_space<vmem>> -> memref<128xi32, #tpu.memory_space<vmem>>
      %dma_start3A_70 = arith.constant 0 : i32
      %dma_start3A_71 = arith.constant 0 : i32
      %dma_start3A_72 = tpu.memref_slice %arg2[%dma_start3A_70, %dma_start3A_71] : memref<10240x128xf32, #tpu.memory_space<hbm>> -> memref<10240x128xf32, #tpu.memory_space<hbm>>
      tpu.enqueue_indirect_dma source(%dma_start3A_72 : memref<10240x128xf32, #tpu.memory_space<hbm>>) target(%arg11 : memref<128x128xf32, #tpu.memory_space<vmem>>) offsets(%dma_start3A_69 : memref<128xi32, #tpu.memory_space<vmem>>) semaphore(%arg15 : memref<!tpu.dma_semaphore, #tpu.memory_space<semaphore_mem>>)
      %dma_start3A_73 = arith.constant 1 : i32
      %dma_start3A_74 = arith.constant 0 : i32
      %dma_start3A_75 = tpu.memref_slice %arg7[%dma_start3A_73, %dma_start3A_74] : memref<8x128xi32, #tpu.memory_space<vmem>> -> memref<1x128xi32, #tpu.memory_space<vmem>>
      %dma_start3A_76 = tpu.memref_squeeze %dma_start3A_75 : memref<1x128xi32, #tpu.memory_space<vmem>> -> memref<128xi32, #tpu.memory_space<vmem>>
      %dma_start3A_77 = arith.constant 0 : i32
      %dma_start3A_78 = arith.constant 0 : i32
      %dma_start3A_79 = tpu.memref_slice %arg2[%dma_start3A_77, %dma_start3A_78] : memref<10240x128xf32, #tpu.memory_space<hbm>> -> memref<10240x128xf32, #tpu.memory_space<hbm>>
      tpu.enqueue_indirect_dma source(%dma_start3A_79 : memref<10240x128xf32, #tpu.memory_space<hbm>>) target(%arg12 : memref<128x128xf32, #tpu.memory_space<vmem>>) offsets(%dma_start3A_76 : memref<128xi32, #tpu.memory_space<vmem>>) semaphore(%arg16 : memref<!tpu.dma_semaphore, #tpu.memory_space<semaphore_mem>>)
      %dma_wait3A_80 = arith.constant 0 : i32
      %dma_wait3A_81 = arith.constant 0 : i32
      %dma_wait3A_82 = tpu.memref_slice %arg7[%dma_wait3A_80, %dma_wait3A_81] : memref<8x128xi32, #tpu.memory_space<vmem>> -> memref<1x128xi32, #tpu.memory_space<vmem>>
      %dma_wait3A_83 = tpu.memref_squeeze %dma_wait3A_82 : memref<1x128xi32, #tpu.memory_space<vmem>> -> memref<128xi32, #tpu.memory_space<vmem>>
      %dma_wait3A_84 = arith.constant 0 : i32
      %dma_wait3A_85 = arith.constant 0 : i32
      %dma_wait3A_86 = tpu.memref_slice %arg2[%dma_wait3A_84, %dma_wait3A_85] : memref<10240x128xf32, #tpu.memory_space<hbm>> -> memref<10240x128xf32, #tpu.memory_space<hbm>>
      tpu.wait_indirect_dma semaphore(%arg15 : memref<!tpu.dma_semaphore, #tpu.memory_space<semaphore_mem>>) src(%dma_wait3A_86 : memref<10240x128xf32, #tpu.memory_space<hbm>>) dst(%arg11 : memref<128x128xf32, #tpu.memory_space<vmem>>)
      %run_scoped3A = arith.constant 0 : i32
      "tpu.region"() ({
        %run_scoped3A_333 = tpu.sem_alloc : memref<!tpu.dma_semaphore, #tpu.memory_space<semaphore_mem>>
        %dma_start3A_334 = arith.constant 0 : i32
        %dma_start3A_335 = tpu.memref_slice %arg8[%run_scoped3A, %dma_start3A_334] : memref<8x128xi32, #tpu.memory_space<vmem>> -> memref<1x128xi32, #tpu.memory_space<vmem>>
        %dma_start3A_336 = tpu.memref_squeeze %dma_start3A_335 : memref<1x128xi32, #tpu.memory_space<vmem>> -> memref<128xi32, #tpu.memory_space<vmem>>
        %dma_start3A_337 = arith.constant 0 : i32
        %dma_start3A_338 = arith.constant 0 : i32
        %dma_start3A_339 = tpu.memref_slice %arg6[%dma_start3A_337, %dma_start3A_338] : memref<10240x128xf32, #tpu.memory_space<vmem_shared>> -> memref<10240x128xf32, #tpu.memory_space<vmem_shared>>
        tpu.enqueue_indirect_dma source(%arg11 : memref<128x128xf32, #tpu.memory_space<vmem>>) target(%dma_start3A_339 : memref<10240x128xf32, #tpu.memory_space<vmem_shared>>) offsets(%dma_start3A_336 : memref<128xi32, #tpu.memory_space<vmem>>) semaphore(%run_scoped3A_333 : memref<!tpu.dma_semaphore, #tpu.memory_space<semaphore_mem>>) {add = true}
        %dma_wait3A_340 = arith.constant 0 : i32
        %dma_wait3A_341 = tpu.memref_slice %arg8[%run_scoped3A, %dma_wait3A_340] : memref<8x128xi32, #tpu.memory_space<vmem>> -> memref<1x128xi32, #tpu.memory_space<vmem>>
        %dma_wait3A_342 = tpu.memref_squeeze %dma_wait3A_341 : memref<1x128xi32, #tpu.memory_space<vmem>> -> memref<128xi32, #tpu.memory_space<vmem>>
        %dma_wait3A_343 = arith.constant 0 : i32
        %dma_wait3A_344 = arith.constant 0 : i32
        %dma_wait3A_345 = tpu.memref_slice %arg6[%dma_wait3A_343, %dma_wait3A_344] : memref<10240x128xf32, #tpu.memory_space<vmem_shared>> -> memref<10240x128xf32, #tpu.memory_space<vmem_shared>>
        tpu.wait_indirect_dma semaphore(%run_scoped3A_333 : memref<!tpu.dma_semaphore, #tpu.memory_space<semaphore_mem>>) src(%arg11 : memref<128x128xf32, #tpu.memory_space<vmem>>) dst(%dma_wait3A_345 : memref<10240x128xf32, #tpu.memory_space<vmem_shared>>)
        tpu.yield
      }) : () -> ()
      %dma_start3A_87 = arith.constant 2 : i32
      %dma_start3A_88 = arith.constant 0 : i32
      %dma_start3A_89 = tpu.memref_slice %arg7[%dma_start3A_87, %dma_start3A_88] : memref<8x128xi32, #tpu.memory_space<vmem>> -> memref<1x128xi32, #tpu.memory_space<vmem>>
      %dma_start3A_90 = tpu.memref_squeeze %dma_start3A_89 : memref<1x128xi32, #tpu.memory_space<vmem>> -> memref<128xi32, #tpu.memory_space<vmem>>
      %dma_start3A_91 = arith.constant 0 : i32
      %dma_start3A_92 = arith.constant 0 : i32
      %dma_start3A_93 = tpu.memref_slice %arg2[%dma_start3A_91, %dma_start3A_92] : memref<10240x128xf32, #tpu.memory_space<hbm>> -> memref<10240x128xf32, #tpu.memory_space<hbm>>
      tpu.enqueue_indirect_dma source(%dma_start3A_93 : memref<10240x128xf32, #tpu.memory_space<hbm>>) target(%arg11 : memref<128x128xf32, #tpu.memory_space<vmem>>) offsets(%dma_start3A_90 : memref<128xi32, #tpu.memory_space<vmem>>) semaphore(%arg15 : memref<!tpu.dma_semaphore, #tpu.memory_space<semaphore_mem>>)
      %dma_wait3A_94 = arith.constant 1 : i32
      %dma_wait3A_95 = arith.constant 0 : i32
      %dma_wait3A_96 = tpu.memref_slice %arg7[%dma_wait3A_94, %dma_wait3A_95] : memref<8x128xi32, #tpu.memory_space<vmem>> -> memref<1x128xi32, #tpu.memory_space<vmem>>
      %dma_wait3A_97 = tpu.memref_squeeze %dma_wait3A_96 : memref<1x128xi32, #tpu.memory_space<vmem>> -> memref<128xi32, #tpu.memory_space<vmem>>
      %dma_wait3A_98 = arith.constant 0 : i32
      %dma_wait3A_99 = arith.constant 0 : i32
      %dma_wait3A_100 = tpu.memref_slice %arg2[%dma_wait3A_98, %dma_wait3A_99] : memref<10240x128xf32, #tpu.memory_space<hbm>> -> memref<10240x128xf32, #tpu.memory_space<hbm>>
      tpu.wait_indirect_dma semaphore(%arg16 : memref<!tpu.dma_semaphore, #tpu.memory_space<semaphore_mem>>) src(%dma_wait3A_100 : memref<10240x128xf32, #tpu.memory_space<hbm>>) dst(%arg12 : memref<128x128xf32, #tpu.memory_space<vmem>>)
      %run_scoped3A_101 = arith.constant 1 : i32
      "tpu.region"() ({
        %run_scoped3A_333 = tpu.sem_alloc : memref<!tpu.dma_semaphore, #tpu.memory_space<semaphore_mem>>
        %dma_start3A_334 = arith.constant 0 : i32
        %dma_start3A_335 = tpu.memref_slice %arg8[%run_scoped3A_101, %dma_start3A_334] : memref<8x128xi32, #tpu.memory_space<vmem>> -> memref<1x128xi32, #tpu.memory_space<vmem>>
        %dma_start3A_336 = tpu.memref_squeeze %dma_start3A_335 : memref<1x128xi32, #tpu.memory_space<vmem>> -> memref<128xi32, #tpu.memory_space<vmem>>
        %dma_start3A_337 = arith.constant 0 : i32
        %dma_start3A_338 = arith.constant 0 : i32
        %dma_start3A_339 = tpu.memref_slice %arg6[%dma_start3A_337, %dma_start3A_338] : memref<10240x128xf32, #tpu.memory_space<vmem_shared>> -> memref<10240x128xf32, #tpu.memory_space<vmem_shared>>
        tpu.enqueue_indirect_dma source(%arg12 : memref<128x128xf32, #tpu.memory_space<vmem>>) target(%dma_start3A_339 : memref<10240x128xf32, #tpu.memory_space<vmem_shared>>) offsets(%dma_start3A_336 : memref<128xi32, #tpu.memory_space<vmem>>) semaphore(%run_scoped3A_333 : memref<!tpu.dma_semaphore, #tpu.memory_space<semaphore_mem>>) {add = true}
        %dma_wait3A_340 = arith.constant 0 : i32
        %dma_wait3A_341 = tpu.memref_slice %arg8[%run_scoped3A_101, %dma_wait3A_340] : memref<8x128xi32, #tpu.memory_space<vmem>> -> memref<1x128xi32, #tpu.memory_space<vmem>>
        %dma_wait3A_342 = tpu.memref_squeeze %dma_wait3A_341 : memref<1x128xi32, #tpu.memory_space<vmem>> -> memref<128xi32, #tpu.memory_space<vmem>>
        %dma_wait3A_343 = arith.constant 0 : i32
        %dma_wait3A_344 = arith.constant 0 : i32
        %dma_wait3A_345 = tpu.memref_slice %arg6[%dma_wait3A_343, %dma_wait3A_344] : memref<10240x128xf32, #tpu.memory_space<vmem_shared>> -> memref<10240x128xf32, #tpu.memory_space<vmem_shared>>
        tpu.wait_indirect_dma semaphore(%run_scoped3A_333 : memref<!tpu.dma_semaphore, #tpu.memory_space<semaphore_mem>>) src(%arg12 : memref<128x128xf32, #tpu.memory_space<vmem>>) dst(%dma_wait3A_345 : memref<10240x128xf32, #tpu.memory_space<vmem_shared>>)
        tpu.yield
      }) : () -> ()
      %dma_start3A_102 = arith.constant 3 : i32
      %dma_start3A_103 = arith.constant 0 : i32
      %dma_start3A_104 = tpu.memref_slice %arg7[%dma_start3A_102, %dma_start3A_103] : memref<8x128xi32, #tpu.memory_space<vmem>> -> memref<1x128xi32, #tpu.memory_space<vmem>>
      %dma_start3A_105 = tpu.memref_squeeze %dma_start3A_104 : memref<1x128xi32, #tpu.memory_space<vmem>> -> memref<128xi32, #tpu.memory_space<vmem>>
      %dma_start3A_106 = arith.constant 0 : i32
      %dma_start3A_107 = arith.constant 0 : i32
      %dma_start3A_108 = tpu.memref_slice %arg2[%dma_start3A_106, %dma_start3A_107] : memref<10240x128xf32, #tpu.memory_space<hbm>> -> memref<10240x128xf32, #tpu.memory_space<hbm>>
      tpu.enqueue_indirect_dma source(%dma_start3A_108 : memref<10240x128xf32, #tpu.memory_space<hbm>>) target(%arg12 : memref<128x128xf32, #tpu.memory_space<vmem>>) offsets(%dma_start3A_105 : memref<128xi32, #tpu.memory_space<vmem>>) semaphore(%arg16 : memref<!tpu.dma_semaphore, #tpu.memory_space<semaphore_mem>>)
      %dma_wait3A_109 = arith.constant 2 : i32
      %dma_wait3A_110 = arith.constant 0 : i32
      %dma_wait3A_111 = tpu.memref_slice %arg7[%dma_wait3A_109, %dma_wait3A_110] : memref<8x128xi32, #tpu.memory_space<vmem>> -> memref<1x128xi32, #tpu.memory_space<vmem>>
      %dma_wait3A_112 = tpu.memref_squeeze %dma_wait3A_111 : memref<1x128xi32, #tpu.memory_space<vmem>> -> memref<128xi32, #tpu.memory_space<vmem>>
      %dma_wait3A_113 = arith.constant 0 : i32
      %dma_wait3A_114 = arith.constant 0 : i32
      %dma_wait3A_115 = tpu.memref_slice %arg2[%dma_wait3A_113, %dma_wait3A_114] : memref<10240x128xf32, #tpu.memory_space<hbm>> -> memref<10240x128xf32, #tpu.memory_space<hbm>>
      tpu.wait_indirect_dma semaphore(%arg15 : memref<!tpu.dma_semaphore, #tpu.memory_space<semaphore_mem>>) src(%dma_wait3A_115 : memref<10240x128xf32, #tpu.memory_space<hbm>>) dst(%arg11 : memref<128x128xf32, #tpu.memory_space<vmem>>)
      %run_scoped3A_116 = arith.constant 2 : i32
      "tpu.region"() ({
        %run_scoped3A_333 = tpu.sem_alloc : memref<!tpu.dma_semaphore, #tpu.memory_space<semaphore_mem>>
        %dma_start3A_334 = arith.constant 0 : i32
        %dma_start3A_335 = tpu.memref_slice %arg8[%run_scoped3A_116, %dma_start3A_334] : memref<8x128xi32, #tpu.memory_space<vmem>> -> memref<1x128xi32, #tpu.memory_space<vmem>>
        %dma_start3A_336 = tpu.memref_squeeze %dma_start3A_335 : memref<1x128xi32, #tpu.memory_space<vmem>> -> memref<128xi32, #tpu.memory_space<vmem>>
        %dma_start3A_337 = arith.constant 0 : i32
        %dma_start3A_338 = arith.constant 0 : i32
        %dma_start3A_339 = tpu.memref_slice %arg6[%dma_start3A_337, %dma_start3A_338] : memref<10240x128xf32, #tpu.memory_space<vmem_shared>> -> memref<10240x128xf32, #tpu.memory_space<vmem_shared>>
        tpu.enqueue_indirect_dma source(%arg11 : memref<128x128xf32, #tpu.memory_space<vmem>>) target(%dma_start3A_339 : memref<10240x128xf32, #tpu.memory_space<vmem_shared>>) offsets(%dma_start3A_336 : memref<128xi32, #tpu.memory_space<vmem>>) semaphore(%run_scoped3A_333 : memref<!tpu.dma_semaphore, #tpu.memory_space<semaphore_mem>>) {add = true}
        %dma_wait3A_340 = arith.constant 0 : i32
        %dma_wait3A_341 = tpu.memref_slice %arg8[%run_scoped3A_116, %dma_wait3A_340] : memref<8x128xi32, #tpu.memory_space<vmem>> -> memref<1x128xi32, #tpu.memory_space<vmem>>
        %dma_wait3A_342 = tpu.memref_squeeze %dma_wait3A_341 : memref<1x128xi32, #tpu.memory_space<vmem>> -> memref<128xi32, #tpu.memory_space<vmem>>
        %dma_wait3A_343 = arith.constant 0 : i32
        %dma_wait3A_344 = arith.constant 0 : i32
        %dma_wait3A_345 = tpu.memref_slice %arg6[%dma_wait3A_343, %dma_wait3A_344] : memref<10240x128xf32, #tpu.memory_space<vmem_shared>> -> memref<10240x128xf32, #tpu.memory_space<vmem_shared>>
        tpu.wait_indirect_dma semaphore(%run_scoped3A_333 : memref<!tpu.dma_semaphore, #tpu.memory_space<semaphore_mem>>) src(%arg11 : memref<128x128xf32, #tpu.memory_space<vmem>>) dst(%dma_wait3A_345 : memref<10240x128xf32, #tpu.memory_space<vmem_shared>>)
        tpu.yield
      }) : () -> ()
      %dma_start3A_117 = arith.constant 4 : i32
      %dma_start3A_118 = arith.constant 0 : i32
      %dma_start3A_119 = tpu.memref_slice %arg7[%dma_start3A_117, %dma_start3A_118] : memref<8x128xi32, #tpu.memory_space<vmem>> -> memref<1x128xi32, #tpu.memory_space<vmem>>
      %dma_start3A_120 = tpu.memref_squeeze %dma_start3A_119 : memref<1x128xi32, #tpu.memory_space<vmem>> -> memref<128xi32, #tpu.memory_space<vmem>>
      %dma_start3A_121 = arith.constant 0 : i32
      %dma_start3A_122 = arith.constant 0 : i32
      %dma_start3A_123 = tpu.memref_slice %arg2[%dma_start3A_121, %dma_start3A_122] : memref<10240x128xf32, #tpu.memory_space<hbm>> -> memref<10240x128xf32, #tpu.memory_space<hbm>>
      tpu.enqueue_indirect_dma source(%dma_start3A_123 : memref<10240x128xf32, #tpu.memory_space<hbm>>) target(%arg11 : memref<128x128xf32, #tpu.memory_space<vmem>>) offsets(%dma_start3A_120 : memref<128xi32, #tpu.memory_space<vmem>>) semaphore(%arg15 : memref<!tpu.dma_semaphore, #tpu.memory_space<semaphore_mem>>)
      %dma_wait3A_124 = arith.constant 3 : i32
      %dma_wait3A_125 = arith.constant 0 : i32
      %dma_wait3A_126 = tpu.memref_slice %arg7[%dma_wait3A_124, %dma_wait3A_125] : memref<8x128xi32, #tpu.memory_space<vmem>> -> memref<1x128xi32, #tpu.memory_space<vmem>>
      %dma_wait3A_127 = tpu.memref_squeeze %dma_wait3A_126 : memref<1x128xi32, #tpu.memory_space<vmem>> -> memref<128xi32, #tpu.memory_space<vmem>>
      %dma_wait3A_128 = arith.constant 0 : i32
      %dma_wait3A_129 = arith.constant 0 : i32
      %dma_wait3A_130 = tpu.memref_slice %arg2[%dma_wait3A_128, %dma_wait3A_129] : memref<10240x128xf32, #tpu.memory_space<hbm>> -> memref<10240x128xf32, #tpu.memory_space<hbm>>
      tpu.wait_indirect_dma semaphore(%arg16 : memref<!tpu.dma_semaphore, #tpu.memory_space<semaphore_mem>>) src(%dma_wait3A_130 : memref<10240x128xf32, #tpu.memory_space<hbm>>) dst(%arg12 : memref<128x128xf32, #tpu.memory_space<vmem>>)
      %run_scoped3A_131 = arith.constant 3 : i32
      "tpu.region"() ({
        %run_scoped3A_333 = tpu.sem_alloc : memref<!tpu.dma_semaphore, #tpu.memory_space<semaphore_mem>>
        %dma_start3A_334 = arith.constant 0 : i32
        %dma_start3A_335 = tpu.memref_slice %arg8[%run_scoped3A_131, %dma_start3A_334] : memref<8x128xi32, #tpu.memory_space<vmem>> -> memref<1x128xi32, #tpu.memory_space<vmem>>
        %dma_start3A_336 = tpu.memref_squeeze %dma_start3A_335 : memref<1x128xi32, #tpu.memory_space<vmem>> -> memref<128xi32, #tpu.memory_space<vmem>>
        %dma_start3A_337 = arith.constant 0 : i32
        %dma_start3A_338 = arith.constant 0 : i32
        %dma_start3A_339 = tpu.memref_slice %arg6[%dma_start3A_337, %dma_start3A_338] : memref<10240x128xf32, #tpu.memory_space<vmem_shared>> -> memref<10240x128xf32, #tpu.memory_space<vmem_shared>>
        tpu.enqueue_indirect_dma source(%arg12 : memref<128x128xf32, #tpu.memory_space<vmem>>) target(%dma_start3A_339 : memref<10240x128xf32, #tpu.memory_space<vmem_shared>>) offsets(%dma_start3A_336 : memref<128xi32, #tpu.memory_space<vmem>>) semaphore(%run_scoped3A_333 : memref<!tpu.dma_semaphore, #tpu.memory_space<semaphore_mem>>) {add = true}
        %dma_wait3A_340 = arith.constant 0 : i32
        %dma_wait3A_341 = tpu.memref_slice %arg8[%run_scoped3A_131, %dma_wait3A_340] : memref<8x128xi32, #tpu.memory_space<vmem>> -> memref<1x128xi32, #tpu.memory_space<vmem>>
        %dma_wait3A_342 = tpu.memref_squeeze %dma_wait3A_341 : memref<1x128xi32, #tpu.memory_space<vmem>> -> memref<128xi32, #tpu.memory_space<vmem>>
        %dma_wait3A_343 = arith.constant 0 : i32
        %dma_wait3A_344 = arith.constant 0 : i32
        %dma_wait3A_345 = tpu.memref_slice %arg6[%dma_wait3A_343, %dma_wait3A_344] : memref<10240x128xf32, #tpu.memory_space<vmem_shared>> -> memref<10240x128xf32, #tpu.memory_space<vmem_shared>>
        tpu.wait_indirect_dma semaphore(%run_scoped3A_333 : memref<!tpu.dma_semaphore, #tpu.memory_space<semaphore_mem>>) src(%arg12 : memref<128x128xf32, #tpu.memory_space<vmem>>) dst(%dma_wait3A_345 : memref<10240x128xf32, #tpu.memory_space<vmem_shared>>)
        tpu.yield
      }) : () -> ()
      %dma_start3A_132 = arith.constant 5 : i32
      %dma_start3A_133 = arith.constant 0 : i32
      %dma_start3A_134 = tpu.memref_slice %arg7[%dma_start3A_132, %dma_start3A_133] : memref<8x128xi32, #tpu.memory_space<vmem>> -> memref<1x128xi32, #tpu.memory_space<vmem>>
      %dma_start3A_135 = tpu.memref_squeeze %dma_start3A_134 : memref<1x128xi32, #tpu.memory_space<vmem>> -> memref<128xi32, #tpu.memory_space<vmem>>
      %dma_start3A_136 = arith.constant 0 : i32
      %dma_start3A_137 = arith.constant 0 : i32
      %dma_start3A_138 = tpu.memref_slice %arg2[%dma_start3A_136, %dma_start3A_137] : memref<10240x128xf32, #tpu.memory_space<hbm>> -> memref<10240x128xf32, #tpu.memory_space<hbm>>
      tpu.enqueue_indirect_dma source(%dma_start3A_138 : memref<10240x128xf32, #tpu.memory_space<hbm>>) target(%arg12 : memref<128x128xf32, #tpu.memory_space<vmem>>) offsets(%dma_start3A_135 : memref<128xi32, #tpu.memory_space<vmem>>) semaphore(%arg16 : memref<!tpu.dma_semaphore, #tpu.memory_space<semaphore_mem>>)
      %dma_wait3A_139 = arith.constant 4 : i32
      %dma_wait3A_140 = arith.constant 0 : i32
      %dma_wait3A_141 = tpu.memref_slice %arg7[%dma_wait3A_139, %dma_wait3A_140] : memref<8x128xi32, #tpu.memory_space<vmem>> -> memref<1x128xi32, #tpu.memory_space<vmem>>
      %dma_wait3A_142 = tpu.memref_squeeze %dma_wait3A_141 : memref<1x128xi32, #tpu.memory_space<vmem>> -> memref<128xi32, #tpu.memory_space<vmem>>
      %dma_wait3A_143 = arith.constant 0 : i32
      %dma_wait3A_144 = arith.constant 0 : i32
      %dma_wait3A_145 = tpu.memref_slice %arg2[%dma_wait3A_143, %dma_wait3A_144] : memref<10240x128xf32, #tpu.memory_space<hbm>> -> memref<10240x128xf32, #tpu.memory_space<hbm>>
      tpu.wait_indirect_dma semaphore(%arg15 : memref<!tpu.dma_semaphore, #tpu.memory_space<semaphore_mem>>) src(%dma_wait3A_145 : memref<10240x128xf32, #tpu.memory_space<hbm>>) dst(%arg11 : memref<128x128xf32, #tpu.memory_space<vmem>>)
      %run_scoped3A_146 = arith.constant 4 : i32
      "tpu.region"() ({
        %run_scoped3A_333 = tpu.sem_alloc : memref<!tpu.dma_semaphore, #tpu.memory_space<semaphore_mem>>
        %dma_start3A_334 = arith.constant 0 : i32
        %dma_start3A_335 = tpu.memref_slice %arg8[%run_scoped3A_146, %dma_start3A_334] : memref<8x128xi32, #tpu.memory_space<vmem>> -> memref<1x128xi32, #tpu.memory_space<vmem>>
        %dma_start3A_336 = tpu.memref_squeeze %dma_start3A_335 : memref<1x128xi32, #tpu.memory_space<vmem>> -> memref<128xi32, #tpu.memory_space<vmem>>
        %dma_start3A_337 = arith.constant 0 : i32
        %dma_start3A_338 = arith.constant 0 : i32
        %dma_start3A_339 = tpu.memref_slice %arg6[%dma_start3A_337, %dma_start3A_338] : memref<10240x128xf32, #tpu.memory_space<vmem_shared>> -> memref<10240x128xf32, #tpu.memory_space<vmem_shared>>
        tpu.enqueue_indirect_dma source(%arg11 : memref<128x128xf32, #tpu.memory_space<vmem>>) target(%dma_start3A_339 : memref<10240x128xf32, #tpu.memory_space<vmem_shared>>) offsets(%dma_start3A_336 : memref<128xi32, #tpu.memory_space<vmem>>) semaphore(%run_scoped3A_333 : memref<!tpu.dma_semaphore, #tpu.memory_space<semaphore_mem>>) {add = true}
        %dma_wait3A_340 = arith.constant 0 : i32
        %dma_wait3A_341 = tpu.memref_slice %arg8[%run_scoped3A_146, %dma_wait3A_340] : memref<8x128xi32, #tpu.memory_space<vmem>> -> memref<1x128xi32, #tpu.memory_space<vmem>>
        %dma_wait3A_342 = tpu.memref_squeeze %dma_wait3A_341 : memref<1x128xi32, #tpu.memory_space<vmem>> -> memref<128xi32, #tpu.memory_space<vmem>>
        %dma_wait3A_343 = arith.constant 0 : i32
        %dma_wait3A_344 = arith.constant 0 : i32
        %dma_wait3A_345 = tpu.memref_slice %arg6[%dma_wait3A_343, %dma_wait3A_344] : memref<10240x128xf32, #tpu.memory_space<vmem_shared>> -> memref<10240x128xf32, #tpu.memory_space<vmem_shared>>
        tpu.wait_indirect_dma semaphore(%run_scoped3A_333 : memref<!tpu.dma_semaphore, #tpu.memory_space<semaphore_mem>>) src(%arg11 : memref<128x128xf32, #tpu.memory_space<vmem>>) dst(%dma_wait3A_345 : memref<10240x128xf32, #tpu.memory_space<vmem_shared>>)
        tpu.yield
      }) : () -> ()
      %dma_start3A_147 = arith.constant 6 : i32
      %dma_start3A_148 = arith.constant 0 : i32
      %dma_start3A_149 = tpu.memref_slice %arg7[%dma_start3A_147, %dma_start3A_148] : memref<8x128xi32, #tpu.memory_space<vmem>> -> memref<1x128xi32, #tpu.memory_space<vmem>>
      %dma_start3A_150 = tpu.memref_squeeze %dma_start3A_149 : memref<1x128xi32, #tpu.memory_space<vmem>> -> memref<128xi32, #tpu.memory_space<vmem>>
      %dma_start3A_151 = arith.constant 0 : i32
      %dma_start3A_152 = arith.constant 0 : i32
      %dma_start3A_153 = tpu.memref_slice %arg2[%dma_start3A_151, %dma_start3A_152] : memref<10240x128xf32, #tpu.memory_space<hbm>> -> memref<10240x128xf32, #tpu.memory_space<hbm>>
      tpu.enqueue_indirect_dma source(%dma_start3A_153 : memref<10240x128xf32, #tpu.memory_space<hbm>>) target(%arg11 : memref<128x128xf32, #tpu.memory_space<vmem>>) offsets(%dma_start3A_150 : memref<128xi32, #tpu.memory_space<vmem>>) semaphore(%arg15 : memref<!tpu.dma_semaphore, #tpu.memory_space<semaphore_mem>>)
      %dma_wait3A_154 = arith.constant 5 : i32
      %dma_wait3A_155 = arith.constant 0 : i32
      %dma_wait3A_156 = tpu.memref_slice %arg7[%dma_wait3A_154, %dma_wait3A_155] : memref<8x128xi32, #tpu.memory_space<vmem>> -> memref<1x128xi32, #tpu.memory_space<vmem>>
      %dma_wait3A_157 = tpu.memref_squeeze %dma_wait3A_156 : memref<1x128xi32, #tpu.memory_space<vmem>> -> memref<128xi32, #tpu.memory_space<vmem>>
      %dma_wait3A_158 = arith.constant 0 : i32
      %dma_wait3A_159 = arith.constant 0 : i32
      %dma_wait3A_160 = tpu.memref_slice %arg2[%dma_wait3A_158, %dma_wait3A_159] : memref<10240x128xf32, #tpu.memory_space<hbm>> -> memref<10240x128xf32, #tpu.memory_space<hbm>>
      tpu.wait_indirect_dma semaphore(%arg16 : memref<!tpu.dma_semaphore, #tpu.memory_space<semaphore_mem>>) src(%dma_wait3A_160 : memref<10240x128xf32, #tpu.memory_space<hbm>>) dst(%arg12 : memref<128x128xf32, #tpu.memory_space<vmem>>)
      %run_scoped3A_161 = arith.constant 5 : i32
      "tpu.region"() ({
        %run_scoped3A_333 = tpu.sem_alloc : memref<!tpu.dma_semaphore, #tpu.memory_space<semaphore_mem>>
        %dma_start3A_334 = arith.constant 0 : i32
        %dma_start3A_335 = tpu.memref_slice %arg8[%run_scoped3A_161, %dma_start3A_334] : memref<8x128xi32, #tpu.memory_space<vmem>> -> memref<1x128xi32, #tpu.memory_space<vmem>>
        %dma_start3A_336 = tpu.memref_squeeze %dma_start3A_335 : memref<1x128xi32, #tpu.memory_space<vmem>> -> memref<128xi32, #tpu.memory_space<vmem>>
        %dma_start3A_337 = arith.constant 0 : i32
        %dma_start3A_338 = arith.constant 0 : i32
        %dma_start3A_339 = tpu.memref_slice %arg6[%dma_start3A_337, %dma_start3A_338] : memref<10240x128xf32, #tpu.memory_space<vmem_shared>> -> memref<10240x128xf32, #tpu.memory_space<vmem_shared>>
        tpu.enqueue_indirect_dma source(%arg12 : memref<128x128xf32, #tpu.memory_space<vmem>>) target(%dma_start3A_339 : memref<10240x128xf32, #tpu.memory_space<vmem_shared>>) offsets(%dma_start3A_336 : memref<128xi32, #tpu.memory_space<vmem>>) semaphore(%run_scoped3A_333 : memref<!tpu.dma_semaphore, #tpu.memory_space<semaphore_mem>>) {add = true}
        %dma_wait3A_340 = arith.constant 0 : i32
        %dma_wait3A_341 = tpu.memref_slice %arg8[%run_scoped3A_161, %dma_wait3A_340] : memref<8x128xi32, #tpu.memory_space<vmem>> -> memref<1x128xi32, #tpu.memory_space<vmem>>
        %dma_wait3A_342 = tpu.memref_squeeze %dma_wait3A_341 : memref<1x128xi32, #tpu.memory_space<vmem>> -> memref<128xi32, #tpu.memory_space<vmem>>
        %dma_wait3A_343 = arith.constant 0 : i32
        %dma_wait3A_344 = arith.constant 0 : i32
        %dma_wait3A_345 = tpu.memref_slice %arg6[%dma_wait3A_343, %dma_wait3A_344] : memref<10240x128xf32, #tpu.memory_space<vmem_shared>> -> memref<10240x128xf32, #tpu.memory_space<vmem_shared>>
        tpu.wait_indirect_dma semaphore(%run_scoped3A_333 : memref<!tpu.dma_semaphore, #tpu.memory_space<semaphore_mem>>) src(%arg12 : memref<128x128xf32, #tpu.memory_space<vmem>>) dst(%dma_wait3A_345 : memref<10240x128xf32, #tpu.memory_space<vmem_shared>>)
        tpu.yield
      }) : () -> ()
      %dma_start3A_162 = arith.constant 7 : i32
      %dma_start3A_163 = arith.constant 0 : i32
      %dma_start3A_164 = tpu.memref_slice %arg7[%dma_start3A_162, %dma_start3A_163] : memref<8x128xi32, #tpu.memory_space<vmem>> -> memref<1x128xi32, #tpu.memory_space<vmem>>
      %dma_start3A_165 = tpu.memref_squeeze %dma_start3A_164 : memref<1x128xi32, #tpu.memory_space<vmem>> -> memref<128xi32, #tpu.memory_space<vmem>>
      %dma_start3A_166 = arith.constant 0 : i32
      %dma_start3A_167 = arith.constant 0 : i32
      %dma_start3A_168 = tpu.memref_slice %arg2[%dma_start3A_166, %dma_start3A_167] : memref<10240x128xf32, #tpu.memory_space<hbm>> -> memref<10240x128xf32, #tpu.memory_space<hbm>>
      tpu.enqueue_indirect_dma source(%dma_start3A_168 : memref<10240x128xf32, #tpu.memory_space<hbm>>) target(%arg12 : memref<128x128xf32, #tpu.memory_space<vmem>>) offsets(%dma_start3A_165 : memref<128xi32, #tpu.memory_space<vmem>>) semaphore(%arg16 : memref<!tpu.dma_semaphore, #tpu.memory_space<semaphore_mem>>)
      %dma_wait3A_169 = arith.constant 6 : i32
      %dma_wait3A_170 = arith.constant 0 : i32
      %dma_wait3A_171 = tpu.memref_slice %arg7[%dma_wait3A_169, %dma_wait3A_170] : memref<8x128xi32, #tpu.memory_space<vmem>> -> memref<1x128xi32, #tpu.memory_space<vmem>>
      %dma_wait3A_172 = tpu.memref_squeeze %dma_wait3A_171 : memref<1x128xi32, #tpu.memory_space<vmem>> -> memref<128xi32, #tpu.memory_space<vmem>>
      %dma_wait3A_173 = arith.constant 0 : i32
      %dma_wait3A_174 = arith.constant 0 : i32
      %dma_wait3A_175 = tpu.memref_slice %arg2[%dma_wait3A_173, %dma_wait3A_174] : memref<10240x128xf32, #tpu.memory_space<hbm>> -> memref<10240x128xf32, #tpu.memory_space<hbm>>
      tpu.wait_indirect_dma semaphore(%arg15 : memref<!tpu.dma_semaphore, #tpu.memory_space<semaphore_mem>>) src(%dma_wait3A_175 : memref<10240x128xf32, #tpu.memory_space<hbm>>) dst(%arg11 : memref<128x128xf32, #tpu.memory_space<vmem>>)
      %run_scoped3A_176 = arith.constant 6 : i32
      "tpu.region"() ({
        %run_scoped3A_333 = tpu.sem_alloc : memref<!tpu.dma_semaphore, #tpu.memory_space<semaphore_mem>>
        %dma_start3A_334 = arith.constant 0 : i32
        %dma_start3A_335 = tpu.memref_slice %arg8[%run_scoped3A_176, %dma_start3A_334] : memref<8x128xi32, #tpu.memory_space<vmem>> -> memref<1x128xi32, #tpu.memory_space<vmem>>
        %dma_start3A_336 = tpu.memref_squeeze %dma_start3A_335 : memref<1x128xi32, #tpu.memory_space<vmem>> -> memref<128xi32, #tpu.memory_space<vmem>>
        %dma_start3A_337 = arith.constant 0 : i32
        %dma_start3A_338 = arith.constant 0 : i32
        %dma_start3A_339 = tpu.memref_slice %arg6[%dma_start3A_337, %dma_start3A_338] : memref<10240x128xf32, #tpu.memory_space<vmem_shared>> -> memref<10240x128xf32, #tpu.memory_space<vmem_shared>>
        tpu.enqueue_indirect_dma source(%arg11 : memref<128x128xf32, #tpu.memory_space<vmem>>) target(%dma_start3A_339 : memref<10240x128xf32, #tpu.memory_space<vmem_shared>>) offsets(%dma_start3A_336 : memref<128xi32, #tpu.memory_space<vmem>>) semaphore(%run_scoped3A_333 : memref<!tpu.dma_semaphore, #tpu.memory_space<semaphore_mem>>) {add = true}
        %dma_wait3A_340 = arith.constant 0 : i32
        %dma_wait3A_341 = tpu.memref_slice %arg8[%run_scoped3A_176, %dma_wait3A_340] : memref<8x128xi32, #tpu.memory_space<vmem>> -> memref<1x128xi32, #tpu.memory_space<vmem>>
        %dma_wait3A_342 = tpu.memref_squeeze %dma_wait3A_341 : memref<1x128xi32, #tpu.memory_space<vmem>> -> memref<128xi32, #tpu.memory_space<vmem>>
        %dma_wait3A_343 = arith.constant 0 : i32
        %dma_wait3A_344 = arith.constant 0 : i32
        %dma_wait3A_345 = tpu.memref_slice %arg6[%dma_wait3A_343, %dma_wait3A_344] : memref<10240x128xf32, #tpu.memory_space<vmem_shared>> -> memref<10240x128xf32, #tpu.memory_space<vmem_shared>>
        tpu.wait_indirect_dma semaphore(%run_scoped3A_333 : memref<!tpu.dma_semaphore, #tpu.memory_space<semaphore_mem>>) src(%arg11 : memref<128x128xf32, #tpu.memory_space<vmem>>) dst(%dma_wait3A_345 : memref<10240x128xf32, #tpu.memory_space<vmem_shared>>)
        tpu.yield
      }) : () -> ()
      %dma_wait3A_177 = arith.constant 7 : i32
      %dma_wait3A_178 = arith.constant 0 : i32
      %dma_wait3A_179 = tpu.memref_slice %arg7[%dma_wait3A_177, %dma_wait3A_178] : memref<8x128xi32, #tpu.memory_space<vmem>> -> memref<1x128xi32, #tpu.memory_space<vmem>>
      %dma_wait3A_180 = tpu.memref_squeeze %dma_wait3A_179 : memref<1x128xi32, #tpu.memory_space<vmem>> -> memref<128xi32, #tpu.memory_space<vmem>>
      %dma_wait3A_181 = arith.constant 0 : i32
      %dma_wait3A_182 = arith.constant 0 : i32
      %dma_wait3A_183 = tpu.memref_slice %arg2[%dma_wait3A_181, %dma_wait3A_182] : memref<10240x128xf32, #tpu.memory_space<hbm>> -> memref<10240x128xf32, #tpu.memory_space<hbm>>
      tpu.wait_indirect_dma semaphore(%arg16 : memref<!tpu.dma_semaphore, #tpu.memory_space<semaphore_mem>>) src(%dma_wait3A_183 : memref<10240x128xf32, #tpu.memory_space<hbm>>) dst(%arg12 : memref<128x128xf32, #tpu.memory_space<vmem>>)
      %run_scoped3A_184 = arith.constant 7 : i32
      "tpu.region"() ({
        %run_scoped3A_333 = tpu.sem_alloc : memref<!tpu.dma_semaphore, #tpu.memory_space<semaphore_mem>>
        %dma_start3A_334 = arith.constant 0 : i32
        %dma_start3A_335 = tpu.memref_slice %arg8[%run_scoped3A_184, %dma_start3A_334] : memref<8x128xi32, #tpu.memory_space<vmem>> -> memref<1x128xi32, #tpu.memory_space<vmem>>
        %dma_start3A_336 = tpu.memref_squeeze %dma_start3A_335 : memref<1x128xi32, #tpu.memory_space<vmem>> -> memref<128xi32, #tpu.memory_space<vmem>>
        %dma_start3A_337 = arith.constant 0 : i32
        %dma_start3A_338 = arith.constant 0 : i32
        %dma_start3A_339 = tpu.memref_slice %arg6[%dma_start3A_337, %dma_start3A_338] : memref<10240x128xf32, #tpu.memory_space<vmem_shared>> -> memref<10240x128xf32, #tpu.memory_space<vmem_shared>>
        tpu.enqueue_indirect_dma source(%arg12 : memref<128x128xf32, #tpu.memory_space<vmem>>) target(%dma_start3A_339 : memref<10240x128xf32, #tpu.memory_space<vmem_shared>>) offsets(%dma_start3A_336 : memref<128xi32, #tpu.memory_space<vmem>>) semaphore(%run_scoped3A_333 : memref<!tpu.dma_semaphore, #tpu.memory_space<semaphore_mem>>) {add = true}
        %dma_wait3A_340 = arith.constant 0 : i32
        %dma_wait3A_341 = tpu.memref_slice %arg8[%run_scoped3A_184, %dma_wait3A_340] : memref<8x128xi32, #tpu.memory_space<vmem>> -> memref<1x128xi32, #tpu.memory_space<vmem>>
        %dma_wait3A_342 = tpu.memref_squeeze %dma_wait3A_341 : memref<1x128xi32, #tpu.memory_space<vmem>> -> memref<128xi32, #tpu.memory_space<vmem>>
        %dma_wait3A_343 = arith.constant 0 : i32
        %dma_wait3A_344 = arith.constant 0 : i32
        %dma_wait3A_345 = tpu.memref_slice %arg6[%dma_wait3A_343, %dma_wait3A_344] : memref<10240x128xf32, #tpu.memory_space<vmem_shared>> -> memref<10240x128xf32, #tpu.memory_space<vmem_shared>>
        tpu.wait_indirect_dma semaphore(%run_scoped3A_333 : memref<!tpu.dma_semaphore, #tpu.memory_space<semaphore_mem>>) src(%arg12 : memref<128x128xf32, #tpu.memory_space<vmem>>) dst(%dma_wait3A_345 : memref<10240x128xf32, #tpu.memory_space<vmem_shared>>)
        tpu.yield
      }) : () -> ()
      %mul3A_185 = arith.constant 2 : i32
      %mul3A_186 = arith.muli %mul3A_185, %scan3A_43 : i32
      %add3A_187 = arith.constant 1 : i32
      %add3A_188 = arith.addi %mul3A_186, %add3A_187 : i32
      %dma_wait3A_189 = arith.constant 0 : i32
      %dma_wait3A_190 = arith.constant 0 : i32
      %dma_wait3A_191 = tpu.memref_slice %arg3[%add3A, %add3A_188, %dma_wait3A_189, %dma_wait3A_190] : memref<32x10x8x128xi32, #tpu.memory_space<hbm>> -> memref<1x1x8x128xi32, #tpu.memory_space<hbm>>
      %dma_wait3A_192 = tpu.memref_squeeze %dma_wait3A_191 : memref<1x1x8x128xi32, #tpu.memory_space<hbm>> -> memref<8x128xi32, #tpu.memory_space<hbm>>
      %dma_wait3A_193 = arith.constant 0 : i32
      %dma_wait3A_194 = arith.constant 0 : i32
      %dma_wait3A_195 = tpu.memref_slice %arg3[%add3A, %add3A_188, %dma_wait3A_193, %dma_wait3A_194] : memref<32x10x8x128xi32, #tpu.memory_space<hbm>> -> memref<1x1x8x128xi32, #tpu.memory_space<hbm>>
      %dma_wait3A_196 = tpu.memref_squeeze %dma_wait3A_195 : memref<1x1x8x128xi32, #tpu.memory_space<hbm>> -> memref<8x128xi32, #tpu.memory_space<hbm>>
      tpu.wait_dma2 semaphore(%arg14 : memref<!tpu.dma_semaphore, #tpu.memory_space<semaphore_mem>>) src(%dma_wait3A_196 : memref<8x128xi32, #tpu.memory_space<hbm>>) dst(%arg9 : memref<8x128xi32, #tpu.memory_space<vmem>>)
      %dma_wait3A_197 = arith.constant 0 : i32
      %dma_wait3A_198 = arith.constant 0 : i32
      %dma_wait3A_199 = tpu.memref_slice %arg4[%add3A, %add3A_188, %dma_wait3A_197, %dma_wait3A_198] : memref<32x10x8x128xi32, #tpu.memory_space<hbm>> -> memref<1x1x8x128xi32, #tpu.memory_space<hbm>>
      %dma_wait3A_200 = tpu.memref_squeeze %dma_wait3A_199 : memref<1x1x8x128xi32, #tpu.memory_space<hbm>> -> memref<8x128xi32, #tpu.memory_space<hbm>>
      %dma_wait3A_201 = arith.constant 0 : i32
      %dma_wait3A_202 = arith.constant 0 : i32
      %dma_wait3A_203 = tpu.memref_slice %arg4[%add3A, %add3A_188, %dma_wait3A_201, %dma_wait3A_202] : memref<32x10x8x128xi32, #tpu.memory_space<hbm>> -> memref<1x1x8x128xi32, #tpu.memory_space<hbm>>
      %dma_wait3A_204 = tpu.memref_squeeze %dma_wait3A_203 : memref<1x1x8x128xi32, #tpu.memory_space<hbm>> -> memref<8x128xi32, #tpu.memory_space<hbm>>
      tpu.wait_dma2 semaphore(%arg14 : memref<!tpu.dma_semaphore, #tpu.memory_space<semaphore_mem>>) src(%dma_wait3A_204 : memref<8x128xi32, #tpu.memory_space<hbm>>) dst(%arg10 : memref<8x128xi32, #tpu.memory_space<vmem>>)
      %add3A_205 = arith.constant 1 : i32
      %add3A_206 = arith.addi %add3A_188, %add3A_205 : i32
      %lt3A_207 = arith.constant 10 : i32
      %lt3A_208 = arith.cmpi slt, %add3A_206, %lt3A_207 : i32
      %convert_element_type3A_209 = arith.extui %lt3A_208 : i1 to i32
      %cond3A_210 = arith.constant 0 : i32
      %cond3A_211 = arith.cmpi ne, %convert_element_type3A_209, %cond3A_210 : i32
      scf.if %cond3A_211 {
        %add3A_333 = arith.constant 1 : i32
        %add3A_334 = arith.addi %add3A_188, %add3A_333 : i32
        %dma_start3A_335 = arith.constant 0 : i32
        %dma_start3A_336 = arith.constant 0 : i32
        %dma_start3A_337 = tpu.memref_slice %arg3[%add3A, %add3A_334, %dma_start3A_335, %dma_start3A_336] : memref<32x10x8x128xi32, #tpu.memory_space<hbm>> -> memref<1x1x8x128xi32, #tpu.memory_space<hbm>>
        %dma_start3A_338 = tpu.memref_squeeze %dma_start3A_337 : memref<1x1x8x128xi32, #tpu.memory_space<hbm>> -> memref<8x128xi32, #tpu.memory_space<hbm>>
        %dma_start3A_339 = arith.constant 0 : i32
        %dma_start3A_340 = arith.constant 0 : i32
        %dma_start3A_341 = tpu.memref_slice %arg3[%add3A, %add3A_334, %dma_start3A_339, %dma_start3A_340] : memref<32x10x8x128xi32, #tpu.memory_space<hbm>> -> memref<1x1x8x128xi32, #tpu.memory_space<hbm>>
        %dma_start3A_342 = tpu.memref_squeeze %dma_start3A_341 : memref<1x1x8x128xi32, #tpu.memory_space<hbm>> -> memref<8x128xi32, #tpu.memory_space<hbm>>
        tpu.enqueue_dma source(%dma_start3A_342 : memref<8x128xi32, #tpu.memory_space<hbm>>) target(%arg7 : memref<8x128xi32, #tpu.memory_space<vmem>>) target_semaphore(%arg13 : memref<!tpu.dma_semaphore, #tpu.memory_space<semaphore_mem>>)
        %add3A_343 = arith.constant 1 : i32
        %add3A_344 = arith.addi %add3A_188, %add3A_343 : i32
        %dma_start3A_345 = arith.constant 0 : i32
        %dma_start3A_346 = arith.constant 0 : i32
        %dma_start3A_347 = tpu.memref_slice %arg4[%add3A, %add3A_344, %dma_start3A_345, %dma_start3A_346] : memref<32x10x8x128xi32, #tpu.memory_space<hbm>> -> memref<1x1x8x128xi32, #tpu.memory_space<hbm>>
        %dma_start3A_348 = tpu.memref_squeeze %dma_start3A_347 : memref<1x1x8x128xi32, #tpu.memory_space<hbm>> -> memref<8x128xi32, #tpu.memory_space<hbm>>
        %dma_start3A_349 = arith.constant 0 : i32
        %dma_start3A_350 = arith.constant 0 : i32
        %dma_start3A_351 = tpu.memref_slice %arg4[%add3A, %add3A_344, %dma_start3A_349, %dma_start3A_350] : memref<32x10x8x128xi32, #tpu.memory_space<hbm>> -> memref<1x1x8x128xi32, #tpu.memory_space<hbm>>
        %dma_start3A_352 = tpu.memref_squeeze %dma_start3A_351 : memref<1x1x8x128xi32, #tpu.memory_space<hbm>> -> memref<8x128xi32, #tpu.memory_space<hbm>>
        tpu.enqueue_dma source(%dma_start3A_352 : memref<8x128xi32, #tpu.memory_space<hbm>>) target(%arg8 : memref<8x128xi32, #tpu.memory_space<vmem>>) target_semaphore(%arg13 : memref<!tpu.dma_semaphore, #tpu.memory_space<semaphore_mem>>)
      } else {
      }
      %dma_start3A_212 = arith.constant 0 : i32
      %dma_start3A_213 = arith.constant 0 : i32
      %dma_start3A_214 = tpu.memref_slice %arg9[%dma_start3A_212, %dma_start3A_213] : memref<8x128xi32, #tpu.memory_space<vmem>> -> memref<1x128xi32, #tpu.memory_space<vmem>>
      %dma_start3A_215 = tpu.memref_squeeze %dma_start3A_214 : memref<1x128xi32, #tpu.memory_space<vmem>> -> memref<128xi32, #tpu.memory_space<vmem>>
      %dma_start3A_216 = arith.constant 0 : i32
      %dma_start3A_217 = arith.constant 0 : i32
      %dma_start3A_218 = tpu.memref_slice %arg2[%dma_start3A_216, %dma_start3A_217] : memref<10240x128xf32, #tpu.memory_space<hbm>> -> memref<10240x128xf32, #tpu.memory_space<hbm>>
      tpu.enqueue_indirect_dma source(%dma_start3A_218 : memref<10240x128xf32, #tpu.memory_space<hbm>>) target(%arg11 : memref<128x128xf32, #tpu.memory_space<vmem>>) offsets(%dma_start3A_215 : memref<128xi32, #tpu.memory_space<vmem>>) semaphore(%arg15 : memref<!tpu.dma_semaphore, #tpu.memory_space<semaphore_mem>>)
      %dma_start3A_219 = arith.constant 1 : i32
      %dma_start3A_220 = arith.constant 0 : i32
      %dma_start3A_221 = tpu.memref_slice %arg9[%dma_start3A_219, %dma_start3A_220] : memref<8x128xi32, #tpu.memory_space<vmem>> -> memref<1x128xi32, #tpu.memory_space<vmem>>
      %dma_start3A_222 = tpu.memref_squeeze %dma_start3A_221 : memref<1x128xi32, #tpu.memory_space<vmem>> -> memref<128xi32, #tpu.memory_space<vmem>>
      %dma_start3A_223 = arith.constant 0 : i32
      %dma_start3A_224 = arith.constant 0 : i32
      %dma_start3A_225 = tpu.memref_slice %arg2[%dma_start3A_223, %dma_start3A_224] : memref<10240x128xf32, #tpu.memory_space<hbm>> -> memref<10240x128xf32, #tpu.memory_space<hbm>>
      tpu.enqueue_indirect_dma source(%dma_start3A_225 : memref<10240x128xf32, #tpu.memory_space<hbm>>) target(%arg12 : memref<128x128xf32, #tpu.memory_space<vmem>>) offsets(%dma_start3A_222 : memref<128xi32, #tpu.memory_space<vmem>>) semaphore(%arg16 : memref<!tpu.dma_semaphore, #tpu.memory_space<semaphore_mem>>)
      %dma_wait3A_226 = arith.constant 0 : i32
      %dma_wait3A_227 = arith.constant 0 : i32
      %dma_wait3A_228 = tpu.memref_slice %arg9[%dma_wait3A_226, %dma_wait3A_227] : memref<8x128xi32, #tpu.memory_space<vmem>> -> memref<1x128xi32, #tpu.memory_space<vmem>>
      %dma_wait3A_229 = tpu.memref_squeeze %dma_wait3A_228 : memref<1x128xi32, #tpu.memory_space<vmem>> -> memref<128xi32, #tpu.memory_space<vmem>>
      %dma_wait3A_230 = arith.constant 0 : i32
      %dma_wait3A_231 = arith.constant 0 : i32
      %dma_wait3A_232 = tpu.memref_slice %arg2[%dma_wait3A_230, %dma_wait3A_231] : memref<10240x128xf32, #tpu.memory_space<hbm>> -> memref<10240x128xf32, #tpu.memory_space<hbm>>
      tpu.wait_indirect_dma semaphore(%arg15 : memref<!tpu.dma_semaphore, #tpu.memory_space<semaphore_mem>>) src(%dma_wait3A_232 : memref<10240x128xf32, #tpu.memory_space<hbm>>) dst(%arg11 : memref<128x128xf32, #tpu.memory_space<vmem>>)
      %run_scoped3A_233 = arith.constant 0 : i32
      "tpu.region"() ({
        %run_scoped3A_333 = tpu.sem_alloc : memref<!tpu.dma_semaphore, #tpu.memory_space<semaphore_mem>>
        %dma_start3A_334 = arith.constant 0 : i32
        %dma_start3A_335 = tpu.memref_slice %arg10[%run_scoped3A_233, %dma_start3A_334] : memref<8x128xi32, #tpu.memory_space<vmem>> -> memref<1x128xi32, #tpu.memory_space<vmem>>
        %dma_start3A_336 = tpu.memref_squeeze %dma_start3A_335 : memref<1x128xi32, #tpu.memory_space<vmem>> -> memref<128xi32, #tpu.memory_space<vmem>>
        %dma_start3A_337 = arith.constant 0 : i32
        %dma_start3A_338 = arith.constant 0 : i32
        %dma_start3A_339 = tpu.memref_slice %arg6[%dma_start3A_337, %dma_start3A_338] : memref<10240x128xf32, #tpu.memory_space<vmem_shared>> -> memref<10240x128xf32, #tpu.memory_space<vmem_shared>>
        tpu.enqueue_indirect_dma source(%arg11 : memref<128x128xf32, #tpu.memory_space<vmem>>) target(%dma_start3A_339 : memref<10240x128xf32, #tpu.memory_space<vmem_shared>>) offsets(%dma_start3A_336 : memref<128xi32, #tpu.memory_space<vmem>>) semaphore(%run_scoped3A_333 : memref<!tpu.dma_semaphore, #tpu.memory_space<semaphore_mem>>) {add = true}
        %dma_wait3A_340 = arith.constant 0 : i32
        %dma_wait3A_341 = tpu.memref_slice %arg10[%run_scoped3A_233, %dma_wait3A_340] : memref<8x128xi32, #tpu.memory_space<vmem>> -> memref<1x128xi32, #tpu.memory_space<vmem>>
        %dma_wait3A_342 = tpu.memref_squeeze %dma_wait3A_341 : memref<1x128xi32, #tpu.memory_space<vmem>> -> memref<128xi32, #tpu.memory_space<vmem>>
        %dma_wait3A_343 = arith.constant 0 : i32
        %dma_wait3A_344 = arith.constant 0 : i32
        %dma_wait3A_345 = tpu.memref_slice %arg6[%dma_wait3A_343, %dma_wait3A_344] : memref<10240x128xf32, #tpu.memory_space<vmem_shared>> -> memref<10240x128xf32, #tpu.memory_space<vmem_shared>>
        tpu.wait_indirect_dma semaphore(%run_scoped3A_333 : memref<!tpu.dma_semaphore, #tpu.memory_space<semaphore_mem>>) src(%arg11 : memref<128x128xf32, #tpu.memory_space<vmem>>) dst(%dma_wait3A_345 : memref<10240x128xf32, #tpu.memory_space<vmem_shared>>)
        tpu.yield
      }) : () -> ()
      %dma_start3A_234 = arith.constant 2 : i32
      %dma_start3A_235 = arith.constant 0 : i32
      %dma_start3A_236 = tpu.memref_slice %arg9[%dma_start3A_234, %dma_start3A_235] : memref<8x128xi32, #tpu.memory_space<vmem>> -> memref<1x128xi32, #tpu.memory_space<vmem>>
      %dma_start3A_237 = tpu.memref_squeeze %dma_start3A_236 : memref<1x128xi32, #tpu.memory_space<vmem>> -> memref<128xi32, #tpu.memory_space<vmem>>
      %dma_start3A_238 = arith.constant 0 : i32
      %dma_start3A_239 = arith.constant 0 : i32
      %dma_start3A_240 = tpu.memref_slice %arg2[%dma_start3A_238, %dma_start3A_239] : memref<10240x128xf32, #tpu.memory_space<hbm>> -> memref<10240x128xf32, #tpu.memory_space<hbm>>
      tpu.enqueue_indirect_dma source(%dma_start3A_240 : memref<10240x128xf32, #tpu.memory_space<hbm>>) target(%arg11 : memref<128x128xf32, #tpu.memory_space<vmem>>) offsets(%dma_start3A_237 : memref<128xi32, #tpu.memory_space<vmem>>) semaphore(%arg15 : memref<!tpu.dma_semaphore, #tpu.memory_space<semaphore_mem>>)
      %dma_wait3A_241 = arith.constant 1 : i32
      %dma_wait3A_242 = arith.constant 0 : i32
      %dma_wait3A_243 = tpu.memref_slice %arg9[%dma_wait3A_241, %dma_wait3A_242] : memref<8x128xi32, #tpu.memory_space<vmem>> -> memref<1x128xi32, #tpu.memory_space<vmem>>
      %dma_wait3A_244 = tpu.memref_squeeze %dma_wait3A_243 : memref<1x128xi32, #tpu.memory_space<vmem>> -> memref<128xi32, #tpu.memory_space<vmem>>
      %dma_wait3A_245 = arith.constant 0 : i32
      %dma_wait3A_246 = arith.constant 0 : i32
      %dma_wait3A_247 = tpu.memref_slice %arg2[%dma_wait3A_245, %dma_wait3A_246] : memref<10240x128xf32, #tpu.memory_space<hbm>> -> memref<10240x128xf32, #tpu.memory_space<hbm>>
      tpu.wait_indirect_dma semaphore(%arg16 : memref<!tpu.dma_semaphore, #tpu.memory_space<semaphore_mem>>) src(%dma_wait3A_247 : memref<10240x128xf32, #tpu.memory_space<hbm>>) dst(%arg12 : memref<128x128xf32, #tpu.memory_space<vmem>>)
      %run_scoped3A_248 = arith.constant 1 : i32
      "tpu.region"() ({
        %run_scoped3A_333 = tpu.sem_alloc : memref<!tpu.dma_semaphore, #tpu.memory_space<semaphore_mem>>
        %dma_start3A_334 = arith.constant 0 : i32
        %dma_start3A_335 = tpu.memref_slice %arg10[%run_scoped3A_248, %dma_start3A_334] : memref<8x128xi32, #tpu.memory_space<vmem>> -> memref<1x128xi32, #tpu.memory_space<vmem>>
        %dma_start3A_336 = tpu.memref_squeeze %dma_start3A_335 : memref<1x128xi32, #tpu.memory_space<vmem>> -> memref<128xi32, #tpu.memory_space<vmem>>
        %dma_start3A_337 = arith.constant 0 : i32
        %dma_start3A_338 = arith.constant 0 : i32
        %dma_start3A_339 = tpu.memref_slice %arg6[%dma_start3A_337, %dma_start3A_338] : memref<10240x128xf32, #tpu.memory_space<vmem_shared>> -> memref<10240x128xf32, #tpu.memory_space<vmem_shared>>
        tpu.enqueue_indirect_dma source(%arg12 : memref<128x128xf32, #tpu.memory_space<vmem>>) target(%dma_start3A_339 : memref<10240x128xf32, #tpu.memory_space<vmem_shared>>) offsets(%dma_start3A_336 : memref<128xi32, #tpu.memory_space<vmem>>) semaphore(%run_scoped3A_333 : memref<!tpu.dma_semaphore, #tpu.memory_space<semaphore_mem>>) {add = true}
        %dma_wait3A_340 = arith.constant 0 : i32
        %dma_wait3A_341 = tpu.memref_slice %arg10[%run_scoped3A_248, %dma_wait3A_340] : memref<8x128xi32, #tpu.memory_space<vmem>> -> memref<1x128xi32, #tpu.memory_space<vmem>>
        %dma_wait3A_342 = tpu.memref_squeeze %dma_wait3A_341 : memref<1x128xi32, #tpu.memory_space<vmem>> -> memref<128xi32, #tpu.memory_space<vmem>>
        %dma_wait3A_343 = arith.constant 0 : i32
        %dma_wait3A_344 = arith.constant 0 : i32
        %dma_wait3A_345 = tpu.memref_slice %arg6[%dma_wait3A_343, %dma_wait3A_344] : memref<10240x128xf32, #tpu.memory_space<vmem_shared>> -> memref<10240x128xf32, #tpu.memory_space<vmem_shared>>
        tpu.wait_indirect_dma semaphore(%run_scoped3A_333 : memref<!tpu.dma_semaphore, #tpu.memory_space<semaphore_mem>>) src(%arg12 : memref<128x128xf32, #tpu.memory_space<vmem>>) dst(%dma_wait3A_345 : memref<10240x128xf32, #tpu.memory_space<vmem_shared>>)
        tpu.yield
      }) : () -> ()
      %dma_start3A_249 = arith.constant 3 : i32
      %dma_start3A_250 = arith.constant 0 : i32
      %dma_start3A_251 = tpu.memref_slice %arg9[%dma_start3A_249, %dma_start3A_250] : memref<8x128xi32, #tpu.memory_space<vmem>> -> memref<1x128xi32, #tpu.memory_space<vmem>>
      %dma_start3A_252 = tpu.memref_squeeze %dma_start3A_251 : memref<1x128xi32, #tpu.memory_space<vmem>> -> memref<128xi32, #tpu.memory_space<vmem>>
      %dma_start3A_253 = arith.constant 0 : i32
      %dma_start3A_254 = arith.constant 0 : i32
      %dma_start3A_255 = tpu.memref_slice %arg2[%dma_start3A_253, %dma_start3A_254] : memref<10240x128xf32, #tpu.memory_space<hbm>> -> memref<10240x128xf32, #tpu.memory_space<hbm>>
      tpu.enqueue_indirect_dma source(%dma_start3A_255 : memref<10240x128xf32, #tpu.memory_space<hbm>>) target(%arg12 : memref<128x128xf32, #tpu.memory_space<vmem>>) offsets(%dma_start3A_252 : memref<128xi32, #tpu.memory_space<vmem>>) semaphore(%arg16 : memref<!tpu.dma_semaphore, #tpu.memory_space<semaphore_mem>>)
      %dma_wait3A_256 = arith.constant 2 : i32
      %dma_wait3A_257 = arith.constant 0 : i32
      %dma_wait3A_258 = tpu.memref_slice %arg9[%dma_wait3A_256, %dma_wait3A_257] : memref<8x128xi32, #tpu.memory_space<vmem>> -> memref<1x128xi32, #tpu.memory_space<vmem>>
      %dma_wait3A_259 = tpu.memref_squeeze %dma_wait3A_258 : memref<1x128xi32, #tpu.memory_space<vmem>> -> memref<128xi32, #tpu.memory_space<vmem>>
      %dma_wait3A_260 = arith.constant 0 : i32
      %dma_wait3A_261 = arith.constant 0 : i32
      %dma_wait3A_262 = tpu.memref_slice %arg2[%dma_wait3A_260, %dma_wait3A_261] : memref<10240x128xf32, #tpu.memory_space<hbm>> -> memref<10240x128xf32, #tpu.memory_space<hbm>>
      tpu.wait_indirect_dma semaphore(%arg15 : memref<!tpu.dma_semaphore, #tpu.memory_space<semaphore_mem>>) src(%dma_wait3A_262 : memref<10240x128xf32, #tpu.memory_space<hbm>>) dst(%arg11 : memref<128x128xf32, #tpu.memory_space<vmem>>)
      %run_scoped3A_263 = arith.constant 2 : i32
      "tpu.region"() ({
        %run_scoped3A_333 = tpu.sem_alloc : memref<!tpu.dma_semaphore, #tpu.memory_space<semaphore_mem>>
        %dma_start3A_334 = arith.constant 0 : i32
        %dma_start3A_335 = tpu.memref_slice %arg10[%run_scoped3A_263, %dma_start3A_334] : memref<8x128xi32, #tpu.memory_space<vmem>> -> memref<1x128xi32, #tpu.memory_space<vmem>>
        %dma_start3A_336 = tpu.memref_squeeze %dma_start3A_335 : memref<1x128xi32, #tpu.memory_space<vmem>> -> memref<128xi32, #tpu.memory_space<vmem>>
        %dma_start3A_337 = arith.constant 0 : i32
        %dma_start3A_338 = arith.constant 0 : i32
        %dma_start3A_339 = tpu.memref_slice %arg6[%dma_start3A_337, %dma_start3A_338] : memref<10240x128xf32, #tpu.memory_space<vmem_shared>> -> memref<10240x128xf32, #tpu.memory_space<vmem_shared>>
        tpu.enqueue_indirect_dma source(%arg11 : memref<128x128xf32, #tpu.memory_space<vmem>>) target(%dma_start3A_339 : memref<10240x128xf32, #tpu.memory_space<vmem_shared>>) offsets(%dma_start3A_336 : memref<128xi32, #tpu.memory_space<vmem>>) semaphore(%run_scoped3A_333 : memref<!tpu.dma_semaphore, #tpu.memory_space<semaphore_mem>>) {add = true}
        %dma_wait3A_340 = arith.constant 0 : i32
        %dma_wait3A_341 = tpu.memref_slice %arg10[%run_scoped3A_263, %dma_wait3A_340] : memref<8x128xi32, #tpu.memory_space<vmem>> -> memref<1x128xi32, #tpu.memory_space<vmem>>
        %dma_wait3A_342 = tpu.memref_squeeze %dma_wait3A_341 : memref<1x128xi32, #tpu.memory_space<vmem>> -> memref<128xi32, #tpu.memory_space<vmem>>
        %dma_wait3A_343 = arith.constant 0 : i32
        %dma_wait3A_344 = arith.constant 0 : i32
        %dma_wait3A_345 = tpu.memref_slice %arg6[%dma_wait3A_343, %dma_wait3A_344] : memref<10240x128xf32, #tpu.memory_space<vmem_shared>> -> memref<10240x128xf32, #tpu.memory_space<vmem_shared>>
        tpu.wait_indirect_dma semaphore(%run_scoped3A_333 : memref<!tpu.dma_semaphore, #tpu.memory_space<semaphore_mem>>) src(%arg11 : memref<128x128xf32, #tpu.memory_space<vmem>>) dst(%dma_wait3A_345 : memref<10240x128xf32, #tpu.memory_space<vmem_shared>>)
        tpu.yield
      }) : () -> ()
      %dma_start3A_264 = arith.constant 4 : i32
      %dma_start3A_265 = arith.constant 0 : i32
      %dma_start3A_266 = tpu.memref_slice %arg9[%dma_start3A_264, %dma_start3A_265] : memref<8x128xi32, #tpu.memory_space<vmem>> -> memref<1x128xi32, #tpu.memory_space<vmem>>
      %dma_start3A_267 = tpu.memref_squeeze %dma_start3A_266 : memref<1x128xi32, #tpu.memory_space<vmem>> -> memref<128xi32, #tpu.memory_space<vmem>>
      %dma_start3A_268 = arith.constant 0 : i32
      %dma_start3A_269 = arith.constant 0 : i32
      %dma_start3A_270 = tpu.memref_slice %arg2[%dma_start3A_268, %dma_start3A_269] : memref<10240x128xf32, #tpu.memory_space<hbm>> -> memref<10240x128xf32, #tpu.memory_space<hbm>>
      tpu.enqueue_indirect_dma source(%dma_start3A_270 : memref<10240x128xf32, #tpu.memory_space<hbm>>) target(%arg11 : memref<128x128xf32, #tpu.memory_space<vmem>>) offsets(%dma_start3A_267 : memref<128xi32, #tpu.memory_space<vmem>>) semaphore(%arg15 : memref<!tpu.dma_semaphore, #tpu.memory_space<semaphore_mem>>)
      %dma_wait3A_271 = arith.constant 3 : i32
      %dma_wait3A_272 = arith.constant 0 : i32
      %dma_wait3A_273 = tpu.memref_slice %arg9[%dma_wait3A_271, %dma_wait3A_272] : memref<8x128xi32, #tpu.memory_space<vmem>> -> memref<1x128xi32, #tpu.memory_space<vmem>>
      %dma_wait3A_274 = tpu.memref_squeeze %dma_wait3A_273 : memref<1x128xi32, #tpu.memory_space<vmem>> -> memref<128xi32, #tpu.memory_space<vmem>>
      %dma_wait3A_275 = arith.constant 0 : i32
      %dma_wait3A_276 = arith.constant 0 : i32
      %dma_wait3A_277 = tpu.memref_slice %arg2[%dma_wait3A_275, %dma_wait3A_276] : memref<10240x128xf32, #tpu.memory_space<hbm>> -> memref<10240x128xf32, #tpu.memory_space<hbm>>
      tpu.wait_indirect_dma semaphore(%arg16 : memref<!tpu.dma_semaphore, #tpu.memory_space<semaphore_mem>>) src(%dma_wait3A_277 : memref<10240x128xf32, #tpu.memory_space<hbm>>) dst(%arg12 : memref<128x128xf32, #tpu.memory_space<vmem>>)
      %run_scoped3A_278 = arith.constant 3 : i32
      "tpu.region"() ({
        %run_scoped3A_333 = tpu.sem_alloc : memref<!tpu.dma_semaphore, #tpu.memory_space<semaphore_mem>>
        %dma_start3A_334 = arith.constant 0 : i32
        %dma_start3A_335 = tpu.memref_slice %arg10[%run_scoped3A_278, %dma_start3A_334] : memref<8x128xi32, #tpu.memory_space<vmem>> -> memref<1x128xi32, #tpu.memory_space<vmem>>
        %dma_start3A_336 = tpu.memref_squeeze %dma_start3A_335 : memref<1x128xi32, #tpu.memory_space<vmem>> -> memref<128xi32, #tpu.memory_space<vmem>>
        %dma_start3A_337 = arith.constant 0 : i32
        %dma_start3A_338 = arith.constant 0 : i32
        %dma_start3A_339 = tpu.memref_slice %arg6[%dma_start3A_337, %dma_start3A_338] : memref<10240x128xf32, #tpu.memory_space<vmem_shared>> -> memref<10240x128xf32, #tpu.memory_space<vmem_shared>>
        tpu.enqueue_indirect_dma source(%arg12 : memref<128x128xf32, #tpu.memory_space<vmem>>) target(%dma_start3A_339 : memref<10240x128xf32, #tpu.memory_space<vmem_shared>>) offsets(%dma_start3A_336 : memref<128xi32, #tpu.memory_space<vmem>>) semaphore(%run_scoped3A_333 : memref<!tpu.dma_semaphore, #tpu.memory_space<semaphore_mem>>) {add = true}
        %dma_wait3A_340 = arith.constant 0 : i32
        %dma_wait3A_341 = tpu.memref_slice %arg10[%run_scoped3A_278, %dma_wait3A_340] : memref<8x128xi32, #tpu.memory_space<vmem>> -> memref<1x128xi32, #tpu.memory_space<vmem>>
        %dma_wait3A_342 = tpu.memref_squeeze %dma_wait3A_341 : memref<1x128xi32, #tpu.memory_space<vmem>> -> memref<128xi32, #tpu.memory_space<vmem>>
        %dma_wait3A_343 = arith.constant 0 : i32
        %dma_wait3A_344 = arith.constant 0 : i32
        %dma_wait3A_345 = tpu.memref_slice %arg6[%dma_wait3A_343, %dma_wait3A_344] : memref<10240x128xf32, #tpu.memory_space<vmem_shared>> -> memref<10240x128xf32, #tpu.memory_space<vmem_shared>>
        tpu.wait_indirect_dma semaphore(%run_scoped3A_333 : memref<!tpu.dma_semaphore, #tpu.memory_space<semaphore_mem>>) src(%arg12 : memref<128x128xf32, #tpu.memory_space<vmem>>) dst(%dma_wait3A_345 : memref<10240x128xf32, #tpu.memory_space<vmem_shared>>)
        tpu.yield
      }) : () -> ()
      %dma_start3A_279 = arith.constant 5 : i32
      %dma_start3A_280 = arith.constant 0 : i32
      %dma_start3A_281 = tpu.memref_slice %arg9[%dma_start3A_279, %dma_start3A_280] : memref<8x128xi32, #tpu.memory_space<vmem>> -> memref<1x128xi32, #tpu.memory_space<vmem>>
      %dma_start3A_282 = tpu.memref_squeeze %dma_start3A_281 : memref<1x128xi32, #tpu.memory_space<vmem>> -> memref<128xi32, #tpu.memory_space<vmem>>
      %dma_start3A_283 = arith.constant 0 : i32
      %dma_start3A_284 = arith.constant 0 : i32
      %dma_start3A_285 = tpu.memref_slice %arg2[%dma_start3A_283, %dma_start3A_284] : memref<10240x128xf32, #tpu.memory_space<hbm>> -> memref<10240x128xf32, #tpu.memory_space<hbm>>
      tpu.enqueue_indirect_dma source(%dma_start3A_285 : memref<10240x128xf32, #tpu.memory_space<hbm>>) target(%arg12 : memref<128x128xf32, #tpu.memory_space<vmem>>) offsets(%dma_start3A_282 : memref<128xi32, #tpu.memory_space<vmem>>) semaphore(%arg16 : memref<!tpu.dma_semaphore, #tpu.memory_space<semaphore_mem>>)
      %dma_wait3A_286 = arith.constant 4 : i32
      %dma_wait3A_287 = arith.constant 0 : i32
      %dma_wait3A_288 = tpu.memref_slice %arg9[%dma_wait3A_286, %dma_wait3A_287] : memref<8x128xi32, #tpu.memory_space<vmem>> -> memref<1x128xi32, #tpu.memory_space<vmem>>
      %dma_wait3A_289 = tpu.memref_squeeze %dma_wait3A_288 : memref<1x128xi32, #tpu.memory_space<vmem>> -> memref<128xi32, #tpu.memory_space<vmem>>
      %dma_wait3A_290 = arith.constant 0 : i32
      %dma_wait3A_291 = arith.constant 0 : i32
      %dma_wait3A_292 = tpu.memref_slice %arg2[%dma_wait3A_290, %dma_wait3A_291] : memref<10240x128xf32, #tpu.memory_space<hbm>> -> memref<10240x128xf32, #tpu.memory_space<hbm>>
      tpu.wait_indirect_dma semaphore(%arg15 : memref<!tpu.dma_semaphore, #tpu.memory_space<semaphore_mem>>) src(%dma_wait3A_292 : memref<10240x128xf32, #tpu.memory_space<hbm>>) dst(%arg11 : memref<128x128xf32, #tpu.memory_space<vmem>>)
      %run_scoped3A_293 = arith.constant 4 : i32
      "tpu.region"() ({
        %run_scoped3A_333 = tpu.sem_alloc : memref<!tpu.dma_semaphore, #tpu.memory_space<semaphore_mem>>
        %dma_start3A_334 = arith.constant 0 : i32
        %dma_start3A_335 = tpu.memref_slice %arg10[%run_scoped3A_293, %dma_start3A_334] : memref<8x128xi32, #tpu.memory_space<vmem>> -> memref<1x128xi32, #tpu.memory_space<vmem>>
        %dma_start3A_336 = tpu.memref_squeeze %dma_start3A_335 : memref<1x128xi32, #tpu.memory_space<vmem>> -> memref<128xi32, #tpu.memory_space<vmem>>
        %dma_start3A_337 = arith.constant 0 : i32
        %dma_start3A_338 = arith.constant 0 : i32
        %dma_start3A_339 = tpu.memref_slice %arg6[%dma_start3A_337, %dma_start3A_338] : memref<10240x128xf32, #tpu.memory_space<vmem_shared>> -> memref<10240x128xf32, #tpu.memory_space<vmem_shared>>
        tpu.enqueue_indirect_dma source(%arg11 : memref<128x128xf32, #tpu.memory_space<vmem>>) target(%dma_start3A_339 : memref<10240x128xf32, #tpu.memory_space<vmem_shared>>) offsets(%dma_start3A_336 : memref<128xi32, #tpu.memory_space<vmem>>) semaphore(%run_scoped3A_333 : memref<!tpu.dma_semaphore, #tpu.memory_space<semaphore_mem>>) {add = true}
        %dma_wait3A_340 = arith.constant 0 : i32
        %dma_wait3A_341 = tpu.memref_slice %arg10[%run_scoped3A_293, %dma_wait3A_340] : memref<8x128xi32, #tpu.memory_space<vmem>> -> memref<1x128xi32, #tpu.memory_space<vmem>>
        %dma_wait3A_342 = tpu.memref_squeeze %dma_wait3A_341 : memref<1x128xi32, #tpu.memory_space<vmem>> -> memref<128xi32, #tpu.memory_space<vmem>>
        %dma_wait3A_343 = arith.constant 0 : i32
        %dma_wait3A_344 = arith.constant 0 : i32
        %dma_wait3A_345 = tpu.memref_slice %arg6[%dma_wait3A_343, %dma_wait3A_344] : memref<10240x128xf32, #tpu.memory_space<vmem_shared>> -> memref<10240x128xf32, #tpu.memory_space<vmem_shared>>
        tpu.wait_indirect_dma semaphore(%run_scoped3A_333 : memref<!tpu.dma_semaphore, #tpu.memory_space<semaphore_mem>>) src(%arg11 : memref<128x128xf32, #tpu.memory_space<vmem>>) dst(%dma_wait3A_345 : memref<10240x128xf32, #tpu.memory_space<vmem_shared>>)
        tpu.yield
      }) : () -> ()
      %dma_start3A_294 = arith.constant 6 : i32
      %dma_start3A_295 = arith.constant 0 : i32
      %dma_start3A_296 = tpu.memref_slice %arg9[%dma_start3A_294, %dma_start3A_295] : memref<8x128xi32, #tpu.memory_space<vmem>> -> memref<1x128xi32, #tpu.memory_space<vmem>>
      %dma_start3A_297 = tpu.memref_squeeze %dma_start3A_296 : memref<1x128xi32, #tpu.memory_space<vmem>> -> memref<128xi32, #tpu.memory_space<vmem>>
      %dma_start3A_298 = arith.constant 0 : i32
      %dma_start3A_299 = arith.constant 0 : i32
      %dma_start3A_300 = tpu.memref_slice %arg2[%dma_start3A_298, %dma_start3A_299] : memref<10240x128xf32, #tpu.memory_space<hbm>> -> memref<10240x128xf32, #tpu.memory_space<hbm>>
      tpu.enqueue_indirect_dma source(%dma_start3A_300 : memref<10240x128xf32, #tpu.memory_space<hbm>>) target(%arg11 : memref<128x128xf32, #tpu.memory_space<vmem>>) offsets(%dma_start3A_297 : memref<128xi32, #tpu.memory_space<vmem>>) semaphore(%arg15 : memref<!tpu.dma_semaphore, #tpu.memory_space<semaphore_mem>>)
      %dma_wait3A_301 = arith.constant 5 : i32
      %dma_wait3A_302 = arith.constant 0 : i32
      %dma_wait3A_303 = tpu.memref_slice %arg9[%dma_wait3A_301, %dma_wait3A_302] : memref<8x128xi32, #tpu.memory_space<vmem>> -> memref<1x128xi32, #tpu.memory_space<vmem>>
      %dma_wait3A_304 = tpu.memref_squeeze %dma_wait3A_303 : memref<1x128xi32, #tpu.memory_space<vmem>> -> memref<128xi32, #tpu.memory_space<vmem>>
      %dma_wait3A_305 = arith.constant 0 : i32
      %dma_wait3A_306 = arith.constant 0 : i32
      %dma_wait3A_307 = tpu.memref_slice %arg2[%dma_wait3A_305, %dma_wait3A_306] : memref<10240x128xf32, #tpu.memory_space<hbm>> -> memref<10240x128xf32, #tpu.memory_space<hbm>>
      tpu.wait_indirect_dma semaphore(%arg16 : memref<!tpu.dma_semaphore, #tpu.memory_space<semaphore_mem>>) src(%dma_wait3A_307 : memref<10240x128xf32, #tpu.memory_space<hbm>>) dst(%arg12 : memref<128x128xf32, #tpu.memory_space<vmem>>)
      %run_scoped3A_308 = arith.constant 5 : i32
      "tpu.region"() ({
        %run_scoped3A_333 = tpu.sem_alloc : memref<!tpu.dma_semaphore, #tpu.memory_space<semaphore_mem>>
        %dma_start3A_334 = arith.constant 0 : i32
        %dma_start3A_335 = tpu.memref_slice %arg10[%run_scoped3A_308, %dma_start3A_334] : memref<8x128xi32, #tpu.memory_space<vmem>> -> memref<1x128xi32, #tpu.memory_space<vmem>>
        %dma_start3A_336 = tpu.memref_squeeze %dma_start3A_335 : memref<1x128xi32, #tpu.memory_space<vmem>> -> memref<128xi32, #tpu.memory_space<vmem>>
        %dma_start3A_337 = arith.constant 0 : i32
        %dma_start3A_338 = arith.constant 0 : i32
        %dma_start3A_339 = tpu.memref_slice %arg6[%dma_start3A_337, %dma_start3A_338] : memref<10240x128xf32, #tpu.memory_space<vmem_shared>> -> memref<10240x128xf32, #tpu.memory_space<vmem_shared>>
        tpu.enqueue_indirect_dma source(%arg12 : memref<128x128xf32, #tpu.memory_space<vmem>>) target(%dma_start3A_339 : memref<10240x128xf32, #tpu.memory_space<vmem_shared>>) offsets(%dma_start3A_336 : memref<128xi32, #tpu.memory_space<vmem>>) semaphore(%run_scoped3A_333 : memref<!tpu.dma_semaphore, #tpu.memory_space<semaphore_mem>>) {add = true}
        %dma_wait3A_340 = arith.constant 0 : i32
        %dma_wait3A_341 = tpu.memref_slice %arg10[%run_scoped3A_308, %dma_wait3A_340] : memref<8x128xi32, #tpu.memory_space<vmem>> -> memref<1x128xi32, #tpu.memory_space<vmem>>
        %dma_wait3A_342 = tpu.memref_squeeze %dma_wait3A_341 : memref<1x128xi32, #tpu.memory_space<vmem>> -> memref<128xi32, #tpu.memory_space<vmem>>
        %dma_wait3A_343 = arith.constant 0 : i32
        %dma_wait3A_344 = arith.constant 0 : i32
        %dma_wait3A_345 = tpu.memref_slice %arg6[%dma_wait3A_343, %dma_wait3A_344] : memref<10240x128xf32, #tpu.memory_space<vmem_shared>> -> memref<10240x128xf32, #tpu.memory_space<vmem_shared>>
        tpu.wait_indirect_dma semaphore(%run_scoped3A_333 : memref<!tpu.dma_semaphore, #tpu.memory_space<semaphore_mem>>) src(%arg12 : memref<128x128xf32, #tpu.memory_space<vmem>>) dst(%dma_wait3A_345 : memref<10240x128xf32, #tpu.memory_space<vmem_shared>>)
        tpu.yield
      }) : () -> ()
      %dma_start3A_309 = arith.constant 7 : i32
      %dma_start3A_310 = arith.constant 0 : i32
      %dma_start3A_311 = tpu.memref_slice %arg9[%dma_start3A_309, %dma_start3A_310] : memref<8x128xi32, #tpu.memory_space<vmem>> -> memref<1x128xi32, #tpu.memory_space<vmem>>
      %dma_start3A_312 = tpu.memref_squeeze %dma_start3A_311 : memref<1x128xi32, #tpu.memory_space<vmem>> -> memref<128xi32, #tpu.memory_space<vmem>>
      %dma_start3A_313 = arith.constant 0 : i32
      %dma_start3A_314 = arith.constant 0 : i32
      %dma_start3A_315 = tpu.memref_slice %arg2[%dma_start3A_313, %dma_start3A_314] : memref<10240x128xf32, #tpu.memory_space<hbm>> -> memref<10240x128xf32, #tpu.memory_space<hbm>>
      tpu.enqueue_indirect_dma source(%dma_start3A_315 : memref<10240x128xf32, #tpu.memory_space<hbm>>) target(%arg12 : memref<128x128xf32, #tpu.memory_space<vmem>>) offsets(%dma_start3A_312 : memref<128xi32, #tpu.memory_space<vmem>>) semaphore(%arg16 : memref<!tpu.dma_semaphore, #tpu.memory_space<semaphore_mem>>)
      %dma_wait3A_316 = arith.constant 6 : i32
      %dma_wait3A_317 = arith.constant 0 : i32
      %dma_wait3A_318 = tpu.memref_slice %arg9[%dma_wait3A_316, %dma_wait3A_317] : memref<8x128xi32, #tpu.memory_space<vmem>> -> memref<1x128xi32, #tpu.memory_space<vmem>>
      %dma_wait3A_319 = tpu.memref_squeeze %dma_wait3A_318 : memref<1x128xi32, #tpu.memory_space<vmem>> -> memref<128xi32, #tpu.memory_space<vmem>>
      %dma_wait3A_320 = arith.constant 0 : i32
      %dma_wait3A_321 = arith.constant 0 : i32
      %dma_wait3A_322 = tpu.memref_slice %arg2[%dma_wait3A_320, %dma_wait3A_321] : memref<10240x128xf32, #tpu.memory_space<hbm>> -> memref<10240x128xf32, #tpu.memory_space<hbm>>
      tpu.wait_indirect_dma semaphore(%arg15 : memref<!tpu.dma_semaphore, #tpu.memory_space<semaphore_mem>>) src(%dma_wait3A_322 : memref<10240x128xf32, #tpu.memory_space<hbm>>) dst(%arg11 : memref<128x128xf32, #tpu.memory_space<vmem>>)
      %run_scoped3A_323 = arith.constant 6 : i32
      "tpu.region"() ({
        %run_scoped3A_333 = tpu.sem_alloc : memref<!tpu.dma_semaphore, #tpu.memory_space<semaphore_mem>>
        %dma_start3A_334 = arith.constant 0 : i32
        %dma_start3A_335 = tpu.memref_slice %arg10[%run_scoped3A_323, %dma_start3A_334] : memref<8x128xi32, #tpu.memory_space<vmem>> -> memref<1x128xi32, #tpu.memory_space<vmem>>
        %dma_start3A_336 = tpu.memref_squeeze %dma_start3A_335 : memref<1x128xi32, #tpu.memory_space<vmem>> -> memref<128xi32, #tpu.memory_space<vmem>>
        %dma_start3A_337 = arith.constant 0 : i32
        %dma_start3A_338 = arith.constant 0 : i32
        %dma_start3A_339 = tpu.memref_slice %arg6[%dma_start3A_337, %dma_start3A_338] : memref<10240x128xf32, #tpu.memory_space<vmem_shared>> -> memref<10240x128xf32, #tpu.memory_space<vmem_shared>>
        tpu.enqueue_indirect_dma source(%arg11 : memref<128x128xf32, #tpu.memory_space<vmem>>) target(%dma_start3A_339 : memref<10240x128xf32, #tpu.memory_space<vmem_shared>>) offsets(%dma_start3A_336 : memref<128xi32, #tpu.memory_space<vmem>>) semaphore(%run_scoped3A_333 : memref<!tpu.dma_semaphore, #tpu.memory_space<semaphore_mem>>) {add = true}
        %dma_wait3A_340 = arith.constant 0 : i32
        %dma_wait3A_341 = tpu.memref_slice %arg10[%run_scoped3A_323, %dma_wait3A_340] : memref<8x128xi32, #tpu.memory_space<vmem>> -> memref<1x128xi32, #tpu.memory_space<vmem>>
        %dma_wait3A_342 = tpu.memref_squeeze %dma_wait3A_341 : memref<1x128xi32, #tpu.memory_space<vmem>> -> memref<128xi32, #tpu.memory_space<vmem>>
        %dma_wait3A_343 = arith.constant 0 : i32
        %dma_wait3A_344 = arith.constant 0 : i32
        %dma_wait3A_345 = tpu.memref_slice %arg6[%dma_wait3A_343, %dma_wait3A_344] : memref<10240x128xf32, #tpu.memory_space<vmem_shared>> -> memref<10240x128xf32, #tpu.memory_space<vmem_shared>>
        tpu.wait_indirect_dma semaphore(%run_scoped3A_333 : memref<!tpu.dma_semaphore, #tpu.memory_space<semaphore_mem>>) src(%arg11 : memref<128x128xf32, #tpu.memory_space<vmem>>) dst(%dma_wait3A_345 : memref<10240x128xf32, #tpu.memory_space<vmem_shared>>)
        tpu.yield
      }) : () -> ()
      %dma_wait3A_324 = arith.constant 7 : i32
      %dma_wait3A_325 = arith.constant 0 : i32
      %dma_wait3A_326 = tpu.memref_slice %arg9[%dma_wait3A_324, %dma_wait3A_325] : memref<8x128xi32, #tpu.memory_space<vmem>> -> memref<1x128xi32, #tpu.memory_space<vmem>>
      %dma_wait3A_327 = tpu.memref_squeeze %dma_wait3A_326 : memref<1x128xi32, #tpu.memory_space<vmem>> -> memref<128xi32, #tpu.memory_space<vmem>>
      %dma_wait3A_328 = arith.constant 0 : i32
      %dma_wait3A_329 = arith.constant 0 : i32
      %dma_wait3A_330 = tpu.memref_slice %arg2[%dma_wait3A_328, %dma_wait3A_329] : memref<10240x128xf32, #tpu.memory_space<hbm>> -> memref<10240x128xf32, #tpu.memory_space<hbm>>
      tpu.wait_indirect_dma semaphore(%arg16 : memref<!tpu.dma_semaphore, #tpu.memory_space<semaphore_mem>>) src(%dma_wait3A_330 : memref<10240x128xf32, #tpu.memory_space<hbm>>) dst(%arg12 : memref<128x128xf32, #tpu.memory_space<vmem>>)
      %run_scoped3A_331 = arith.constant 7 : i32
      "tpu.region"() ({
        %run_scoped3A_333 = tpu.sem_alloc : memref<!tpu.dma_semaphore, #tpu.memory_space<semaphore_mem>>
        %dma_start3A_334 = arith.constant 0 : i32
        %dma_start3A_335 = tpu.memref_slice %arg10[%run_scoped3A_331, %dma_start3A_334] : memref<8x128xi32, #tpu.memory_space<vmem>> -> memref<1x128xi32, #tpu.memory_space<vmem>>
        %dma_start3A_336 = tpu.memref_squeeze %dma_start3A_335 : memref<1x128xi32, #tpu.memory_space<vmem>> -> memref<128xi32, #tpu.memory_space<vmem>>
        %dma_start3A_337 = arith.constant 0 : i32
        %dma_start3A_338 = arith.constant 0 : i32
        %dma_start3A_339 = tpu.memref_slice %arg6[%dma_start3A_337, %dma_start3A_338] : memref<10240x128xf32, #tpu.memory_space<vmem_shared>> -> memref<10240x128xf32, #tpu.memory_space<vmem_shared>>
        tpu.enqueue_indirect_dma source(%arg12 : memref<128x128xf32, #tpu.memory_space<vmem>>) target(%dma_start3A_339 : memref<10240x128xf32, #tpu.memory_space<vmem_shared>>) offsets(%dma_start3A_336 : memref<128xi32, #tpu.memory_space<vmem>>) semaphore(%run_scoped3A_333 : memref<!tpu.dma_semaphore, #tpu.memory_space<semaphore_mem>>) {add = true}
        %dma_wait3A_340 = arith.constant 0 : i32
        %dma_wait3A_341 = tpu.memref_slice %arg10[%run_scoped3A_331, %dma_wait3A_340] : memref<8x128xi32, #tpu.memory_space<vmem>> -> memref<1x128xi32, #tpu.memory_space<vmem>>
        %dma_wait3A_342 = tpu.memref_squeeze %dma_wait3A_341 : memref<1x128xi32, #tpu.memory_space<vmem>> -> memref<128xi32, #tpu.memory_space<vmem>>
        %dma_wait3A_343 = arith.constant 0 : i32
        %dma_wait3A_344 = arith.constant 0 : i32
        %dma_wait3A_345 = tpu.memref_slice %arg6[%dma_wait3A_343, %dma_wait3A_344] : memref<10240x128xf32, #tpu.memory_space<vmem_shared>> -> memref<10240x128xf32, #tpu.memory_space<vmem_shared>>
        tpu.wait_indirect_dma semaphore(%run_scoped3A_333 : memref<!tpu.dma_semaphore, #tpu.memory_space<semaphore_mem>>) src(%arg12 : memref<128x128xf32, #tpu.memory_space<vmem>>) dst(%dma_wait3A_345 : memref<10240x128xf32, #tpu.memory_space<vmem_shared>>)
        tpu.yield
      }) : () -> ()
      %scan3A_332 = arith.constant 0 : i32
      scf.yield %scan3A_332 : i32
    }
    %scan3A_37 = arith.constant 5 : i32
    %barrier3A_38 = arith.constant 0 : index
    tpu.barrier barrier_id(%barrier3A_38)
    %mul3A_39 = arith.constant 640 : i32
    %mul3A_40 = arith.muli %arg1, %mul3A_39 : i32
    %mul3A_41 = arith.constant 640 : i32
    %mul3A_42 = arith.muli %arg1, %mul3A_41 : i32
    "tpu.region"() ({
      %run_scoped3A = tpu.sem_alloc : memref<!tpu.dma_semaphore, #tpu.memory_space<semaphore_mem>>
      %dma_start3A_43 = arith.constant 0 : i32
      %dma_start3A_44 = tpu.memref_slice %arg5[%arg0, %mul3A_42, %dma_start3A_43] : memref<2x10240x128xf32, #tpu.memory_space<hbm>> -> memref<1x640x128xf32, #tpu.memory_space<hbm>>
      %dma_start3A_45 = tpu.memref_squeeze %dma_start3A_44 : memref<1x640x128xf32, #tpu.memory_space<hbm>> -> memref<640x128xf32, #tpu.memory_space<hbm>>
      %dma_start3A_46 = arith.constant 0 : i32
      %dma_start3A_47 = tpu.memref_slice %arg6[%mul3A_40, %dma_start3A_46] : memref<10240x128xf32, #tpu.memory_space<vmem_shared>> -> memref<640x128xf32, #tpu.memory_space<vmem_shared>>
      tpu.enqueue_dma source(%dma_start3A_47 : memref<640x128xf32, #tpu.memory_space<vmem_shared>>) target(%dma_start3A_45 : memref<640x128xf32, #tpu.memory_space<hbm>>) target_semaphore(%run_scoped3A : memref<!tpu.dma_semaphore, #tpu.memory_space<semaphore_mem>>)
      %dma_wait3A = arith.constant 0 : i32
      %dma_wait3A_48 = tpu.memref_slice %arg5[%arg0, %mul3A_42, %dma_wait3A] : memref<2x10240x128xf32, #tpu.memory_space<hbm>> -> memref<1x640x128xf32, #tpu.memory_space<hbm>>
      %dma_wait3A_49 = tpu.memref_squeeze %dma_wait3A_48 : memref<1x640x128xf32, #tpu.memory_space<hbm>> -> memref<640x128xf32, #tpu.memory_space<hbm>>
      %dma_wait3A_50 = arith.constant 0 : i32
      %dma_wait3A_51 = tpu.memref_slice %arg6[%mul3A_40, %dma_wait3A_50] : memref<10240x128xf32, #tpu.memory_space<vmem_shared>> -> memref<640x128xf32, #tpu.memory_space<vmem_shared>>
      tpu.wait_dma2 semaphore(%run_scoped3A : memref<!tpu.dma_semaphore, #tpu.memory_space<semaphore_mem>>) src(%dma_wait3A_51 : memref<640x128xf32, #tpu.memory_space<vmem_shared>>) dst(%dma_wait3A_49 : memref<640x128xf32, #tpu.memory_space<hbm>>)
      tpu.yield
    }) : () -> ()
    return
  }
}

module attributes {stable_mosaic.version = 14 : i64} {
  func.func @_dense_body(%arg0: i32, %arg1: memref<512x128xf32, #tpu.memory_space<vmem>>, %arg2: memref<128x128xf32, #tpu.memory_space<vmem>>, %arg3: memref<128x128xf32, #tpu.memory_space<vmem>>, %arg4: memref<1x128xf32, #tpu.memory_space<vmem>>, %arg5: memref<512x128xf32, #tpu.memory_space<vmem>>, %arg6: memref<512x128xf32, #tpu.memory_space<vmem>>, %arg7: memref<1x128xf32, #tpu.memory_space<vmem>>) attributes {dimension_semantics = [#tpu.dimension_semantics<arbitrary>], iteration_bounds = array<i64: 20>, scalar_prefetch = 0 : i64, scratch_operands = 0 : i64, tpu.core_type = #tpu.core_type<tc>, window_params = [{transform_indices = @transform_0, window_bounds = array<i64: 512, 128>}, {pipeline_mode = #tpu.pipeline_mode<synchronous>, transform_indices = @transform_1, window_bounds = array<i64: 128, 128>}, {pipeline_mode = #tpu.pipeline_mode<synchronous>, transform_indices = @transform_2, window_bounds = array<i64: 128, 128>}, {pipeline_mode = #tpu.pipeline_mode<synchronous>, transform_indices = @transform_3, window_bounds = array<i64: 1, 128>}, {transform_indices = @transform_4, window_bounds = array<i64: 512, 128>}, {transform_indices = @transform_5, window_bounds = array<i64: 512, 128>}, {pipeline_mode = #tpu.pipeline_mode<synchronous>, transform_indices = @transform_6, window_bounds = array<i64: 1, 128>}]} {
    %get3A = arith.constant 0 : index
    %get3A_0 = arith.constant 0 : index
    %get3A_1 = vector.load %arg1[%get3A, %get3A_0] : memref<512x128xf32, #tpu.memory_space<vmem>>, vector<512x128xf32>
    %cos3A = math.cos %get3A_1 : vector<512x128xf32>
    %sin3A = math.sin %get3A_1 : vector<512x128xf32>
    %broadcast_in_dim3A = arith.constant 1.000000e+00 : f32
    %broadcast_in_dim3A_2 = vector.broadcast %broadcast_in_dim3A : f32 to vector<512x1xf32>
    %slice3A = vector.extract_strided_slice %sin3A {offsets = [0, 0], sizes = [512, 127], strides = [1, 1]} : vector<512x128xf32> to vector<512x127xf32>
    %concatenate3A = tpu.concatenate %broadcast_in_dim3A_2, %slice3A in 1 : vector<512x1xf32>, vector<512x127xf32> -> vector<512x128xf32>
    %mul3A = arith.mulf %sin3A, %concatenate3A : vector<512x128xf32>
    %broadcast_in_dim3A_3 = arith.constant 1.000000e+00 : f32
    %broadcast_in_dim3A_4 = vector.broadcast %broadcast_in_dim3A_3 : f32 to vector<512x2xf32>
    %slice3A_5 = vector.extract_strided_slice %mul3A {offsets = [0, 0], sizes = [512, 126], strides = [1, 1]} : vector<512x128xf32> to vector<512x126xf32>
    %concatenate3A_6 = tpu.concatenate %broadcast_in_dim3A_4, %slice3A_5 in 1 : vector<512x2xf32>, vector<512x126xf32> -> vector<512x128xf32>
    %mul3A_7 = arith.mulf %mul3A, %concatenate3A_6 : vector<512x128xf32>
    %broadcast_in_dim3A_8 = arith.constant 1.000000e+00 : f32
    %broadcast_in_dim3A_9 = vector.broadcast %broadcast_in_dim3A_8 : f32 to vector<512x4xf32>
    %slice3A_10 = vector.extract_strided_slice %mul3A_7 {offsets = [0, 0], sizes = [512, 124], strides = [1, 1]} : vector<512x128xf32> to vector<512x124xf32>
    %concatenate3A_11 = tpu.concatenate %broadcast_in_dim3A_9, %slice3A_10 in 1 : vector<512x4xf32>, vector<512x124xf32> -> vector<512x128xf32>
    %mul3A_12 = arith.mulf %mul3A_7, %concatenate3A_11 : vector<512x128xf32>
    %broadcast_in_dim3A_13 = arith.constant 1.000000e+00 : f32
    %broadcast_in_dim3A_14 = vector.broadcast %broadcast_in_dim3A_13 : f32 to vector<512x8xf32>
    %slice3A_15 = vector.extract_strided_slice %mul3A_12 {offsets = [0, 0], sizes = [512, 120], strides = [1, 1]} : vector<512x128xf32> to vector<512x120xf32>
    %concatenate3A_16 = tpu.concatenate %broadcast_in_dim3A_14, %slice3A_15 in 1 : vector<512x8xf32>, vector<512x120xf32> -> vector<512x128xf32>
    %mul3A_17 = arith.mulf %mul3A_12, %concatenate3A_16 : vector<512x128xf32>
    %broadcast_in_dim3A_18 = arith.constant 1.000000e+00 : f32
    %broadcast_in_dim3A_19 = vector.broadcast %broadcast_in_dim3A_18 : f32 to vector<512x16xf32>
    %slice3A_20 = vector.extract_strided_slice %mul3A_17 {offsets = [0, 0], sizes = [512, 112], strides = [1, 1]} : vector<512x128xf32> to vector<512x112xf32>
    %concatenate3A_21 = tpu.concatenate %broadcast_in_dim3A_19, %slice3A_20 in 1 : vector<512x16xf32>, vector<512x112xf32> -> vector<512x128xf32>
    %mul3A_22 = arith.mulf %mul3A_17, %concatenate3A_21 : vector<512x128xf32>
    %broadcast_in_dim3A_23 = arith.constant 1.000000e+00 : f32
    %broadcast_in_dim3A_24 = vector.broadcast %broadcast_in_dim3A_23 : f32 to vector<512x32xf32>
    %slice3A_25 = vector.extract_strided_slice %mul3A_22 {offsets = [0, 0], sizes = [512, 96], strides = [1, 1]} : vector<512x128xf32> to vector<512x96xf32>
    %concatenate3A_26 = tpu.concatenate %broadcast_in_dim3A_24, %slice3A_25 in 1 : vector<512x32xf32>, vector<512x96xf32> -> vector<512x128xf32>
    %mul3A_27 = arith.mulf %mul3A_22, %concatenate3A_26 : vector<512x128xf32>
    %broadcast_in_dim3A_28 = arith.constant 1.000000e+00 : f32
    %broadcast_in_dim3A_29 = vector.broadcast %broadcast_in_dim3A_28 : f32 to vector<512x64xf32>
    %slice3A_30 = vector.extract_strided_slice %mul3A_27 {offsets = [0, 0], sizes = [512, 64], strides = [1, 1]} : vector<512x128xf32> to vector<512x64xf32>
    %concatenate3A_31 = tpu.concatenate %broadcast_in_dim3A_29, %slice3A_30 in 1 : vector<512x64xf32>, vector<512x64xf32> -> vector<512x128xf32>
    %mul3A_32 = arith.mulf %mul3A_27, %concatenate3A_31 : vector<512x128xf32>
    %slice3A_33 = vector.extract_strided_slice %cos3A {offsets = [0, 0], sizes = [512, 1], strides = [1, 1]} : vector<512x128xf32> to vector<512x1xf32>
    %slice3A_34 = vector.extract_strided_slice %cos3A {offsets = [0, 1], sizes = [512, 127], strides = [1, 1]} : vector<512x128xf32> to vector<512x127xf32>
    %slice3A_35 = vector.extract_strided_slice %mul3A_32 {offsets = [0, 0], sizes = [512, 127], strides = [1, 1]} : vector<512x128xf32> to vector<512x127xf32>
    %mul3A_36 = arith.mulf %slice3A_34, %slice3A_35 : vector<512x127xf32>
    %concatenate3A_37 = tpu.concatenate %slice3A_33, %mul3A_36 in 1 : vector<512x1xf32>, vector<512x127xf32> -> vector<512x128xf32>
    %get3A_38 = arith.constant 0 : index
    %get3A_39 = arith.constant 0 : index
    %get3A_40 = vector.load %arg2[%get3A_38, %get3A_39] : memref<128x128xf32, #tpu.memory_space<vmem>>, vector<128x128xf32>
    %dot_general3A = arith.constant dense<0.000000e+00> : vector<512x128xf32>
    %dot_general3A_41 = tpu.matmul %concatenate3A_37, %get3A_40, %dot_general3A {dimension_numbers = #tpu.dot_dimension_numbers<[1], [1], [0], [0], [0, 0, 1, 0], [], []>, transpose_lhs_hint = false} : vector<512x128xf32>, vector<128x128xf32>, vector<512x128xf32> -> vector<512x128xf32>
    %swap3A = arith.constant 0 : index
    %swap3A_42 = arith.constant 0 : index
    %swap3A_43 = vector.load %arg5[%swap3A, %swap3A_42] : memref<512x128xf32, #tpu.memory_space<vmem>>, vector<512x128xf32>
    tpu.vector_store %arg5[%swap3A, %swap3A_42], %dot_general3A_41 {strides = array<i32>} : memref<512x128xf32, #tpu.memory_space<vmem>>, vector<512x128xf32>,
    %get3A_44 = arith.constant 0 : index
    %get3A_45 = arith.constant 0 : index
    %get3A_46 = vector.load %arg3[%get3A_44, %get3A_45] : memref<128x128xf32, #tpu.memory_space<vmem>>, vector<128x128xf32>
    %dot_general3A_47 = arith.constant dense<0.000000e+00> : vector<512x128xf32>
    %dot_general3A_48 = tpu.matmul %concatenate3A_37, %get3A_46, %dot_general3A_47 {dimension_numbers = #tpu.dot_dimension_numbers<[1], [1], [0], [0], [0, 0, 1, 0], [], []>, transpose_lhs_hint = false} : vector<512x128xf32>, vector<128x128xf32>, vector<512x128xf32> -> vector<512x128xf32>
    %get3A_49 = arith.constant 0 : index
    %get3A_50 = arith.constant 0 : index
    %get3A_51 = vector.load %arg4[%get3A_49, %get3A_50] : memref<1x128xf32, #tpu.memory_space<vmem>>, vector<1x128xf32>
    %add3A = vector.broadcast %get3A_51 : vector<1x128xf32> to vector<512x128xf32>
    %add3A_52 = arith.addf %dot_general3A_48, %add3A : vector<512x128xf32>
    %swap3A_53 = arith.constant 0 : index
    %swap3A_54 = arith.constant 0 : index
    %swap3A_55 = vector.load %arg6[%swap3A_53, %swap3A_54] : memref<512x128xf32, #tpu.memory_space<vmem>>, vector<512x128xf32>
    tpu.vector_store %arg6[%swap3A_53, %swap3A_54], %add3A_52 {strides = array<i32>} : memref<512x128xf32, #tpu.memory_space<vmem>>, vector<512x128xf32>,
    %mul3A_56 = arith.constant 512 : i32
    %mul3A_57 = arith.muli %arg0, %mul3A_56 : i32
    %iota3A = tpu.iota {dimensions = array<i32: 0>} : vector<512x128xi32>
    %add3A_58 = vector.broadcast %mul3A_57 : i32 to vector<512x128xi32>
    %add3A_59 = arith.addi %add3A_58, %iota3A : vector<512x128xi32>
    %lt3A = arith.constant 10000 : i32
    %lt3A_60 = vector.broadcast %lt3A : i32 to vector<512x128xi32>
    %lt3A_61 = arith.cmpi slt, %add3A_59, %lt3A_60 : vector<512x128xi32>
    %jit3A = arith.constant 0.000000e+00 : f32
    %broadcast_in_dim3A_62 = vector.broadcast %jit3A : f32 to vector<512x128xf32>
    %select_n3A = arith.select %lt3A_61, %concatenate3A_37, %broadcast_in_dim3A_62 : vector<512x128xi1>, vector<512x128xf32>
    %eq3A = arith.constant 0 : i32
    %eq3A_63 = arith.cmpi eq, %arg0, %eq3A : i32
    %convert_element_type3A = arith.extui %eq3A_63 : i1 to i32
    %cond3A = arith.constant 0 : i32
    %cond3A_64 = arith.cmpi ne, %convert_element_type3A, %cond3A : i32
    scf.if %cond3A_64 {
      %broadcast_in_dim3A_74 = arith.constant 0.000000e+00 : f32
      %broadcast_in_dim3A_75 = vector.broadcast %broadcast_in_dim3A_74 : f32 to vector<1x128xf32>
      %swap3A_76 = arith.constant 0 : index
      %swap3A_77 = arith.constant 0 : index
      %swap3A_78 = vector.load %arg7[%swap3A_76, %swap3A_77] : memref<1x128xf32, #tpu.memory_space<vmem>>, vector<1x128xf32>
      tpu.vector_store %arg7[%swap3A_76, %swap3A_77], %broadcast_in_dim3A_75 {strides = array<i32>} : memref<1x128xf32, #tpu.memory_space<vmem>>, vector<1x128xf32>,
    } else {
    }
    %get3A_65 = arith.constant 0 : index
    %get3A_66 = arith.constant 0 : index
    %get3A_67 = vector.load %arg7[%get3A_65, %get3A_66] : memref<1x128xf32, #tpu.memory_space<vmem>>, vector<1x128xf32>
    %reduce_sum3A = arith.constant dense<0.000000e+00> : vector<128xf32>
    %reduce_sum3A_68 = vector.multi_reduction <add>, %select_n3A, %reduce_sum3A [0] : vector<512x128xf32> to vector<128xf32>
    %broadcast_in_dim3A_69 = vector.shape_cast %reduce_sum3A_68 : vector<128xf32> to vector<1x128xf32>
    %add3A_70 = arith.addf %get3A_67, %broadcast_in_dim3A_69 : vector<1x128xf32>
    %swap3A_71 = arith.constant 0 : index
    %swap3A_72 = arith.constant 0 : index
    %swap3A_73 = vector.load %arg7[%swap3A_71, %swap3A_72] : memref<1x128xf32, #tpu.memory_space<vmem>>, vector<1x128xf32>
    tpu.vector_store %arg7[%swap3A_71, %swap3A_72], %add3A_70 {strides = array<i32>} : memref<1x128xf32, #tpu.memory_space<vmem>>, vector<1x128xf32>,
    return
  }
  func.func @transform_0(%arg0: i32) -> (i32, i32) {
    %c0_i32 = arith.constant 0 : i32
    %c0_i32_0 = arith.constant 0 : i32
    return %arg0, %c0_i32 : i32, i32
  }
  func.func @transform_1(%arg0: i32) -> (i32, i32) {
    %c0_i32 = arith.constant 0 : i32
    %c0_i32_0 = arith.constant 0 : i32
    %c0_i32_1 = arith.constant 0 : i32
    return %c0_i32, %c0_i32_0 : i32, i32
  }
  func.func @transform_2(%arg0: i32) -> (i32, i32) {
    %c0_i32 = arith.constant 0 : i32
    %c0_i32_0 = arith.constant 0 : i32
    %c0_i32_1 = arith.constant 0 : i32
    return %c0_i32, %c0_i32_0 : i32, i32
  }
  func.func @transform_3(%arg0: i32) -> (i32, i32) {
    %c0_i32 = arith.constant 0 : i32
    %c0_i32_0 = arith.constant 0 : i32
    %c0_i32_1 = arith.constant 0 : i32
    return %c0_i32, %c0_i32_0 : i32, i32
  }
  func.func @transform_4(%arg0: i32) -> (i32, i32) {
    %c0_i32 = arith.constant 0 : i32
    %c0_i32_0 = arith.constant 0 : i32
    return %arg0, %c0_i32 : i32, i32
  }
  func.func @transform_5(%arg0: i32) -> (i32, i32) {
    %c0_i32 = arith.constant 0 : i32
    %c0_i32_0 = arith.constant 0 : i32
    return %arg0, %c0_i32 : i32, i32
  }
  func.func @transform_6(%arg0: i32) -> (i32, i32) {
    %c0_i32 = arith.constant 0 : i32
    %c0_i32_0 = arith.constant 0 : i32
    %c0_i32_1 = arith.constant 0 : i32
    return %c0_i32, %c0_i32_0 : i32, i32
  }
}

module attributes {stable_mosaic.version = 14 : i64} {
  func.func @_scale_body(%arg0: i32, %arg1: memref<512x128xf32, #tpu.memory_space<vmem>>, %arg2: memref<2x512x128xf32, #tpu.memory_space<vmem>>, %arg3: memref<512x128xf32, #tpu.memory_space<vmem>>, %arg4: memref<512x1xf32, #tpu.memory_space<vmem>>) attributes {dimension_semantics = [#tpu.dimension_semantics<arbitrary>], iteration_bounds = array<i64: 20>, scalar_prefetch = 0 : i64, scratch_operands = 0 : i64, tpu.core_type = #tpu.core_type<tc>, window_params = [{transform_indices = @transform_0, window_bounds = array<i64: 512, 128>}, {transform_indices = @transform_1, window_bounds = array<i64: 2, 512, 128>}, {transform_indices = @transform_2, window_bounds = array<i64: 512, 128>}, {transform_indices = @transform_3, window_bounds = array<i64: 512, 1>}]} {
    %get3A = arith.constant 0 : index
    %get3A_0 = arith.constant 0 : index
    %get3A_1 = arith.constant 0 : index
    %get3A_2 = vector.load %arg2[%get3A, %get3A_0, %get3A_1] : memref<2x512x128xf32, #tpu.memory_space<vmem>>, vector<2x512x128xf32>
    %slice3A = vector.extract_strided_slice %get3A_2 {offsets = [0, 0, 0], sizes = [1, 512, 1], strides = [1, 1, 1]} : vector<2x512x128xf32> to vector<1x512x1xf32>
    %squeeze3A = vector.shape_cast %slice3A : vector<1x512x1xf32> to vector<512x1xf32>
    %slice3A_3 = vector.extract_strided_slice %get3A_2 {offsets = [1, 0, 0], sizes = [1, 512, 1], strides = [1, 1, 1]} : vector<2x512x128xf32> to vector<1x512x1xf32>
    %squeeze3A_4 = vector.shape_cast %slice3A_3 : vector<1x512x1xf32> to vector<512x1xf32>
    %add3A = arith.addf %squeeze3A, %squeeze3A_4 : vector<512x1xf32>
    %gt3A = arith.constant 0.000000e+00 : f32
    %gt3A_5 = vector.broadcast %gt3A : f32 to vector<512x1xf32>
    %gt3A_6 = arith.cmpf ogt, %add3A, %gt3A_5 : vector<512x1xf32>
    %max3A = arith.constant 1.000000e+00 : f32
    %max3A_7 = vector.broadcast %max3A : f32 to vector<512x1xf32>
    %max3A_8 = arith.maximumf %add3A, %max3A_7 : vector<512x1xf32>
    %rsqrt3A = math.rsqrt %max3A_8 : vector<512x1xf32>
    %jit3A = arith.constant 0.000000e+00 : f32
    %broadcast_in_dim3A = vector.broadcast %jit3A : f32 to vector<512x1xf32>
    %select_n3A = arith.select %gt3A_6, %rsqrt3A, %broadcast_in_dim3A : vector<512x1xi1>, vector<512x1xf32>
    %get3A_9 = arith.constant 0 : index
    %get3A_10 = arith.constant 0 : index
    %get3A_11 = vector.load %arg1[%get3A_9, %get3A_10] : memref<512x128xf32, #tpu.memory_space<vmem>>, vector<512x128xf32>
    %mul3A = vector.broadcast %select_n3A : vector<512x1xf32> to vector<512x128xf32>
    %mul3A_12 = arith.mulf %get3A_11, %mul3A : vector<512x128xf32>
    %swap3A = arith.constant 0 : index
    %swap3A_13 = arith.constant 0 : index
    %swap3A_14 = vector.load %arg3[%swap3A, %swap3A_13] : memref<512x128xf32, #tpu.memory_space<vmem>>, vector<512x128xf32>
    tpu.vector_store %arg3[%swap3A, %swap3A_13], %mul3A_12 {strides = array<i32>} : memref<512x128xf32, #tpu.memory_space<vmem>>, vector<512x128xf32>,
    %swap3A_15 = arith.constant 0 : index
    %swap3A_16 = arith.constant 0 : index
    %swap3A_17 = vector.load %arg4[%swap3A_15, %swap3A_16] : memref<512x1xf32, #tpu.memory_space<vmem>>, vector<512x1xf32>
    tpu.vector_store %arg4[%swap3A_15, %swap3A_16], %select_n3A {strides = array<i32>} : memref<512x1xf32, #tpu.memory_space<vmem>>, vector<512x1xf32>,
    return
  }
  func.func @transform_0(%arg0: i32) -> (i32, i32) {
    %c0_i32 = arith.constant 0 : i32
    %c0_i32_0 = arith.constant 0 : i32
    return %arg0, %c0_i32 : i32, i32
  }
  func.func @transform_1(%arg0: i32) -> (i32, i32, i32) {
    %c0_i32 = arith.constant 0 : i32
    %c0_i32_0 = arith.constant 0 : i32
    %c0_i32_1 = arith.constant 0 : i32
    return %c0_i32, %arg0, %c0_i32_0 : i32, i32, i32
  }
  func.func @transform_2(%arg0: i32) -> (i32, i32) {
    %c0_i32 = arith.constant 0 : i32
    %c0_i32_0 = arith.constant 0 : i32
    return %arg0, %c0_i32 : i32, i32
  }
  func.func @transform_3(%arg0: i32) -> (i32, i32) {
    %c0_i32 = arith.constant 0 : i32
    %c0_i32_0 = arith.constant 0 : i32
    return %arg0, %c0_i32 : i32, i32
  }
}

module attributes {stable_mosaic.version = 14 : i64} {
  func.func @_final_body(%arg0: i32, %arg1: memref<2x512x128xf32, #tpu.memory_space<vmem>>, %arg2: memref<512x1xf32, #tpu.memory_space<vmem>>, %arg3: memref<1x128xf32, #tpu.memory_space<vmem>>, %arg4: memref<1x128xf32, #tpu.memory_space<vmem>>, %arg5: memref<128x128xf32, #tpu.memory_space<vmem>>, %arg6: memref<128x128xf32, #tpu.memory_space<vmem>>, %arg7: memref<512x128xf32, #tpu.memory_space<vmem>>, %arg8: memref<1x1xf32, #tpu.memory_space<vmem>>) attributes {dimension_semantics = [#tpu.dimension_semantics<arbitrary>], iteration_bounds = array<i64: 20>, scalar_prefetch = 0 : i64, scratch_operands = 0 : i64, tpu.core_type = #tpu.core_type<tc>, window_params = [{transform_indices = @transform_0, window_bounds = array<i64: 2, 512, 128>}, {transform_indices = @transform_1, window_bounds = array<i64: 512, 1>}, {pipeline_mode = #tpu.pipeline_mode<synchronous>, transform_indices = @transform_2, window_bounds = array<i64: 1, 128>}, {pipeline_mode = #tpu.pipeline_mode<synchronous>, transform_indices = @transform_3, window_bounds = array<i64: 1, 128>}, {pipeline_mode = #tpu.pipeline_mode<synchronous>, transform_indices = @transform_4, window_bounds = array<i64: 128, 128>}, {pipeline_mode = #tpu.pipeline_mode<synchronous>, transform_indices = @transform_5, window_bounds = array<i64: 128, 128>}, {transform_indices = @transform_6, window_bounds = array<i64: 512, 128>}, {pipeline_mode = #tpu.pipeline_mode<synchronous>, transform_indices = @transform_7, window_bounds = array<i64: 1, 1>}]} {
    %get3A = arith.constant 0 : index
    %get3A_0 = arith.constant 0 : index
    %get3A_1 = arith.constant 0 : index
    %get3A_2 = vector.load %arg1[%get3A, %get3A_0, %get3A_1] : memref<2x512x128xf32, #tpu.memory_space<vmem>>, vector<1x512x128xf32>
    %get3A_3 = vector.shape_cast %get3A_2 : vector<1x512x128xf32> to vector<512x128xf32>
    %get3A_4 = arith.constant 1 : index
    %get3A_5 = arith.constant 0 : index
    %get3A_6 = arith.constant 0 : index
    %get3A_7 = vector.load %arg1[%get3A_4, %get3A_5, %get3A_6] : memref<2x512x128xf32, #tpu.memory_space<vmem>>, vector<1x512x128xf32>
    %get3A_8 = vector.shape_cast %get3A_7 : vector<1x512x128xf32> to vector<512x128xf32>
    %add3A = arith.addf %get3A_3, %get3A_8 : vector<512x128xf32>
    %get3A_9 = arith.constant 0 : index
    %get3A_10 = arith.constant 0 : index
    %get3A_11 = vector.load %arg2[%get3A_9, %get3A_10] : memref<512x1xf32, #tpu.memory_space<vmem>>, vector<512x1xf32>
    %mul3A = vector.broadcast %get3A_11 : vector<512x1xf32> to vector<512x128xf32>
    %mul3A_12 = arith.mulf %add3A, %mul3A : vector<512x128xf32>
    %get3A_13 = arith.constant 0 : index
    %get3A_14 = arith.constant 0 : index
    %get3A_15 = vector.load %arg3[%get3A_13, %get3A_14] : memref<1x128xf32, #tpu.memory_space<vmem>>, vector<1x128xf32>
    %add3A_16 = vector.broadcast %get3A_15 : vector<1x128xf32> to vector<512x128xf32>
    %add3A_17 = arith.addf %mul3A_12, %add3A_16 : vector<512x128xf32>
    %swap3A = arith.constant 0 : index
    %swap3A_18 = arith.constant 0 : index
    %swap3A_19 = vector.load %arg7[%swap3A, %swap3A_18] : memref<512x128xf32, #tpu.memory_space<vmem>>, vector<512x128xf32>
    tpu.vector_store %arg7[%swap3A, %swap3A_18], %add3A_17 {strides = array<i32>} : memref<512x128xf32, #tpu.memory_space<vmem>>, vector<512x128xf32>,
    %eq3A = arith.constant 0 : i32
    %eq3A_20 = arith.cmpi eq, %arg0, %eq3A : i32
    %convert_element_type3A = arith.extui %eq3A_20 : i1 to i32
    %cond3A = arith.constant 0 : i32
    %cond3A_21 = arith.cmpi ne, %convert_element_type3A, %cond3A : i32
    scf.if %cond3A_21 {
      %get3A_22 = arith.constant 0 : index
      %get3A_23 = arith.constant 0 : index
      %get3A_24 = vector.load %arg4[%get3A_22, %get3A_23] : memref<1x128xf32, #tpu.memory_space<vmem>>, vector<1x128xf32>
      %mul3A_25 = arith.constant 9.99999974E-5 : f32
      %mul3A_26 = vector.broadcast %mul3A_25 : f32 to vector<1x128xf32>
      %mul3A_27 = arith.mulf %get3A_24, %mul3A_26 : vector<1x128xf32>
      %get3A_28 = arith.constant 0 : index
      %get3A_29 = arith.constant 0 : index
      %get3A_30 = vector.load %arg5[%get3A_28, %get3A_29] : memref<128x128xf32, #tpu.memory_space<vmem>>, vector<128x128xf32>
      %mul3A_31 = arith.constant 6.000000e+00 : f32
      %mul3A_32 = vector.broadcast %mul3A_31 : f32 to vector<128x128xf32>
      %mul3A_33 = arith.mulf %mul3A_32, %get3A_30 : vector<128x128xf32>
      %get3A_34 = arith.constant 0 : index
      %get3A_35 = arith.constant 0 : index
      %get3A_36 = vector.load %arg6[%get3A_34, %get3A_35] : memref<128x128xf32, #tpu.memory_space<vmem>>, vector<128x128xf32>
      %mul3A_37 = arith.constant 2.000000e+00 : f32
      %mul3A_38 = vector.broadcast %mul3A_37 : f32 to vector<128x128xf32>
      %mul3A_39 = arith.mulf %mul3A_38, %get3A_36 : vector<128x128xf32>
      %add3A_40 = arith.addf %mul3A_33, %mul3A_39 : vector<128x128xf32>
      %dot_general3A = arith.constant dense<0.000000e+00> : vector<1x128xf32>
      %dot_general3A_41 = tpu.matmul %mul3A_27, %add3A_40, %dot_general3A {dimension_numbers = #tpu.dot_dimension_numbers<[1], [1], [0], [0], [0, 0, 1, 0], [], []>, transpose_lhs_hint = false} : vector<1x128xf32>, vector<128x128xf32>, vector<1x128xf32> -> vector<1x128xf32>
      %mul3A_42 = arith.mulf %dot_general3A_41, %dot_general3A_41 : vector<1x128xf32>
      %reduce_sum3A = vector.shape_cast %mul3A_42 : vector<1x128xf32> to vector<1x1x128xf32>
      %reduce_sum3A_43 = arith.constant dense<0.000000e+00> : vector<1xf32>
      %reduce_sum3A_44 = vector.multi_reduction <add>, %reduce_sum3A, %reduce_sum3A_43 [1, 2] : vector<1x1x128xf32> to vector<1xf32>
      %reduce_sum3A_45 = vector.shape_cast %reduce_sum3A_44 : vector<1xf32> to vector<1x1x1xf32>
      %reduce_sum3A_46 = vector.extract %reduce_sum3A_45[0, 0, 0] : f32 from vector<1x1x1xf32>
      %sqrt3A = math.sqrt %reduce_sum3A_46 : f32
      %max3A = arith.constant 9.99999996E-13 : f32
      %max3A_47 = arith.maximumf %sqrt3A, %max3A : f32
      %mul3A_48 = arith.mulf %mul3A_27, %dot_general3A_41 : vector<1x128xf32>
      %reduce_sum3A_49 = vector.shape_cast %mul3A_48 : vector<1x128xf32> to vector<1x1x128xf32>
      %reduce_sum3A_50 = arith.constant dense<0.000000e+00> : vector<1xf32>
      %reduce_sum3A_51 = vector.multi_reduction <add>, %reduce_sum3A_49, %reduce_sum3A_50 [1, 2] : vector<1x1x128xf32> to vector<1xf32>
      %reduce_sum3A_52 = vector.shape_cast %reduce_sum3A_51 : vector<1xf32> to vector<1x1x1xf32>
      %reduce_sum3A_53 = vector.extract %reduce_sum3A_52[0, 0, 0] : f32 from vector<1x1x1xf32>
      %mul3A_54 = arith.constant -5.000000e+03 : f32
      %mul3A_55 = arith.mulf %mul3A_54, %reduce_sum3A_53 : f32
      %mul3A_56 = arith.constant 2.000000e+00 : f32
      %mul3A_57 = arith.mulf %mul3A_56, %max3A_47 : f32
      %log3A = math.log %mul3A_57 : f32
      %sub3A = arith.subf %max3A_47, %log3A : f32
      %mul3A_58 = arith.constant -2.000000e+00 : f32
      %mul3A_59 = arith.mulf %mul3A_58, %max3A_47 : f32
      %exp3A = math.exp %mul3A_59 : f32
      %neg3A = arith.constant 0.000000e+00 : f32
      %neg3A_60 = arith.subf %neg3A, %exp3A : f32
      %log1p3A = math.log1p %neg3A_60 : f32
      %add3A_61 = arith.addf %sub3A, %log1p3A : f32
      %mul3A_62 = arith.constant 1.000000e+04 : f32
      %mul3A_63 = arith.mulf %mul3A_62, %add3A_61 : f32
      %add3A_64 = arith.addf %mul3A_55, %mul3A_63 : f32
      %broadcast_in_dim3A = vector.broadcast %add3A_64 : f32 to vector<1x1xf32>
      %swap3A_65 = arith.constant 0 : index
      %swap3A_66 = arith.constant 0 : index
      %swap3A_67 = vector.load %arg8[%swap3A_65, %swap3A_66] : memref<1x1xf32, #tpu.memory_space<vmem>>, vector<1x1xf32>
      tpu.vector_store %arg8[%swap3A_65, %swap3A_66], %broadcast_in_dim3A {strides = array<i32>} : memref<1x1xf32, #tpu.memory_space<vmem>>, vector<1x1xf32>,
    } else {
    }
    return
  }
  func.func @transform_0(%arg0: i32) -> (i32, i32, i32) {
    %c0_i32 = arith.constant 0 : i32
    %c0_i32_0 = arith.constant 0 : i32
    %c0_i32_1 = arith.constant 0 : i32
    return %c0_i32, %arg0, %c0_i32_0 : i32, i32, i32
  }
  func.func @transform_1(%arg0: i32) -> (i32, i32) {
    %c0_i32 = arith.constant 0 : i32
    %c0_i32_0 = arith.constant 0 : i32
    return %arg0, %c0_i32 : i32, i32
  }
  func.func @transform_2(%arg0: i32) -> (i32, i32) {
    %c0_i32 = arith.constant 0 : i32
    %c0_i32_0 = arith.constant 0 : i32
    %c0_i32_1 = arith.constant 0 : i32
    return %c0_i32, %c0_i32_0 : i32, i32
  }
  func.func @transform_3(%arg0: i32) -> (i32, i32) {
    %c0_i32 = arith.constant 0 : i32
    %c0_i32_0 = arith.constant 0 : i32
    %c0_i32_1 = arith.constant 0 : i32
    return %c0_i32, %c0_i32_0 : i32, i32
  }
  func.func @transform_4(%arg0: i32) -> (i32, i32) {
    %c0_i32 = arith.constant 0 : i32
    %c0_i32_0 = arith.constant 0 : i32
    %c0_i32_1 = arith.constant 0 : i32
    return %c0_i32, %c0_i32_0 : i32, i32
  }
  func.func @transform_5(%arg0: i32) -> (i32, i32) {
    %c0_i32 = arith.constant 0 : i32
    %c0_i32_0 = arith.constant 0 : i32
    %c0_i32_1 = arith.constant 0 : i32
    return %c0_i32, %c0_i32_0 : i32, i32
  }
  func.func @transform_6(%arg0: i32) -> (i32, i32) {
    %c0_i32 = arith.constant 0 : i32
    %c0_i32_0 = arith.constant 0 : i32
    return %arg0, %c0_i32 : i32, i32
  }
  func.func @transform_7(%arg0: i32) -> (i32, i32) {
    %c0_i32 = arith.constant 0 : i32
    %c0_i32_0 = arith.constant 0 : i32
    %c0_i32_1 = arith.constant 0 : i32
    return %c0_i32, %c0_i32_0 : i32, i32
  }
}

</mosaic_0001>

<sc_bundles>
// kernel: kernel.10.cloned.1.call-start
scs
__scs_entry_jumppad:
0x0: {  	(pc) =	sbr.rel $0x88, $3  }
0x1: {  	(tag) =	ssettag $0x0;
	lr =	simm.s32 $0x1  }
0x2: {  	[smem:$0x3F9B] =	sst lr;
	_ =	strace $0xD0000000  }
0x3: {  	_ = 	snop  }
0x4: {  	_ = 	snop  }
0x5: {  	_ = 	snop  }
0x6: {  	_ = 	snop  }
0x7: {  	_ = 	snop  }
__scs_overlays_trampoline_lowered:
0x8: {  	[smem:$0x3FAA] =	sst s0  }
0x9: {  	[smem:$0x3FAB] =	sst s1  }
0xa: {  	[smem:$0x3FAC] =	sst s2  }
0xb: {  	[smem:$0x3FAD] =	sst s3  }
0xc: {  	[smem:$0x3FAE] =	sst s4  }
0xd: {  	[smem:$0x3FAF] =	sst s5  }
0xe: {  	[smem:$0x3FB0] =	sst s6  }
0xf: {  	[smem:$0x3FB1] =	sst s7  }
0x10: {  	[smem:$0x3FB2] =	sst s8  }
0x11: {  	[smem:$0x3FB3] =	sst s9;
	s0 =	simm.s32 @!p0 $0x0  }
0x12: {  	s1 =	sld [smem:$0x3F99];
	s0 =	simm.s32 @p0 $0x1  }
0x13: {  	[smem:$0x3FB4] =	sst s0;
	s0 =	simm.s32 @!p1 $0x0  }
0x14: {  	s2 =	sld [smem:$0x3F98];
	s0 =	simm.s32 @p1 $0x1  }
0x15: {  	[smem:$0x3FB5] =	sst s0;
	s0 =	simm.s32 @!p2 $0x0  }
0x16: {  	s3 =	sld [smem:$0x3FDB];
	s0 =	simm.s32 @p2 $0x1  }
0x17: {  	s4 =	simm.s32 $0x1BF5;
	[smem:$0x3FB7] =	sst s0  }
0x18: {  	s0 =	sld [smem:$0x3F9A];
	_ =	swait.ge [sflag:s4], $0x0  }
0x19: {  	s7 =	sld [smem:$0x3F9B]  }
0x1a: {  	s8 =	sadd.s32 $0xFFFFE003, lr  }
0x1b: {  	s9 =	sadd.s32 $0xFFFFFEF7, lr;
	s5 =	simm.s32 $0xFFFFFFFF;
	p2 =	slt.u32 s8, $0xFFFFF086  }
0x1c: {  	p1 =	slt.u32 s9, $0xF7A;
	s5 =	simm.s32 @!p2 $0x0  }
0x1d: {  	s5 =	simm.s32 @p1 $0x1;
	p0 =	seq.s32 s7, s2  }
0x1e: {  	s7 =	smul.u32 @!p0 $0xF7A, s2;
	p2 =	seq.s32 @!p0 s5, $0x0  }
0x1f: {  	s9 =	smul.u32 $0xF7A, s1;
	s8 =	simm.s32 @!p0 $0x1BF5;
	p2 =	por !p2, p0  }
0x20: {  	[sflag:s8] =	ssyncset.s32 @!p0 $0xFFFFF086;
	s6 =	sadd.s32 @!p0 s3, s7;
	s7 =	simm.s32 @!p0 $0x108  }
0x21: {  	s3 =	sadd.s32 s3, s9;
	s6 =	sadd.s32 @!p0 $0x88, s6;
	s7 =	simm.s32 @p2 $0x1082  }
0x22: {  	[simem:s7], [sflag:s8] =	dma.local @!p0 [hbm:s6], $0xF7A  }
0x23: {  	s9 =	sor.u32 $0xD0000000, s2;
	s6 =	simm.s32 $0x108;
	_ =	swait.ge @!p0 [sflag:s8], $0x0  }
0x24: {  	s3 =	sadd.s32 $0x88, s3;
	s6 =	simm.s32 @!p1 $0x1082;
	[sflag:s4] =	ssyncset.s32 $0xFFFFF086  }
0x25: {  	[simem:s6], [sflag:s4] =	dma.local [hbm:s3], $0xF7A  }
0x26: {  	[smem:$0x3F9B] =	sst s1;
	(tag) =	ssettag s2;
	_ =	strace s9  }
0x27: {  	s1 =	sld [smem:$0x3FAB]  }
0x28: {  	s2 =	sld [smem:$0x3FAC]  }
0x29: {  	s4 =	sld [smem:$0x3FAE]  }
0x2a: {  	p0 =	seq.s32 s5, $0x0;
	s5 =	sld [smem:$0x3FAF]  }
0x2b: {  	s6 =	sld [smem:$0x3FB0]  }
0x2c: {  	s7 =	sld [smem:$0x3FB1]  }
0x2d: {  	s3 =	simm.s32 $0x108;
	s8 =	sld [smem:$0x3FB2]  }
0x2e: {  	s3 =	simm.s32 @!p0 $0x1082;
	s9 =	sld [smem:$0x3FB3]  }
0x2f: {  	lr =	sadd.s32 s0, s3;
	s0 =	sld [smem:$0x3FAA]  }
0x30: {  	s3 =	sld [smem:$0x3FAD]  }
0x31: {  	[smem:$0x3FB6] =	sst s10  }
0x32: {  	s10 =	sld [smem:$0x3FB4];
	_ =	sdelay $0x3  }
0x33: {  	p0 =	seq.s32 s10, $0x1;
	s10 =	sld [smem:$0x3FB6];
	_ =	sdelay $0x3  }
0x34: {  	[smem:$0x3FB6] =	sst s10  }
0x35: {  	s10 =	sld [smem:$0x3FB5];
	_ =	sdelay $0x3  }
0x36: {  	p1 =	seq.s32 s10, $0x1;
	s10 =	sld [smem:$0x3FB6];
	_ =	sdelay $0x3  }
0x37: {  	[smem:$0x3FB6] =	sst s10  }
0x38: {  	s10 =	sld [smem:$0x3FB7]  }
0x39: {  	_ = 	snop;
	(pc) =	sbr.ind lr, $3  }
0x3a: {  	_ = 	snop  }
0x3b: {  	_ = 	snop  }
0x3c: {  	p2 =	seq.s32 s10, $0x1;
	s10 =	sld [smem:$0x3FB6]  }
0x3d: {  	_ =	shalt  }
0x3e: {  	_ =	shalt  }
0x3f: {  	_ =	shalt  }
0x40: {  	_ =	shalt  }
0x41: {  	_ =	shalt  }
0x42: {  	_ =	shalt  }
0x43: {  	_ =	shalt  }
0x44: {  	_ =	shalt  }
0x45: {  	_ =	shalt  }
0x46: {  	_ =	shalt  }
0x47: {  	_ =	shalt  }
0x48: {  	_ =	shalt  }
0x49: {  	_ =	shalt  }
0x4a: {  	_ =	shalt  }
0x4b: {  	_ =	shalt  }
0x4c: {  	_ =	shalt  }
0x4d: {  	_ =	shalt  }
0x4e: {  	_ =	shalt  }
0x4f: {  	_ =	shalt  }
0x50: {  	_ =	shalt  }
0x51: {  	_ =	shalt  }
0x52: {  	_ =	shalt  }
0x53: {  	_ =	shalt  }
0x54: {  	_ =	shalt  }
0x55: {  	_ =	shalt  }
0x56: {  	_ =	shalt  }
0x57: {  	_ =	shalt  }
0x58: {  	_ =	shalt  }
0x59: {  	_ =	shalt  }
0x5a: {  	_ =	shalt  }
0x5b: {  	_ =	shalt  }
0x5c: {  	_ =	shalt  }
0x5d: {  	_ =	shalt  }
0x5e: {  	_ =	shalt  }
0x5f: {  	_ =	shalt  }
0x60: {  	_ =	shalt  }
0x61: {  	_ =	shalt  }
0x62: {  	_ =	shalt  }
0x63: {  	_ =	shalt  }
0x64: {  	_ =	shalt  }
0x65: {  	_ =	shalt  }
0x66: {  	_ =	shalt  }
0x67: {  	_ =	shalt  }
0x68: {  	_ =	shalt  }
0x69: {  	_ =	shalt  }
0x6a: {  	_ =	shalt  }
0x6b: {  	_ =	shalt  }
0x6c: {  	_ =	shalt  }
0x6d: {  	_ =	shalt  }
0x6e: {  	_ =	shalt  }
0x6f: {  	_ =	shalt  }
0x70: {  	_ =	shalt  }
0x71: {  	_ =	shalt  }
0x72: {  	_ =	shalt  }
0x73: {  	_ =	shalt  }
0x74: {  	_ =	shalt  }
0x75: {  	_ =	shalt  }
0x76: {  	_ =	shalt  }
0x77: {  	_ =	shalt  }
0x78: {  	_ =	shalt  }
0x79: {  	_ =	shalt  }
0x7a: {  	_ =	shalt  }
0x7b: {  	_ =	shalt  }
0x7c: {  	_ =	shalt  }
0x7d: {  	_ =	shalt  }
0x7e: {  	_ =	shalt  }
0x7f: {  	_ =	shalt  }
0x80: {  	_ =	shalt  }
0x81: {  	_ =	shalt  }
0x82: {  	_ =	shalt  }
0x83: {  	_ =	shalt  }
0x84: {  	_ =	shalt  }
0x85: {  	_ =	shalt  }
0x86: {  	_ =	shalt  }
0x87: {  	_ =	shalt  }
.Lfunc_end0:
.L_simem_size_0:
called_computation.1_lowered:
.L_overlay_start_0:
0x88: {  	s2 =	sld [smem:$0x3FD9]  }
0x89: {  	s3 =	sld [smem:$0x3FFE];
	_ =	sdelay $0x1  }
0x8a: {  	s1 =	srdreg.scid  }
0x8b: {  	s0 =	sand.u32 $0x1, s1  }
0x8c: {  	s14 =	sshll.u32 s0, $0xA;
	s2 =	sadd.s32 s3, s2  }
0x8d: {  	s2 =	sadd.s32 s2, s14  }
0x8e: {  	[smem:$0x3FC2] =	sst s2  }
0x8f: {  	_ = 	snop  }
0x90: {  	s2 =	sld [smem:$0x3FD0];
	_ =	sdelay $0x2  }
0x91: {  	s15 =	simm.s32 $0xA;
	s4 =	simm.s32 $0x10  }
0x92: {  	[smem:s4], [sflag:s15] =	dma.local [hbm:s2], $0x1  }
0x93: {  	_ =	swait.eq [sflag:s15], $0x1  }
0x94: {  	[sflag:s15] =	ssyncset.done $0x0  }
0x95: {  	[sflag:s15] =	ssyncadd.s32 $0xFFFFFFFF  }
0x96: {  	s16 =	sld [smem:$0x10];
	(tm) =	ssettm $0x1  }
0x97: {  	s17 =	sld [smem:$0x3FFB];
	_ =	sdelay $0x3  }
0x98: {  	_ =	strace s17  }
0x99: {  	s3 =	sld [smem:$0x3FFC];
	_ =	sdelay $0x3  }
0x9a: {  	_ =	strace s3  }
0x9b: {  	s3 =	sld [smem:$0x3FFD];
	_ =	sdelay $0x3  }
0x9c: {  	_ =	strace s3  }
0x9d: {  	_ =	strace $0x8FFFFFFF  }
0x9e: {  	s18 =	sld [smem:$0x3FDB];
	_ =	sdelay $0x1  }
0x9f: {  	s19 =	simm.s32 $_scs_section_size  }
0xa0: {  	s5 =	simm.s32 $_size__tile_overlayer_lowered;
	s6 =	simm.s32 $_tile_overlayer_lowered  }
0xa1: {  	s22 =	simm.s32 $0x1BFF;
	s21 =	sshll.u32 s6, $0x1;
	s3 =	sadd.s32 s19, s18  }
0xa2: {  	s7 =	simm.s32 $0x0;
	s20 =	sshll.u32 s5, $0x1;
	s5 =	sadd.s32 s21, s3  }
0xa3: {  	[timem:s7], [sflag:s22] =	dma.local [hbm:s5], s20  }
0xa4: {  	_ =	swait.ge [sflag:s22], s20  }
0xa5: {  	s4 =	ssub.s32 $0x0, s20;
	[sflag:s22] =	ssyncset.done $0x0  }
0xa6: {  	[sflag:s22] =	ssyncadd.s32 s4;
	_ =	sdelay $0x1  }
0xa7: {  	s23 =	simm.s32 $0x1B8B  }
0xa8: {  	_ =	swait.ge [sflag:s23], $0x1  }
0xa9: {  	[sflag:s23] =	ssyncset.done $0x0  }
0xaa: {  	s25 =	simm.s32 $0x1B8E;
	s24 =	sld [smem:$0x3FFE];
	[sflag:s23] =	ssyncadd.s32 $0xFFFFFFFF  }
0xab: {  	s26 =	simm.s32 $execute0_lowered;
	[smem:$0x3FD2] =	sst s25  }
0xac: {  	s5 =	sshll.u32 s26, $0x1;
	_ =	strace $0x80000049;
	[dreg:$0x1] =	wrdreg $0xFFFFFFFF  }
0xad: {  	s28 =	simm.s32 $_size_execute0_lowered;
	s3 =	sadd.s32 s3, s5;
	[dreg:$0x0] =	wrdreg $0x0  }
0xae: {  	s5 =	sshll.u32 s28, $0x1;
	[dreg:$0x2] =	wrdreg s3  }
0xaf: {  	[dreg:$0x3] =	wrdreg s5  }
0xb0: {  	[dreg:$0x4] =	wrdreg $0xC0  }
0xb1: {  	_ =	task [dreg:s7], $0x5FFFF  }
0xb2: {  	[dreg:$0x1] =	wrdreg $0xFFFFFFFF  }
0xb3: {  	[dreg:$0x0] =	wrdreg $0x60  }
0xb4: {  	[dreg:$0x2] =	wrdreg s24  }
0xb5: {  	[dreg:$0x3] =	wrdreg s16  }
0xb6: {  	[dreg:$0x4] =	wrdreg $0x0  }
0xb7: {  	[dreg:$0x5] =	wrdreg $0x9  }
0xb8: {  	_ =	task.clear_ibuf [dreg:s7], $0x6FFFF;
	_ =	strace $0x90000049  }
0xb9: {  	s29 =	simm.s32 $0x9;
	_ =	strace $0x8000004B  }
0xba: {  	_ =	swait.ge [sflag:s29], $0x1  }
0xbb: {  	[sflag:s29] =	ssyncadd.s32 $0xFFFFFFFF  }
0xbc: {  	_ =	strace $0x9000004B  }
0xbd: {  	_ =	sfence  }
0xbe: {  	s30 =	sld [smem:$0x0];
	_ =	sdelay $0x2  }
0xbf: {  	s31 =	sshll.u32 s1, $0xD;
	s1 =	sshrl.u32 s1, $0x2  }
0xc0: {  	s3 =	sand.u32 $0x4000, s31;
	s1 =	sadd.s32 s1, s30  }
0xc1: {  	s0 =	sor.u32 s3, s0;
	s1 =	sshll.u32 s1, $0x11  }
0xc2: {  	s0 =	sor.u32 s1, s0  }
0xc3: {  	s0 =	sadd.s32 $0x8F2B, s0  }
0xc4: {  	[sflag:s0] =	ssyncadd.remote.s32 $0x1  }
0xc5: {  	_ =	sfence.sel $0xFFFF  }
0xc6: {  	[dreg:$0x0] =	wrdreg $0xFFFFFFFF;
	(pc) =	sbr.abs _section_cstart, $3  }
0xc7: {  	[dreg:$0x1] =	wrdreg $0xFFFFFFFF  }
0xc8: {  	_ =	task.clear_ibuf [dreg:s7], $0x2FFFF;
	_ =	strace $0x9FFFFFFF  }
0xc9: {  	(tm) =	ssettm $0x7FFFFFFF  }
tec
execute0_lowered:
.L_overlay_start_1:
0x0: {  	(tag) =	ssettag $0x1  }
0x1: {  	s0 =	rddreg [dreg:$0x0]  }
0x2: {  	s1 =	srdreg.scid;
	s2 =	rddreg [dreg:$0x1]  }
0x3: {  	s12 =	stileid.u32;
	s3 =	rddreg [dreg:$0x2]  }
0x4: {  	s4 =	simm.s32 $0x0;
	s13 =	simm.s32 $0x14080;
	s15 =	simm.s32 $0x14100  }
0x5: {  	s17 =	simm.s32 $0x14480;
	s18 =	simm.s32 $0x14180;
	[smem:$0x7FF] =	sst s4  }
0x6: {  	s20 =	simm.s32 $0x14500;
	_ =	strace $0x8000004A;
	[dreg:$0x6] =	wrdreg s13  }
0x7: {  	s21 =	simm.s32 $0x14200;
	s22 =	simm.s32 $0x14580;
	[dreg:$0x7] =	wrdreg s15  }
0x8: {  	s23 =	simm.s32 $0x14280;
	s28 =	simm.s32 $0x4;
	[dreg:$0x8] =	wrdreg s17  }
0x9: {  	s29 =	simm.s32 $0x2;
	s30 =	simm.s32 $0x14B80;
	[dreg:$0x9] =	wrdreg s18  }
0xa: {  	s31 =	simm.s32 $0x14F00;
	s5 =	smul.u32 $0x5000, s12;
	[dreg:$0xa] =	wrdreg s20  }
0xb: {  	s1 =	sand.u32 $0x1, s1;
	s8 =	smul.u32 $0x14000, s12;
	[dreg:$0xb] =	wrdreg s21  }
0xc: {  	s14 =	sshll.u32 s12, $0x1;
	s16 =	smul.u32 $0x50000, s12;
	[dreg:$0xc] =	wrdreg s22  }
0xd: {  	s6 =	smul.u32 $0x140000, s1;
	[dreg:$0xd] =	wrdreg s23;
	s13 =	simm.s32 $0x14700  }
0xe: {  	s7 =	smul.u32 $0x2800, s1;
	s15 =	simm.s32 $0x14780;
	[dreg:$0x12] =	wrdreg s13  }
0xf: {  	s26 =	ssub.s32 $0x2, s1;
	s17 =	simm.s32 $0x14900;
	[dreg:$0x13] =	wrdreg s15  }
0x10: {  	s1 =	sor.u32 s1, s14;
	s18 =	simm.s32 $0x14C80;
	[dreg:$0x15] =	wrdreg s17  }
0x11: {  	s20 =	simm.s32 $0x14D00;
	s21 =	simm.s32 $0x14A00;
	[dreg:$0x16] =	wrdreg s18  }
0x12: {  	s22 =	simm.s32 $0x14D80;
	s23 =	simm.s32 $0x14A80;
	[dreg:$0x18] =	wrdreg s20  }
0x13: {  	s11 =	sshrl.u32 s26, $0x1;
	s19 =	sshrl.u32 s16, $0x2;
	[dreg:$0x19] =	wrdreg s21  }
0x14: {  	s1 =	smul.u32 $0x2800, s1;
	s16 =	simm.s32 $0x14880;
	[dreg:$0x1a] =	wrdreg s22  }
0x15: {  	s17 =	simm.s32 $0x15000;
	s18 =	simm.s32 $0x5;
	[dreg:$0x1b] =	wrdreg s23  }
0x16: {  	s9 =	sadd.s32 s7, s5;
	s5 =	sadd.s32 $0xBC00, s0;
	s24 =	sadd.s32 s8, s6  }
0x17: {  	s6 =	sadd.s32 $0x1C00, s0;
	[dreg:$0x14] =	wrdreg s16;
	s1 =	sshrl.u32 s1, $0x3  }
0x18: {  	s25 =	sor.u32 $0x400, s9;
	s7 =	sshrl.u32 s24, $0x3;
	s24 =	sadd.s32 s6, s1  }
0x19: {  	s8 =	sshrl.u32 s25, $0x3;
	s1 =	sadd.s32 s2, s1;
	[dreg:$0x1f] =	wrdreg s24  }
0x1a: {  	s0 =	sadd.s32 s7, s0;
	s25 =	simm.s32 $0x14600;
	[smem:$0x7F9] =	sst s1  }
0x1b: {  	s7 =	sadd.s32 s19, s3;
	s19 =	simm.s32 $0x14980;
	[dreg:$0xe] =	wrdreg s25  }
0x1c: {  	s20 =	simm.s32 $0x14400;
	s10 =	sadd.s32 s8, s2;
	[dreg:$0x17] =	wrdreg s19  }
0x1d: {  	s21 =	simm.s32 $0x1;
	s8 =	sadd.s32 s8, s6;
	[dreg:$0x4] =	wrdreg s10  }
0x1e: {  	s22 =	simm.s32 $0x14800;
	s0 =	sadd.s32 $0x33C00, s0;
	[dreg:$0x5] =	wrdreg s8  }
0x1f: {  	s23 =	simm.s32 $0x14C00;
	s12 =	sadd.s32 $0x4000, s7;
	[smem:$0x7FA] =	sst s0  }
0x20: {  	s9 =	sadd.s32 $0x800, s9;
	s14 =	sadd.s32 $0x8000, s7;
	[smem:$0x7FC] =	sst s12  }
0x21: {  	s15 =	sadd.s32 $0x10000, s7;
	s24 =	simm.s32 $0x14E00;
	[smem:$0x7FD] =	sst s14  }
0x22: {  	s19 =	simm.s32 $0x14000;
	s25 =	simm.s32 $0x14B00;
	[dreg:$0x1c] =	wrdreg s24  }
0x23: {  	s10 =	ssub.s32 s26, s11;
	s26 =	simm.s32 $0x14300;
	[dreg:$0x1d] =	wrdreg s25  }
0x24: {  	s1 =	simm.s32 $0x14F80;
	s8 =	simm.s32 $0x14680;
	[dreg:$0xf] =	wrdreg s26  }
0x25: {  	s11 =	simm.s32 $0x14380;
	s14 =	sadd.s32 $0xC000, s7;
	[dreg:$0x10] =	wrdreg s8  }
0x26: {  	s24 =	simm.s32 $0x80;
	s10 =	smax.u32 s10, $0x1;
	[dreg:$0x11] =	wrdreg s11  }
0x27: {  	s25 =	simm.s32 $0x19000;
	s26 =	simm.s32 $0x14E80;
	[smem:$0x7FB] =	sst s10  }
0x28: {  	v0 =	vimm.f32 $0.0e+00;
	s0 =	simm.s32 $0x0;
	[dreg:$0x1e] =	wrdreg s26;
	s26 =	simm.s32 $0x3  }
.LBB2_1:
0x29: {  	s8 =	sand.u32 $0xFE00, s4  }
0x2a: {  	s10 =	sand.u32 $0x70, s4;
	s16 =	sshrl.u32 s8, $0x2  }
0x2b: {  	s8 =	simm.s32 $0x40;
	s16 =	sor.u32 s10, s16;
	s10 =	simm.s32 $0x0  }
.LBB2_2:
0x2c: {  	p0 =	sne.s32 s8, $0xFFC0  }
0x2d: {  	[tilespmem:s16+$0x15000] =	vst v0;
	s10 =	sadd.s32 $0x10, s10;
	s16 =	smov.u32 s8;
	s8 =	sadd.s32 $0x40, s8  }
.Ltmp0:
0x2e: {  	(pc) =	sbr.rel @p0 .LBB2_2-.Ltmp0, $4  }
0x2f: {  	_ = 	snop  }
0x30: {  	s16 =	sand.u32 $0xFE00, s16  }
0x31: {  	s11 =	sand.u32 $0x70, s10;
	s16 =	sshrl.u32 s16, $0x2  }
0x32: {  	s16 =	sor.u32 s11, s16  }
0x33: {  	[tilespmem:s16+$0x15000] =	vst v0  }
0x34: {  	[spmem:s7] =	stream.linear.scatter [tilespmem:s17], [sflag:$0x5], $0x4000, $0x38;
	[tilespmem:$0x1D000] =	vst v63  }
0x35: {  	_ =	swait.ge [sflag:s18], $0x4000  }
0x36: {  	s8 =	sld [smem:$0x7FC]  }
0x37: {  	[sflag:s18] =	ssyncset.done $0x0  }
0x38: {  	[sflag:s18] =	ssyncadd.s32 $0xFFFFC000  }
0x39: {  	[spmem:s8] =	stream.linear.scatter [tilespmem:s17], [sflag:$0x5], $0x4000, $0x38;
	[tilespmem:$0x1D000] =	vst v63  }
0x3a: {  	_ =	swait.ge [sflag:s18], $0x4000  }
0x3b: {  	s13 =	sld [smem:$0x7FD]  }
0x3c: {  	[sflag:s18] =	ssyncset.done $0x0  }
0x3d: {  	[sflag:s18] =	ssyncadd.s32 $0xFFFFC000  }
0x3e: {  	[spmem:s13] =	stream.linear.scatter [tilespmem:s17], [sflag:$0x5], $0x4000, $0x38;
	[tilespmem:$0x1D000] =	vst v63  }
0x3f: {  	_ =	swait.ge [sflag:s18], $0x4000  }
0x40: {  	[sflag:s18] =	ssyncset.done $0x0  }
0x41: {  	[sflag:s18] =	ssyncadd.s32 $0xFFFFC000  }
0x42: {  	[spmem:s14] =	stream.linear.scatter [tilespmem:s17], [sflag:$0x5], $0x4000, $0x38;
	[tilespmem:$0x1D000] =	vst v63  }
0x43: {  	_ =	swait.ge [sflag:s18], $0x4000  }
0x44: {  	[sflag:s18] =	ssyncset.done $0x0  }
0x45: {  	[sflag:s18] =	ssyncadd.s32 $0xFFFFC000  }
0x46: {  	[spmem:s15] =	stream.linear.scatter [tilespmem:s17], [sflag:$0x5], $0x4000, $0x38;
	[tilespmem:$0x1D000] =	vst v63  }
0x47: {  	_ =	swait.ge [sflag:s18], $0x4000  }
0x48: {  	[sflag:s18] =	ssyncset.done $0x0  }
0x49: {  	[sflag:s18] =	ssyncadd.s32 $0xFFFFC000  }
0x4a: {  	[bflag:$0x0] =	sbarrier.arrive $0xFFFF  }
0x4b: {  	s10 =	rddreg [dreg:$0x1f]  }
0x4c: {  	s16 =	simm.s32 $0x0;
	s11 =	sld [smem:$0x7F9]  }
0x4d: {  	[tilespmem:s19], [sflag:$0x1] =	stream.linear.gather [hbm4b:s10+s16], $0x400, $0x38;
	[tilespmem:$0x1D000] =	vst v63  }
0x4e: {  	_ = 	snop  }
0x4f: {  	[tilespmem:s20], [sflag:$0x1] =	stream.linear.gather [hbm4b:s11+s16], $0x400, $0x38;
	[tilespmem:$0x1D000] =	vst v63  }
0x50: {  	_ =	swait.ge [sflag:s21], $0x400  }
0x51: {  	[sflag:s21] =	ssyncset.done $0x0  }
0x52: {  	[sflag:s21] =	ssyncadd.s32 $0xFFFFFC00  }
0x53: {  	_ =	swait.ge [sflag:s21], $0x400  }
0x54: {  	s12 =	rddreg [dreg:$0x5];
	[sflag:s21] =	ssyncset.done $0x0  }
0x55: {  	s13 =	rddreg [dreg:$0x4];
	[sflag:s21] =	ssyncadd.s32 $0xFFFFFC00;
	s8 =	sadd.s32 $0x0, s12  }
0x56: {  	[tilespmem:s22], [sflag:$0x2] =	stream.linear.gather [hbm4b:s8+s4], $0x400, $0x38;
	[tilespmem:$0x1D000] =	vst v63  }
0x57: {  	s16 =	sadd.s32 $0x0, s13  }
0x58: {  	[tilespmem:s23], [sflag:$0x2] =	stream.linear.gather [hbm4b:s16+s4], $0x400, $0x38;
	[tilespmem:$0x1D000] =	vst v63  }
0x59: {  	_ = 	snop  }
0x5a: {  	[tilespmem:s17], [sflag:$0x3] =	stream.indirect.gather [hbm4b:s5+s24], $0x80, s19, s24, $0xb8;
	[tilespmem:$0x1D000] =	vst v63  }
0x5b: {  	s10 =	rddreg [dreg:$0x6]  }
0x5c: {  	[tilespmem:s25], [sflag:$0x4] =	stream.indirect.gather [hbm4b:s5+s24], $0x80, s10, s24, $0xb8;
	[tilespmem:$0x1D000] =	vst v63  }
0x5d: {  	_ =	swait.ge [sflag:s26], $0x4000  }
0x5e: {  	[sflag:s26] =	ssyncset.done $0x0  }
0x5f: {  	[sflag:s26] =	ssyncadd.s32 $0xFFFFC000  }
0x60: {  	[spmem:s3] =	stream.indirect.scatter.add.f32 [tilespmem:s17], [sflag:$0x5], $0x80, s20, s24, $0xb8;
	[tilespmem:$0x1D000] =	vst v63  }
0x61: {  	_ =	swait.ge [sflag:s18], $0x4000  }
0x62: {  	[sflag:s18] =	ssyncset.done $0x0  }
0x63: {  	s11 =	rddreg [dreg:$0x7];
	[sflag:s18] =	ssyncadd.s32 $0xFFFFC000  }
0x64: {  	[tilespmem:s17], [sflag:$0x3] =	stream.indirect.gather [hbm4b:s5+s24], $0x80, s11, s24, $0xb8;
	[tilespmem:$0x1D000] =	vst v63  }
0x65: {  	_ =	swait.ge [sflag:s28], $0x4000  }
0x66: {  	[sflag:s28] =	ssyncset.done $0x0  }
0x67: {  	s12 =	rddreg [dreg:$0x8];
	[sflag:s28] =	ssyncadd.s32 $0xFFFFC000  }
0x68: {  	[spmem:s3] =	stream.indirect.scatter.add.f32 [tilespmem:s25], [sflag:$0x5], $0x80, s12, s24, $0xb8;
	[tilespmem:$0x1D000] =	vst v63  }
0x69: {  	_ =	swait.ge [sflag:s18], $0x4000  }
0x6a: {  	[sflag:s18] =	ssyncset.done $0x0  }
0x6b: {  	s13 =	rddreg [dreg:$0x9];
	[sflag:s18] =	ssyncadd.s32 $0xFFFFC000  }
0x6c: {  	[tilespmem:s25], [sflag:$0x4] =	stream.indirect.gather [hbm4b:s5+s24], $0x80, s13, s24, $0xb8;
	[tilespmem:$0x1D000] =	vst v63  }
0x6d: {  	_ =	swait.ge [sflag:s26], $0x4000  }
0x6e: {  	[sflag:s26] =	ssyncset.done $0x0  }
0x6f: {  	s16 =	rddreg [dreg:$0xa];
	[sflag:s26] =	ssyncadd.s32 $0xFFFFC000  }
0x70: {  	[spmem:s3] =	stream.indirect.scatter.add.f32 [tilespmem:s17], [sflag:$0x5], $0x80, s16, s24, $0xb8;
	[tilespmem:$0x1D000] =	vst v63  }
0x71: {  	_ =	swait.ge [sflag:s18], $0x4000  }
0x72: {  	[sflag:s18] =	ssyncset.done $0x0  }
0x73: {  	s10 =	rddreg [dreg:$0xb];
	[sflag:s18] =	ssyncadd.s32 $0xFFFFC000  }
0x74: {  	[tilespmem:s17], [sflag:$0x3] =	stream.indirect.gather [hbm4b:s5+s24], $0x80, s10, s24, $0xb8;
	[tilespmem:$0x1D000] =	vst v63  }
0x75: {  	_ =	swait.ge [sflag:s28], $0x4000  }
0x76: {  	[sflag:s28] =	ssyncset.done $0x0  }
0x77: {  	s11 =	rddreg [dreg:$0xc];
	[sflag:s28] =	ssyncadd.s32 $0xFFFFC000  }
0x78: {  	[spmem:s3] =	stream.indirect.scatter.add.f32 [tilespmem:s25], [sflag:$0x5], $0x80, s11, s24, $0xb8;
	[tilespmem:$0x1D000] =	vst v63  }
0x79: {  	_ =	swait.ge [sflag:s18], $0x4000  }
0x7a: {  	[sflag:s18] =	ssyncset.done $0x0  }
0x7b: {  	s12 =	rddreg [dreg:$0xd];
	[sflag:s18] =	ssyncadd.s32 $0xFFFFC000  }
0x7c: {  	[tilespmem:s25], [sflag:$0x4] =	stream.indirect.gather [hbm4b:s5+s24], $0x80, s12, s24, $0xb8;
	[tilespmem:$0x1D000] =	vst v63  }
0x7d: {  	_ =	swait.ge [sflag:s26], $0x4000  }
0x7e: {  	[sflag:s26] =	ssyncset.done $0x0  }
0x7f: {  	s13 =	rddreg [dreg:$0xe];
	[sflag:s26] =	ssyncadd.s32 $0xFFFFC000  }
0x80: {  	[spmem:s3] =	stream.indirect.scatter.add.f32 [tilespmem:s17], [sflag:$0x5], $0x80, s13, s24, $0xb8;
	[tilespmem:$0x1D000] =	vst v63  }
0x81: {  	_ =	swait.ge [sflag:s18], $0x4000  }
0x82: {  	[sflag:s18] =	ssyncset.done $0x0  }
0x83: {  	s16 =	rddreg [dreg:$0xf];
	[sflag:s18] =	ssyncadd.s32 $0xFFFFC000  }
0x84: {  	[tilespmem:s17], [sflag:$0x3] =	stream.indirect.gather [hbm4b:s5+s24], $0x80, s16, s24, $0xb8;
	[tilespmem:$0x1D000] =	vst v63  }
0x85: {  	_ =	swait.ge [sflag:s28], $0x4000  }
0x86: {  	[sflag:s28] =	ssyncset.done $0x0  }
0x87: {  	s10 =	rddreg [dreg:$0x10];
	[sflag:s28] =	ssyncadd.s32 $0xFFFFC000  }
0x88: {  	[spmem:s3] =	stream.indirect.scatter.add.f32 [tilespmem:s25], [sflag:$0x5], $0x80, s10, s24, $0xb8;
	[tilespmem:$0x1D000] =	vst v63  }
0x89: {  	_ =	swait.ge [sflag:s18], $0x4000  }
0x8a: {  	[sflag:s18] =	ssyncset.done $0x0  }
0x8b: {  	s11 =	rddreg [dreg:$0x11];
	[sflag:s18] =	ssyncadd.s32 $0xFFFFC000  }
0x8c: {  	[tilespmem:s25], [sflag:$0x4] =	stream.indirect.gather [hbm4b:s5+s24], $0x80, s11, s24, $0xb8;
	[tilespmem:$0x1D000] =	vst v63  }
0x8d: {  	_ =	swait.ge [sflag:s26], $0x4000  }
0x8e: {  	[sflag:s26] =	ssyncset.done $0x0  }
0x8f: {  	s12 =	rddreg [dreg:$0x12];
	[sflag:s26] =	ssyncadd.s32 $0xFFFFC000  }
0x90: {  	[spmem:s3] =	stream.indirect.scatter.add.f32 [tilespmem:s17], [sflag:$0x5], $0x80, s12, s24, $0xb8;
	[tilespmem:$0x1D000] =	vst v63  }
0x91: {  	_ =	swait.ge [sflag:s18], $0x4000  }
0x92: {  	[sflag:s18] =	ssyncset.done $0x0  }
0x93: {  	[sflag:s18] =	ssyncadd.s32 $0xFFFFC000  }
0x94: {  	_ =	swait.ge [sflag:s28], $0x4000  }
0x95: {  	[sflag:s28] =	ssyncset.done $0x0  }
0x96: {  	s13 =	rddreg [dreg:$0x13];
	[sflag:s28] =	ssyncadd.s32 $0xFFFFC000  }
0x97: {  	[spmem:s3] =	stream.indirect.scatter.add.f32 [tilespmem:s25], [sflag:$0x5], $0x80, s13, s24, $0xb8;
	[tilespmem:$0x1D000] =	vst v63  }
0x98: {  	_ =	swait.ge [sflag:s18], $0x4000  }
0x99: {  	[sflag:s18] =	ssyncset.done $0x0  }
0x9a: {  	[sflag:s18] =	ssyncadd.s32 $0xFFFFC000  }
0x9b: {  	_ =	swait.ge [sflag:s29], $0x400  }
0x9c: {  	[sflag:s29] =	ssyncset.done $0x0  }
0x9d: {  	[sflag:s29] =	ssyncadd.s32 $0xFFFFFC00  }
0x9e: {  	p0 =	por $0x0, $0x0;
	_ =	swait.ge [sflag:s29], $0x400  }
0x9f: {  	s8 =	sshrl.u32 @!p0 s9, $0x3;
	s16 =	simm.s32 @!p0 $0x0;
	[sflag:s29] =	ssyncset.done $0x0  }
0xa0: {  	s10 =	simm.s32 @!p0 $0x14000;
	s11 =	sadd.s32 @!p0 s6, s8;
	[sflag:s29] =	ssyncadd.s32 $0xFFFFFC00  }
0xa1: {  	[tilespmem:s10], [sflag:$0x1] =	stream.linear.gather @!p0 [hbm4b:s11+s16], $0x400, $0x38;
	[tilespmem:$0x1D000] =	vst v63  }
0xa2: {  	s8 =	sadd.s32 @!p0 s2, s8;
	s10 =	simm.s32 @!p0 $0x14400  }
0xa3: {  	[tilespmem:s10], [sflag:$0x1] =	stream.linear.gather @!p0 [hbm4b:s8+s16], $0x400, $0x38;
	[tilespmem:$0x1D000] =	vst v63  }
0xa4: {  	_ = 	snop  }
0xa5: {  	[tilespmem:s17], [sflag:$0x3] =	stream.indirect.gather [hbm4b:s5+s24], $0x80, s22, s24, $0xb8;
	[tilespmem:$0x1D000] =	vst v63  }
0xa6: {  	s16 =	rddreg [dreg:$0x14]  }
0xa7: {  	[tilespmem:s25], [sflag:$0x4] =	stream.indirect.gather [hbm4b:s5+s24], $0x80, s16, s24, $0xb8;
	[tilespmem:$0x1D000] =	vst v63  }
0xa8: {  	_ =	swait.ge [sflag:s26], $0x4000  }
0xa9: {  	[sflag:s26] =	ssyncset.done $0x0  }
0xaa: {  	[sflag:s26] =	ssyncadd.s32 $0xFFFFC000  }
0xab: {  	[spmem:s3] =	stream.indirect.scatter.add.f32 [tilespmem:s17], [sflag:$0x5], $0x80, s23, s24, $0xb8;
	[tilespmem:$0x1D000] =	vst v63  }
0xac: {  	_ =	swait.ge [sflag:s18], $0x4000  }
0xad: {  	[sflag:s18] =	ssyncset.done $0x0  }
0xae: {  	s10 =	rddreg [dreg:$0x15];
	[sflag:s18] =	ssyncadd.s32 $0xFFFFC000  }
0xaf: {  	[tilespmem:s17], [sflag:$0x3] =	stream.indirect.gather [hbm4b:s5+s24], $0x80, s10, s24, $0xb8;
	[tilespmem:$0x1D000] =	vst v63  }
0xb0: {  	_ =	swait.ge [sflag:s28], $0x4000  }
0xb1: {  	[sflag:s28] =	ssyncset.done $0x0  }
0xb2: {  	s11 =	rddreg [dreg:$0x16];
	[sflag:s28] =	ssyncadd.s32 $0xFFFFC000  }
0xb3: {  	[spmem:s3] =	stream.indirect.scatter.add.f32 [tilespmem:s25], [sflag:$0x5], $0x80, s11, s24, $0xb8;
	[tilespmem:$0x1D000] =	vst v63  }
0xb4: {  	_ =	swait.ge [sflag:s18], $0x4000  }
0xb5: {  	[sflag:s18] =	ssyncset.done $0x0  }
0xb6: {  	s12 =	rddreg [dreg:$0x17];
	[sflag:s18] =	ssyncadd.s32 $0xFFFFC000  }
0xb7: {  	[tilespmem:s25], [sflag:$0x4] =	stream.indirect.gather [hbm4b:s5+s24], $0x80, s12, s24, $0xb8;
	[tilespmem:$0x1D000] =	vst v63  }
0xb8: {  	_ =	swait.ge [sflag:s26], $0x4000  }
0xb9: {  	[sflag:s26] =	ssyncset.done $0x0  }
0xba: {  	s13 =	rddreg [dreg:$0x18];
	[sflag:s26] =	ssyncadd.s32 $0xFFFFC000  }
0xbb: {  	[spmem:s3] =	stream.indirect.scatter.add.f32 [tilespmem:s17], [sflag:$0x5], $0x80, s13, s24, $0xb8;
	[tilespmem:$0x1D000] =	vst v63  }
0xbc: {  	_ =	swait.ge [sflag:s18], $0x4000  }
0xbd: {  	[sflag:s18] =	ssyncset.done $0x0  }
0xbe: {  	s16 =	rddreg [dreg:$0x19];
	[sflag:s18] =	ssyncadd.s32 $0xFFFFC000  }
0xbf: {  	[tilespmem:s17], [sflag:$0x3] =	stream.indirect.gather [hbm4b:s5+s24], $0x80, s16, s24, $0xb8;
	[tilespmem:$0x1D000] =	vst v63  }
0xc0: {  	_ =	swait.ge [sflag:s28], $0x4000  }
0xc1: {  	[sflag:s28] =	ssyncset.done $0x0  }
0xc2: {  	s10 =	rddreg [dreg:$0x1a];
	[sflag:s28] =	ssyncadd.s32 $0xFFFFC000  }
0xc3: {  	[spmem:s3] =	stream.indirect.scatter.add.f32 [tilespmem:s25], [sflag:$0x5], $0x80, s10, s24, $0xb8;
	[tilespmem:$0x1D000] =	vst v63  }
0xc4: {  	_ =	swait.ge [sflag:s18], $0x4000  }
0xc5: {  	[sflag:s18] =	ssyncset.done $0x0  }
0xc6: {  	s11 =	rddreg [dreg:$0x1b];
	[sflag:s18] =	ssyncadd.s32 $0xFFFFC000  }
0xc7: {  	[tilespmem:s25], [sflag:$0x4] =	stream.indirect.gather [hbm4b:s5+s24], $0x80, s11, s24, $0xb8;
	[tilespmem:$0x1D000] =	vst v63  }
0xc8: {  	_ =	swait.ge [sflag:s26], $0x4000  }
0xc9: {  	[sflag:s26] =	ssyncset.done $0x0  }
0xca: {  	s12 =	rddreg [dreg:$0x1c];
	[sflag:s26] =	ssyncadd.s32 $0xFFFFC000  }
0xcb: {  	[spmem:s3] =	stream.indirect.scatter.add.f32 [tilespmem:s17], [sflag:$0x5], $0x80, s12, s24, $0xb8;
	[tilespmem:$0x1D000] =	vst v63  }
0xcc: {  	_ =	swait.ge [sflag:s18], $0x4000  }
0xcd: {  	[sflag:s18] =	ssyncset.done $0x0  }
0xce: {  	s13 =	rddreg [dreg:$0x1d];
	[sflag:s18] =	ssyncadd.s32 $0xFFFFC000  }
0xcf: {  	[tilespmem:s17], [sflag:$0x3] =	stream.indirect.gather [hbm4b:s5+s24], $0x80, s13, s24, $0xb8;
	[tilespmem:$0x1D000] =	vst v63  }
0xd0: {  	_ =	swait.ge [sflag:s28], $0x4000  }
0xd1: {  	[sflag:s28] =	ssyncset.done $0x0  }
0xd2: {  	s16 =	rddreg [dreg:$0x1e];
	[sflag:s28] =	ssyncadd.s32 $0xFFFFC000  }
0xd3: {  	[spmem:s3] =	stream.indirect.scatter.add.f32 [tilespmem:s25], [sflag:$0x5], $0x80, s16, s24, $0xb8;
	[tilespmem:$0x1D000] =	vst v63  }
0xd4: {  	_ =	swait.ge [sflag:s18], $0x4000  }
0xd5: {  	[sflag:s18] =	ssyncset.done $0x0  }
0xd6: {  	[sflag:s18] =	ssyncadd.s32 $0xFFFFC000  }
0xd7: {  	[tilespmem:s25], [sflag:$0x4] =	stream.indirect.gather [hbm4b:s5+s24], $0x80, s30, s24, $0xb8;
	[tilespmem:$0x1D000] =	vst v63  }
0xd8: {  	_ =	swait.ge [sflag:s26], $0x4000  }
0xd9: {  	[sflag:s26] =	ssyncset.done $0x0  }
0xda: {  	[sflag:s26] =	ssyncadd.s32 $0xFFFFC000  }
0xdb: {  	[spmem:s3] =	stream.indirect.scatter.add.f32 [tilespmem:s17], [sflag:$0x5], $0x80, s31, s24, $0xb8;
	[tilespmem:$0x1D000] =	vst v63  }
0xdc: {  	_ =	swait.ge [sflag:s18], $0x4000  }
0xdd: {  	[sflag:s18] =	ssyncset.done $0x0  }
0xde: {  	[sflag:s18] =	ssyncadd.s32 $0xFFFFC000  }
0xdf: {  	_ =	swait.ge [sflag:s28], $0x4000  }
0xe0: {  	[sflag:s28] =	ssyncset.done $0x0  }
0xe1: {  	[sflag:s28] =	ssyncadd.s32 $0xFFFFC000  }
0xe2: {  	[spmem:s3] =	stream.indirect.scatter.add.f32 [tilespmem:s25], [sflag:$0x5], $0x80, s1, s24, $0xb8;
	[tilespmem:$0x1D000] =	vst v63  }
0xe3: {  	_ =	swait.ge [sflag:s18], $0x4000  }
0xe4: {  	s8 =	simm.s32 $0x100;
	s16 =	smov.u32 s9;
	[sflag:s18] =	ssyncset.done $0x0  }
.LBB2_4:
0xe5: {  	[sflag:s18] =	ssyncadd.s32 $0xFFFFC000  }
0xe6: {  	_ =	swait.ge [sflag:s21], $0x400  }
0xe7: {  	[sflag:s21] =	ssyncset.done $0x0  }
0xe8: {  	[sflag:s21] =	ssyncadd.s32 $0xFFFFFC00  }
0xe9: {  	_ =	swait.ge [sflag:s21], $0x400  }
0xea: {  	s10 =	smov.u32 s8;
	s11 =	rddreg [dreg:$0x5];
	[sflag:s21] =	ssyncset.done $0x0  }
0xeb: {  	s12 =	rddreg [dreg:$0x4];
	[sflag:s21] =	ssyncadd.s32 $0xFFFFFC00;
	s11 =	sadd.s32 s10, s11  }
0xec: {  	[tilespmem:s22], [sflag:$0x2] =	stream.linear.gather [hbm4b:s11+s4], $0x400, $0x38;
	[tilespmem:$0x1D000] =	vst v63  }
0xed: {  	s13 =	sadd.s32 s10, s12  }
0xee: {  	[tilespmem:s23], [sflag:$0x2] =	stream.linear.gather [hbm4b:s13+s4], $0x400, $0x38;
	[tilespmem:$0x1D000] =	vst v63  }
0xef: {  	_ = 	snop  }
0xf0: {  	[tilespmem:s17], [sflag:$0x3] =	stream.indirect.gather [hbm4b:s5+s24], $0x80, s19, s24, $0xb8;
	[tilespmem:$0x1D000] =	vst v63  }
0xf1: {  	s12 =	rddreg [dreg:$0x6]  }
0xf2: {  	[tilespmem:s25], [sflag:$0x4] =	stream.indirect.gather [hbm4b:s5+s24], $0x80, s12, s24, $0xb8;
	[tilespmem:$0x1D000] =	vst v63  }
0xf3: {  	_ =	swait.ge [sflag:s26], $0x4000  }
0xf4: {  	[sflag:s26] =	ssyncset.done $0x0  }
0xf5: {  	[sflag:s26] =	ssyncadd.s32 $0xFFFFC000  }
0xf6: {  	[spmem:s3] =	stream.indirect.scatter.add.f32 [tilespmem:s17], [sflag:$0x5], $0x80, s20, s24, $0xb8;
	[tilespmem:$0x1D000] =	vst v63  }
0xf7: {  	_ =	swait.ge [sflag:s18], $0x4000  }
0xf8: {  	[sflag:s18] =	ssyncset.done $0x0  }
0xf9: {  	s13 =	rddreg [dreg:$0x7];
	[sflag:s18] =	ssyncadd.s32 $0xFFFFC000  }
0xfa: {  	[tilespmem:s17], [sflag:$0x3] =	stream.indirect.gather [hbm4b:s5+s24], $0x80, s13, s24, $0xb8;
	[tilespmem:$0x1D000] =	vst v63  }
0xfb: {  	_ =	swait.ge [sflag:s28], $0x4000  }
0xfc: {  	[sflag:s28] =	ssyncset.done $0x0  }
0xfd: {  	s12 =	rddreg [dreg:$0x8];
	[sflag:s28] =	ssyncadd.s32 $0xFFFFC000  }
0xfe: {  	[spmem:s3] =	stream.indirect.scatter.add.f32 [tilespmem:s25], [sflag:$0x5], $0x80, s12, s24, $0xb8;
	[tilespmem:$0x1D000] =	vst v63  }
0xff: {  	_ =	swait.ge [sflag:s18], $0x4000  }
0x100: {  	[sflag:s18] =	ssyncset.done $0x0  }
0x101: {  	s13 =	rddreg [dreg:$0x9];
	[sflag:s18] =	ssyncadd.s32 $0xFFFFC000  }
0x102: {  	[tilespmem:s25], [sflag:$0x4] =	stream.indirect.gather [hbm4b:s5+s24], $0x80, s13, s24, $0xb8;
	[tilespmem:$0x1D000] =	vst v63  }
0x103: {  	_ =	swait.ge [sflag:s26], $0x4000  }
0x104: {  	[sflag:s26] =	ssyncset.done $0x0  }
0x105: {  	s12 =	rddreg [dreg:$0xa];
	[sflag:s26] =	ssyncadd.s32 $0xFFFFC000  }
0x106: {  	[spmem:s3] =	stream.indirect.scatter.add.f32 [tilespmem:s17], [sflag:$0x5], $0x80, s12, s24, $0xb8;
	[tilespmem:$0x1D000] =	vst v63  }
0x107: {  	_ =	swait.ge [sflag:s18], $0x4000  }
0x108: {  	[sflag:s18] =	ssyncset.done $0x0  }
0x109: {  	s13 =	rddreg [dreg:$0xb];
	[sflag:s18] =	ssyncadd.s32 $0xFFFFC000  }
0x10a: {  	[tilespmem:s17], [sflag:$0x3] =	stream.indirect.gather [hbm4b:s5+s24], $0x80, s13, s24, $0xb8;
	[tilespmem:$0x1D000] =	vst v63  }
0x10b: {  	_ =	swait.ge [sflag:s28], $0x4000  }
0x10c: {  	[sflag:s28] =	ssyncset.done $0x0  }
0x10d: {  	s12 =	rddreg [dreg:$0xc];
	[sflag:s28] =	ssyncadd.s32 $0xFFFFC000  }
0x10e: {  	[spmem:s3] =	stream.indirect.scatter.add.f32 [tilespmem:s25], [sflag:$0x5], $0x80, s12, s24, $0xb8;
	[tilespmem:$0x1D000] =	vst v63  }
0x10f: {  	_ =	swait.ge [sflag:s18], $0x4000  }
0x110: {  	[sflag:s18] =	ssyncset.done $0x0  }
0x111: {  	s13 =	rddreg [dreg:$0xd];
	[sflag:s18] =	ssyncadd.s32 $0xFFFFC000  }
0x112: {  	[tilespmem:s25], [sflag:$0x4] =	stream.indirect.gather [hbm4b:s5+s24], $0x80, s13, s24, $0xb8;
	[tilespmem:$0x1D000] =	vst v63  }
0x113: {  	_ =	swait.ge [sflag:s26], $0x4000  }
0x114: {  	[sflag:s26] =	ssyncset.done $0x0  }
0x115: {  	s12 =	rddreg [dreg:$0xe];
	[sflag:s26] =	ssyncadd.s32 $0xFFFFC000  }
0x116: {  	[spmem:s3] =	stream.indirect.scatter.add.f32 [tilespmem:s17], [sflag:$0x5], $0x80, s12, s24, $0xb8;
	[tilespmem:$0x1D000] =	vst v63  }
0x117: {  	_ =	swait.ge [sflag:s18], $0x4000  }
0x118: {  	[sflag:s18] =	ssyncset.done $0x0  }
0x119: {  	s13 =	rddreg [dreg:$0xf];
	[sflag:s18] =	ssyncadd.s32 $0xFFFFC000  }
0x11a: {  	[tilespmem:s17], [sflag:$0x3] =	stream.indirect.gather [hbm4b:s5+s24], $0x80, s13, s24, $0xb8;
	[tilespmem:$0x1D000] =	vst v63  }
0x11b: {  	_ =	swait.ge [sflag:s28], $0x4000  }
0x11c: {  	[sflag:s28] =	ssyncset.done $0x0  }
0x11d: {  	s12 =	rddreg [dreg:$0x10];
	[sflag:s28] =	ssyncadd.s32 $0xFFFFC000  }
0x11e: {  	[spmem:s3] =	stream.indirect.scatter.add.f32 [tilespmem:s25], [sflag:$0x5], $0x80, s12, s24, $0xb8;
	[tilespmem:$0x1D000] =	vst v63  }
0x11f: {  	_ =	swait.ge [sflag:s18], $0x4000  }
0x120: {  	[sflag:s18] =	ssyncset.done $0x0  }
0x121: {  	s13 =	rddreg [dreg:$0x11];
	[sflag:s18] =	ssyncadd.s32 $0xFFFFC000  }
0x122: {  	[tilespmem:s25], [sflag:$0x4] =	stream.indirect.gather [hbm4b:s5+s24], $0x80, s13, s24, $0xb8;
	[tilespmem:$0x1D000] =	vst v63  }
0x123: {  	_ =	swait.ge [sflag:s26], $0x4000  }
0x124: {  	[sflag:s26] =	ssyncset.done $0x0  }
0x125: {  	s12 =	rddreg [dreg:$0x12];
	[sflag:s26] =	ssyncadd.s32 $0xFFFFC000  }
0x126: {  	[spmem:s3] =	stream.indirect.scatter.add.f32 [tilespmem:s17], [sflag:$0x5], $0x80, s12, s24, $0xb8;
	[tilespmem:$0x1D000] =	vst v63  }
0x127: {  	_ =	swait.ge [sflag:s18], $0x4000  }
0x128: {  	[sflag:s18] =	ssyncset.done $0x0  }
0x129: {  	[sflag:s18] =	ssyncadd.s32 $0xFFFFC000  }
0x12a: {  	_ =	swait.ge [sflag:s28], $0x4000  }
0x12b: {  	[sflag:s28] =	ssyncset.done $0x0  }
0x12c: {  	s13 =	rddreg [dreg:$0x13];
	[sflag:s28] =	ssyncadd.s32 $0xFFFFC000  }
0x12d: {  	[spmem:s3] =	stream.indirect.scatter.add.f32 [tilespmem:s25], [sflag:$0x5], $0x80, s13, s24, $0xb8;
	[tilespmem:$0x1D000] =	vst v63  }
0x12e: {  	_ =	swait.ge [sflag:s18], $0x4000  }
0x12f: {  	[sflag:s18] =	ssyncset.done $0x0  }
0x130: {  	[sflag:s18] =	ssyncadd.s32 $0xFFFFC000  }
0x131: {  	_ =	swait.ge [sflag:s29], $0x400  }
0x132: {  	[sflag:s29] =	ssyncset.done $0x0  }
0x133: {  	[sflag:s29] =	ssyncadd.s32 $0xFFFFFC00  }
0x134: {  	s16 =	sadd.s32 $0x800, s16;
	p1 =	seq.s32 s10, $0x400;
	_ =	swait.ge [sflag:s29], $0x400  }
0x135: {  	s10 =	sshrl.u32 @!p1 s16, $0x3;
	s11 =	simm.s32 @!p1 $0x14000;
	[sflag:s29] =	ssyncset.done $0x0  }
0x136: {  	s12 =	sadd.s32 @!p1 s6, s10;
	s13 =	simm.s32 @!p1 $0x0;
	[sflag:s29] =	ssyncadd.s32 $0xFFFFFC00  }
0x137: {  	[tilespmem:s11], [sflag:$0x1] =	stream.linear.gather @!p1 [hbm4b:s12+s13], $0x400, $0x38;
	[tilespmem:$0x1D000] =	vst v63  }
0x138: {  	s10 =	sadd.s32 @!p1 s2, s10;
	s11 =	simm.s32 @!p1 $0x14400  }
0x139: {  	[tilespmem:s11], [sflag:$0x1] =	stream.linear.gather @!p1 [hbm4b:s10+s13], $0x400, $0x38;
	[tilespmem:$0x1D000] =	vst v63  }
0x13a: {  	_ = 	snop  }
0x13b: {  	[tilespmem:s17], [sflag:$0x3] =	stream.indirect.gather [hbm4b:s5+s24], $0x80, s22, s24, $0xb8;
	[tilespmem:$0x1D000] =	vst v63  }
0x13c: {  	s12 =	rddreg [dreg:$0x14]  }
0x13d: {  	[tilespmem:s25], [sflag:$0x4] =	stream.indirect.gather [hbm4b:s5+s24], $0x80, s12, s24, $0xb8;
	[tilespmem:$0x1D000] =	vst v63  }
0x13e: {  	_ =	swait.ge [sflag:s26], $0x4000  }
0x13f: {  	[sflag:s26] =	ssyncset.done $0x0  }
0x140: {  	[sflag:s26] =	ssyncadd.s32 $0xFFFFC000  }
0x141: {  	[spmem:s3] =	stream.indirect.scatter.add.f32 [tilespmem:s17], [sflag:$0x5], $0x80, s23, s24, $0xb8;
	[tilespmem:$0x1D000] =	vst v63  }
0x142: {  	_ =	swait.ge [sflag:s18], $0x4000  }
0x143: {  	[sflag:s18] =	ssyncset.done $0x0  }
0x144: {  	s13 =	rddreg [dreg:$0x15];
	[sflag:s18] =	ssyncadd.s32 $0xFFFFC000  }
0x145: {  	[tilespmem:s17], [sflag:$0x3] =	stream.indirect.gather [hbm4b:s5+s24], $0x80, s13, s24, $0xb8;
	[tilespmem:$0x1D000] =	vst v63  }
0x146: {  	_ =	swait.ge [sflag:s28], $0x4000  }
0x147: {  	[sflag:s28] =	ssyncset.done $0x0  }
0x148: {  	s11 =	rddreg [dreg:$0x16];
	[sflag:s28] =	ssyncadd.s32 $0xFFFFC000  }
0x149: {  	[spmem:s3] =	stream.indirect.scatter.add.f32 [tilespmem:s25], [sflag:$0x5], $0x80, s11, s24, $0xb8;
	[tilespmem:$0x1D000] =	vst v63  }
0x14a: {  	_ =	swait.ge [sflag:s18], $0x4000  }
0x14b: {  	[sflag:s18] =	ssyncset.done $0x0  }
0x14c: {  	s12 =	rddreg [dreg:$0x17];
	[sflag:s18] =	ssyncadd.s32 $0xFFFFC000  }
0x14d: {  	[tilespmem:s25], [sflag:$0x4] =	stream.indirect.gather [hbm4b:s5+s24], $0x80, s12, s24, $0xb8;
	[tilespmem:$0x1D000] =	vst v63  }
0x14e: {  	_ =	swait.ge [sflag:s26], $0x4000  }
0x14f: {  	[sflag:s26] =	ssyncset.done $0x0  }
0x150: {  	s13 =	rddreg [dreg:$0x18];
	[sflag:s26] =	ssyncadd.s32 $0xFFFFC000  }
0x151: {  	[spmem:s3] =	stream.indirect.scatter.add.f32 [tilespmem:s17], [sflag:$0x5], $0x80, s13, s24, $0xb8;
	[tilespmem:$0x1D000] =	vst v63  }
0x152: {  	_ =	swait.ge [sflag:s18], $0x4000  }
0x153: {  	[sflag:s18] =	ssyncset.done $0x0  }
0x154: {  	s11 =	rddreg [dreg:$0x19];
	[sflag:s18] =	ssyncadd.s32 $0xFFFFC000  }
0x155: {  	[tilespmem:s17], [sflag:$0x3] =	stream.indirect.gather [hbm4b:s5+s24], $0x80, s11, s24, $0xb8;
	[tilespmem:$0x1D000] =	vst v63  }
0x156: {  	_ =	swait.ge [sflag:s28], $0x4000  }
0x157: {  	[sflag:s28] =	ssyncset.done $0x0  }
0x158: {  	s12 =	rddreg [dreg:$0x1a];
	[sflag:s28] =	ssyncadd.s32 $0xFFFFC000  }
0x159: {  	[spmem:s3] =	stream.indirect.scatter.add.f32 [tilespmem:s25], [sflag:$0x5], $0x80, s12, s24, $0xb8;
	[tilespmem:$0x1D000] =	vst v63  }
0x15a: {  	_ =	swait.ge [sflag:s18], $0x4000  }
0x15b: {  	[sflag:s18] =	ssyncset.done $0x0  }
0x15c: {  	s13 =	rddreg [dreg:$0x1b];
	[sflag:s18] =	ssyncadd.s32 $0xFFFFC000  }
0x15d: {  	[tilespmem:s25], [sflag:$0x4] =	stream.indirect.gather [hbm4b:s5+s24], $0x80, s13, s24, $0xb8;
	[tilespmem:$0x1D000] =	vst v63  }
0x15e: {  	_ =	swait.ge [sflag:s26], $0x4000  }
0x15f: {  	[sflag:s26] =	ssyncset.done $0x0  }
0x160: {  	s11 =	rddreg [dreg:$0x1c];
	[sflag:s26] =	ssyncadd.s32 $0xFFFFC000  }
0x161: {  	[spmem:s3] =	stream.indirect.scatter.add.f32 [tilespmem:s17], [sflag:$0x5], $0x80, s11, s24, $0xb8;
	[tilespmem:$0x1D000] =	vst v63  }
0x162: {  	_ =	swait.ge [sflag:s18], $0x4000  }
0x163: {  	[sflag:s18] =	ssyncset.done $0x0  }
0x164: {  	s12 =	rddreg [dreg:$0x1d];
	[sflag:s18] =	ssyncadd.s32 $0xFFFFC000  }
0x165: {  	[tilespmem:s17], [sflag:$0x3] =	stream.indirect.gather [hbm4b:s5+s24], $0x80, s12, s24, $0xb8;
	[tilespmem:$0x1D000] =	vst v63  }
0x166: {  	_ =	swait.ge [sflag:s28], $0x4000  }
0x167: {  	[sflag:s28] =	ssyncset.done $0x0  }
0x168: {  	s13 =	rddreg [dreg:$0x1e];
	[sflag:s28] =	ssyncadd.s32 $0xFFFFC000  }
0x169: {  	[spmem:s3] =	stream.indirect.scatter.add.f32 [tilespmem:s25], [sflag:$0x5], $0x80, s13, s24, $0xb8;
	[tilespmem:$0x1D000] =	vst v63  }
0x16a: {  	_ =	swait.ge [sflag:s18], $0x4000  }
0x16b: {  	[sflag:s18] =	ssyncset.done $0x0  }
0x16c: {  	[sflag:s18] =	ssyncadd.s32 $0xFFFFC000  }
0x16d: {  	[tilespmem:s25], [sflag:$0x4] =	stream.indirect.gather [hbm4b:s5+s24], $0x80, s30, s24, $0xb8;
	[tilespmem:$0x1D000] =	vst v63  }
0x16e: {  	_ =	swait.ge [sflag:s26], $0x4000  }
0x16f: {  	[sflag:s26] =	ssyncset.done $0x0  }
0x170: {  	[sflag:s26] =	ssyncadd.s32 $0xFFFFC000  }
0x171: {  	[spmem:s3] =	stream.indirect.scatter.add.f32 [tilespmem:s17], [sflag:$0x5], $0x80, s31, s24, $0xb8;
	[tilespmem:$0x1D000] =	vst v63  }
0x172: {  	_ =	swait.ge [sflag:s18], $0x4000  }
0x173: {  	[sflag:s18] =	ssyncset.done $0x0  }
0x174: {  	s8 =	sadd.s32 $0x100, s8;
	[sflag:s18] =	ssyncadd.s32 $0xFFFFC000  }
0x175: {  	p0 =	sne.s32 s8, $0x500;
	_ =	swait.ge [sflag:s28], $0x4000  }
.Ltmp1:
0x176: {  	[sflag:s28] =	ssyncset.done $0x0;
	(pc) =	sbr.rel @p0 .LBB2_4-.Ltmp1, $4  }
0x177: {  	[sflag:s28] =	ssyncadd.s32 $0xFFFFC000  }
0x178: {  	[spmem:s3] =	stream.indirect.scatter.add.f32 [tilespmem:s25], [sflag:$0x5], $0x80, s1, s24, $0xb8;
	[tilespmem:$0x1D000] =	vst v63  }
0x179: {  	_ =	swait.ge [sflag:s18], $0x4000  }
0x17a: {  	[sflag:s18] =	ssyncset.done $0x0  }
0x17b: {  	[sflag:s18] =	ssyncadd.s32 $0xFFFFC000  }
0x17c: {  	[bflag:$0x0] =	sbarrier.arrive $0xFFFF  }
0x17d: {  	s8 =	stileid.u32;
	s11 =	sld [smem:$0x7FA]  }
0x17e: {  	s8 =	sshll.u32 s8, $0x6  }
0x17f: {  	s10 =	sshrl.u32 s7, $0x3;
	s8 =	sor.u32 $0x1C05, s8  }
0x180: {  	[hbm:s11], [sflag:s8] =	dma.local [spmem:s10], $0x2800  }
0x181: {  	_ =	swait.ge [sflag:s18], $0x2800  }
0x182: {  	s16 =	sld [smem:$0x7FB];
	_ =	sdelay $0x1  }
0x183: {  	s0 =	sadd.s32 $0x1, s0  }
0x184: {  	p0 =	sne.s32 s0, s16  }
.Ltmp2:
0x185: {  	_ = 	snop;
	(pc) =	sbr.rel @p0 .LBB2_1-.Ltmp2, $3  }
0x186: {  	_ =	sdelay $0x1  }
0x187: {  	[sflag:s18] =	ssyncset.done $0x0  }
0x188: {  	[sflag:s18] =	ssyncadd.s32 $0xFFFFD800  }
0x189: {  	_ =	sfence.sel $0x180000  }
0x18a: {  	[bflag:$0x0] =	sbarrier.arrive $0xFFFF  }
0x18b: {  	_ =	strace $0x9000004A  }
0x18c: {  	s0 =	stileid.u32;
	[bflag:$0x2] =	sbarrier.arrive $0xFFFF  }
0x18d: {  	p0 =	sne.s32 s0, $0x0;
	s0 =	rddreg [dreg:$0x3]  }
0x18e: {  	s0 =	sadd.s32 @!p0 $0x100000, s0  }
0x18f: {  	[sflag:s0] =	ssyncadd.tile.s32 @!p0 $0x1;
	_ =	shalt  }
.Lfunc_end2:
_tile_overlayer_lowered:
.L_overlay_start_2:
0x190: {  	(tag) =	ssettag $0x2  }
0x191: {  	s0 =	rddreg [dreg:$0x0];
	s2 =	stileid.u32  }
0x192: {  	s1 =	rddreg [dreg:$0x1];
	p0 =	sne.s32 s2, $0x0  }
0x193: {  	s3 =	rddreg [dreg:$0x2];
	[bflag:$0x3] =	sbarrier.arrive $0xFFFF;
	s2 =	simm.s32 @!p0 $0x1C05  }
0x194: {  	[timem:s3], [sflag:s2] =	dma.local @!p0 [hbm:s0], s1  }
0x195: {  	s0 =	simm.s32 @!p0 $0x5  }
0x196: {  	_ =	swait.ge @!p0 [sflag:s0], s1  }
0x197: {  	s1 =	ssub.s32 @!p0 $0x0, s1;
	[sflag:s0] =	ssyncset.done @!p0 $0x0  }
0x198: {  	[sflag:s0] =	ssyncadd.s32 @!p0 s1  }
0x199: {  	[bflag:$0x3] =	sbarrier.arrive $0xFFFF  }
0x19a: {  	_ =	shalt  }

// kernel: kernel.7.cloned.1.call-start
scs
__scs_entry_jumppad:
0x0: {  	(pc) =	sbr.rel $0x88, $3  }
0x1: {  	(tag) =	ssettag $0x0;
	lr =	simm.s32 $0x1  }
0x2: {  	[smem:$0x3F9B] =	sst lr;
	_ =	strace $0xD0000000  }
0x3: {  	_ = 	snop  }
0x4: {  	_ = 	snop  }
0x5: {  	_ = 	snop  }
0x6: {  	_ = 	snop  }
0x7: {  	_ = 	snop  }
__scs_overlays_trampoline_lowered:
0x8: {  	[smem:$0x3FAA] =	sst s0  }
0x9: {  	[smem:$0x3FAB] =	sst s1  }
0xa: {  	[smem:$0x3FAC] =	sst s2  }
0xb: {  	[smem:$0x3FAD] =	sst s3  }
0xc: {  	[smem:$0x3FAE] =	sst s4  }
0xd: {  	[smem:$0x3FAF] =	sst s5  }
0xe: {  	[smem:$0x3FB0] =	sst s6  }
0xf: {  	[smem:$0x3FB1] =	sst s7  }
0x10: {  	[smem:$0x3FB2] =	sst s8  }
0x11: {  	[smem:$0x3FB3] =	sst s9;
	s0 =	simm.s32 @!p0 $0x0  }
0x12: {  	s1 =	sld [smem:$0x3F99];
	s0 =	simm.s32 @p0 $0x1  }
0x13: {  	[smem:$0x3FB4] =	sst s0;
	s0 =	simm.s32 @!p1 $0x0  }
0x14: {  	s2 =	sld [smem:$0x3F98];
	s0 =	simm.s32 @p1 $0x1  }
0x15: {  	[smem:$0x3FB5] =	sst s0;
	s0 =	simm.s32 @!p2 $0x0  }
0x16: {  	s3 =	sld [smem:$0x3FDB];
	s0 =	simm.s32 @p2 $0x1  }
0x17: {  	s4 =	simm.s32 $0x1BF5;
	[smem:$0x3FB7] =	sst s0  }
0x18: {  	s0 =	sld [smem:$0x3F9A];
	_ =	swait.ge [sflag:s4], $0x0  }
0x19: {  	s7 =	sld [smem:$0x3F9B]  }
0x1a: {  	s8 =	sadd.s32 $0xFFFFE003, lr  }
0x1b: {  	s9 =	sadd.s32 $0xFFFFFEF7, lr;
	s5 =	simm.s32 $0xFFFFFFFF;
	p2 =	slt.u32 s8, $0xFFFFF086  }
0x1c: {  	p1 =	slt.u32 s9, $0xF7A;
	s5 =	simm.s32 @!p2 $0x0  }
0x1d: {  	s5 =	simm.s32 @p1 $0x1;
	p0 =	seq.s32 s7, s2  }
0x1e: {  	s7 =	smul.u32 @!p0 $0xF7A, s2;
	p2 =	seq.s32 @!p0 s5, $0x0  }
0x1f: {  	s9 =	smul.u32 $0xF7A, s1;
	s8 =	simm.s32 @!p0 $0x1BF5;
	p2 =	por !p2, p0  }
0x20: {  	[sflag:s8] =	ssyncset.s32 @!p0 $0xFFFFF086;
	s6 =	sadd.s32 @!p0 s3, s7;
	s7 =	simm.s32 @!p0 $0x108  }
0x21: {  	s3 =	sadd.s32 s3, s9;
	s6 =	sadd.s32 @!p0 $0x88, s6;
	s7 =	simm.s32 @p2 $0x1082  }
0x22: {  	[simem:s7], [sflag:s8] =	dma.local @!p0 [hbm:s6], $0xF7A  }
0x23: {  	s9 =	sor.u32 $0xD0000000, s2;
	s6 =	simm.s32 $0x108;
	_ =	swait.ge @!p0 [sflag:s8], $0x0  }
0x24: {  	s3 =	sadd.s32 $0x88, s3;
	s6 =	simm.s32 @!p1 $0x1082;
	[sflag:s4] =	ssyncset.s32 $0xFFFFF086  }
0x25: {  	[simem:s6], [sflag:s4] =	dma.local [hbm:s3], $0xF7A  }
0x26: {  	[smem:$0x3F9B] =	sst s1;
	(tag) =	ssettag s2;
	_ =	strace s9  }
0x27: {  	s1 =	sld [smem:$0x3FAB]  }
0x28: {  	s2 =	sld [smem:$0x3FAC]  }
0x29: {  	s4 =	sld [smem:$0x3FAE]  }
0x2a: {  	p0 =	seq.s32 s5, $0x0;
	s5 =	sld [smem:$0x3FAF]  }
0x2b: {  	s6 =	sld [smem:$0x3FB0]  }
0x2c: {  	s7 =	sld [smem:$0x3FB1]  }
0x2d: {  	s3 =	simm.s32 $0x108;
	s8 =	sld [smem:$0x3FB2]  }
0x2e: {  	s3 =	simm.s32 @!p0 $0x1082;
	s9 =	sld [smem:$0x3FB3]  }
0x2f: {  	lr =	sadd.s32 s0, s3;
	s0 =	sld [smem:$0x3FAA]  }
0x30: {  	s3 =	sld [smem:$0x3FAD]  }
0x31: {  	[smem:$0x3FB6] =	sst s10  }
0x32: {  	s10 =	sld [smem:$0x3FB4];
	_ =	sdelay $0x3  }
0x33: {  	p0 =	seq.s32 s10, $0x1;
	s10 =	sld [smem:$0x3FB6];
	_ =	sdelay $0x3  }
0x34: {  	[smem:$0x3FB6] =	sst s10  }
0x35: {  	s10 =	sld [smem:$0x3FB5];
	_ =	sdelay $0x3  }
0x36: {  	p1 =	seq.s32 s10, $0x1;
	s10 =	sld [smem:$0x3FB6];
	_ =	sdelay $0x3  }
0x37: {  	[smem:$0x3FB6] =	sst s10  }
0x38: {  	s10 =	sld [smem:$0x3FB7]  }
0x39: {  	_ = 	snop;
	(pc) =	sbr.ind lr, $3  }
0x3a: {  	_ = 	snop  }
0x3b: {  	_ = 	snop  }
0x3c: {  	p2 =	seq.s32 s10, $0x1;
	s10 =	sld [smem:$0x3FB6]  }
0x3d: {  	_ =	shalt  }
0x3e: {  	_ =	shalt  }
0x3f: {  	_ =	shalt  }
0x40: {  	_ =	shalt  }
0x41: {  	_ =	shalt  }
0x42: {  	_ =	shalt  }
0x43: {  	_ =	shalt  }
0x44: {  	_ =	shalt  }
0x45: {  	_ =	shalt  }
0x46: {  	_ =	shalt  }
0x47: {  	_ =	shalt  }
0x48: {  	_ =	shalt  }
0x49: {  	_ =	shalt  }
0x4a: {  	_ =	shalt  }
0x4b: {  	_ =	shalt  }
0x4c: {  	_ =	shalt  }
0x4d: {  	_ =	shalt  }
0x4e: {  	_ =	shalt  }
0x4f: {  	_ =	shalt  }
0x50: {  	_ =	shalt  }
0x51: {  	_ =	shalt  }
0x52: {  	_ =	shalt  }
0x53: {  	_ =	shalt  }
0x54: {  	_ =	shalt  }
0x55: {  	_ =	shalt  }
0x56: {  	_ =	shalt  }
0x57: {  	_ =	shalt  }
0x58: {  	_ =	shalt  }
0x59: {  	_ =	shalt  }
0x5a: {  	_ =	shalt  }
0x5b: {  	_ =	shalt  }
0x5c: {  	_ =	shalt  }
0x5d: {  	_ =	shalt  }
0x5e: {  	_ =	shalt  }
0x5f: {  	_ =	shalt  }
0x60: {  	_ =	shalt  }
0x61: {  	_ =	shalt  }
0x62: {  	_ =	shalt  }
0x63: {  	_ =	shalt  }
0x64: {  	_ =	shalt  }
0x65: {  	_ =	shalt  }
0x66: {  	_ =	shalt  }
0x67: {  	_ =	shalt  }
0x68: {  	_ =	shalt  }
0x69: {  	_ =	shalt  }
0x6a: {  	_ =	shalt  }
0x6b: {  	_ =	shalt  }
0x6c: {  	_ =	shalt  }
0x6d: {  	_ =	shalt  }
0x6e: {  	_ =	shalt  }
0x6f: {  	_ =	shalt  }
0x70: {  	_ =	shalt  }
0x71: {  	_ =	shalt  }
0x72: {  	_ =	shalt  }
0x73: {  	_ =	shalt  }
0x74: {  	_ =	shalt  }
0x75: {  	_ =	shalt  }
0x76: {  	_ =	shalt  }
0x77: {  	_ =	shalt  }
0x78: {  	_ =	shalt  }
0x79: {  	_ =	shalt  }
0x7a: {  	_ =	shalt  }
0x7b: {  	_ =	shalt  }
0x7c: {  	_ =	shalt  }
0x7d: {  	_ =	shalt  }
0x7e: {  	_ =	shalt  }
0x7f: {  	_ =	shalt  }
0x80: {  	_ =	shalt  }
0x81: {  	_ =	shalt  }
0x82: {  	_ =	shalt  }
0x83: {  	_ =	shalt  }
0x84: {  	_ =	shalt  }
0x85: {  	_ =	shalt  }
0x86: {  	_ =	shalt  }
0x87: {  	_ =	shalt  }
.Lfunc_end0:
.L_simem_size_0:
called_computation_lowered:
.L_overlay_start_0:
0x88: {  	s2 =	sld [smem:$0x3FD9]  }
0x89: {  	s3 =	sld [smem:$0x3FFE];
	_ =	sdelay $0x1  }
0x8a: {  	s1 =	srdreg.scid  }
0x8b: {  	s0 =	sand.u32 $0x1, s1  }
0x8c: {  	s14 =	sshll.u32 s0, $0xA;
	s2 =	sadd.s32 s3, s2  }
0x8d: {  	s2 =	sadd.s32 s2, s14  }
0x8e: {  	[smem:$0x3FC2] =	sst s2  }
0x8f: {  	_ = 	snop  }
0x90: {  	s2 =	sld [smem:$0x3FD0];
	_ =	sdelay $0x2  }
0x91: {  	s15 =	simm.s32 $0xA;
	s4 =	simm.s32 $0x10  }
0x92: {  	[smem:s4], [sflag:s15] =	dma.local [hbm:s2], $0x1  }
0x93: {  	_ =	swait.eq [sflag:s15], $0x1  }
0x94: {  	[sflag:s15] =	ssyncset.done $0x0  }
0x95: {  	[sflag:s15] =	ssyncadd.s32 $0xFFFFFFFF  }
0x96: {  	s16 =	sld [smem:$0x10];
	(tm) =	ssettm $0x1  }
0x97: {  	s17 =	sld [smem:$0x3FFB];
	_ =	sdelay $0x3  }
0x98: {  	_ =	strace s17  }
0x99: {  	s3 =	sld [smem:$0x3FFC];
	_ =	sdelay $0x3  }
0x9a: {  	_ =	strace s3  }
0x9b: {  	s3 =	sld [smem:$0x3FFD];
	_ =	sdelay $0x3  }
0x9c: {  	_ =	strace s3  }
0x9d: {  	_ =	strace $0x8FFFFFFF  }
0x9e: {  	s18 =	sld [smem:$0x3FDB];
	_ =	sdelay $0x1  }
0x9f: {  	s19 =	simm.s32 $_scs_section_size  }
0xa0: {  	s5 =	simm.s32 $_size__tile_overlayer_lowered;
	s6 =	simm.s32 $_tile_overlayer_lowered  }
0xa1: {  	s22 =	simm.s32 $0x1BFF;
	s21 =	sshll.u32 s6, $0x1;
	s3 =	sadd.s32 s19, s18  }
0xa2: {  	s7 =	simm.s32 $0x0;
	s20 =	sshll.u32 s5, $0x1;
	s5 =	sadd.s32 s21, s3  }
0xa3: {  	[timem:s7], [sflag:s22] =	dma.local [hbm:s5], s20  }
0xa4: {  	_ =	swait.ge [sflag:s22], s20  }
0xa5: {  	s4 =	ssub.s32 $0x0, s20;
	[sflag:s22] =	ssyncset.done $0x0  }
0xa6: {  	[sflag:s22] =	ssyncadd.s32 s4;
	_ =	sdelay $0x1  }
0xa7: {  	s23 =	simm.s32 $0x1B8B  }
0xa8: {  	_ =	swait.ge [sflag:s23], $0x1  }
0xa9: {  	[sflag:s23] =	ssyncset.done $0x0  }
0xaa: {  	s25 =	simm.s32 $0x1B8E;
	s24 =	sld [smem:$0x3FFE];
	[sflag:s23] =	ssyncadd.s32 $0xFFFFFFFF  }
0xab: {  	s26 =	simm.s32 $execute0_lowered;
	[smem:$0x3FD2] =	sst s25  }
0xac: {  	s5 =	sshll.u32 s26, $0x1;
	_ =	strace $0x80000046;
	[dreg:$0x1] =	wrdreg $0xFFFFFFFF  }
0xad: {  	s28 =	simm.s32 $_size_execute0_lowered;
	s3 =	sadd.s32 s3, s5;
	[dreg:$0x0] =	wrdreg $0x0  }
0xae: {  	s5 =	sshll.u32 s28, $0x1;
	[dreg:$0x2] =	wrdreg s3  }
0xaf: {  	[dreg:$0x3] =	wrdreg s5  }
0xb0: {  	[dreg:$0x4] =	wrdreg $0xC0  }
0xb1: {  	_ =	task [dreg:s7], $0x5FFFF  }
0xb2: {  	[dreg:$0x1] =	wrdreg $0xFFFFFFFF  }
0xb3: {  	[dreg:$0x0] =	wrdreg $0x60  }
0xb4: {  	[dreg:$0x2] =	wrdreg s16  }
0xb5: {  	[dreg:$0x3] =	wrdreg s24  }
0xb6: {  	[dreg:$0x4] =	wrdreg $0x0  }
0xb7: {  	[dreg:$0x5] =	wrdreg $0x9  }
0xb8: {  	_ =	task.clear_ibuf [dreg:s7], $0x6FFFF;
	_ =	strace $0x90000046  }
0xb9: {  	s29 =	simm.s32 $0x9;
	_ =	strace $0x80000048  }
0xba: {  	_ =	swait.ge [sflag:s29], $0x1  }
0xbb: {  	[sflag:s29] =	ssyncadd.s32 $0xFFFFFFFF  }
0xbc: {  	_ =	strace $0x90000048  }
0xbd: {  	_ =	sfence  }
0xbe: {  	s30 =	sld [smem:$0x0];
	_ =	sdelay $0x2  }
0xbf: {  	s31 =	sshll.u32 s1, $0xD;
	s1 =	sshrl.u32 s1, $0x2  }
0xc0: {  	s3 =	sand.u32 $0x4000, s31;
	s1 =	sadd.s32 s1, s30  }
0xc1: {  	s0 =	sor.u32 s3, s0;
	s1 =	sshll.u32 s1, $0x11  }
0xc2: {  	s0 =	sor.u32 s1, s0  }
0xc3: {  	s0 =	sadd.s32 $0x8F2B, s0  }
0xc4: {  	[sflag:s0] =	ssyncadd.remote.s32 $0x1  }
0xc5: {  	_ =	sfence.sel $0xFFFF  }
0xc6: {  	[dreg:$0x0] =	wrdreg $0xFFFFFFFF;
	(pc) =	sbr.abs _section_cstart, $3  }
0xc7: {  	[dreg:$0x1] =	wrdreg $0xFFFFFFFF  }
0xc8: {  	_ =	task.clear_ibuf [dreg:s7], $0x2FFFF;
	_ =	strace $0x9FFFFFFF  }
0xc9: {  	(tm) =	ssettm $0x7FFFFFFF  }
tec
execute0_lowered:
.L_overlay_start_1:
0x0: {  	(tag) =	ssettag $0x1  }
0x1: {  	s4 =	rddreg [dreg:$0x0]  }
0x2: {  	s5 =	rddreg [dreg:$0x1]  }
0x3: {  	s1 =	rddreg [dreg:$0x2];
	s2 =	srdreg.scid  }
0x4: {  	s0 =	rddreg [dreg:$0x3];
	s3 =	simm.s32 $0x0;
	s12 =	simm.s32 $0x14000  }
0x5: {  	s13 =	simm.s32 $0x2;
	s14 =	simm.s32 $0x16800;
	s15 =	simm.s32 $0x80  }
0x6: {  	s16 =	simm.s32 $0x1;
	s6 =	sand.u32 $0x1, s2;
	s2 =	stileid.u32  }
0x7: {  	s19 =	simm.s32 $0x0;
	[smem:$0x7FF] =	sst s3;
	s7 =	smul.u32 $0x140000, s6  }
0x8: {  	s8 =	smul.u32 $0x14000, s2;
	_ =	strace $0x80000047;
	s9 =	sshll.u32 s2, $0x1  }
0x9: {  	s30 =	smul.u32 $0x50000, s2;
	s17 =	sshll.u32 s2, $0x6;
	s29 =	sor.u32 s6, s9  }
0xa: {  	s6 =	ssub.s32 $0x2, s6;
	s17 =	sor.u32 $0x1C02, s17;
	s7 =	sadd.s32 s8, s7  }
0xb: {  	s8 =	smul.u32 $0x500, s29;
	s31 =	sshrl.u32 s6, $0x1;
	s7 =	sshrl.u32 s7, $0x3  }
0xc: {  	s9 =	sshrl.u32 s30, $0x2;
	s10 =	ssub.s32 s6, s31;
	s7 =	sadd.s32 s7, s5  }
0xd: {  	s4 =	sadd.s32 s4, s8;
	s5 =	sadd.s32 s9, s1;
	s6 =	sadd.s32 $0xBC00, s7  }
0xe: {  	s7 =	smax.u32 s10, $0x1;
	s8 =	sadd.s32 $0x4000, s5;
	s9 =	sadd.s32 $0x8000, s5  }
0xf: {  	v0 =	vimm.f32 $0.0e+00;
	v1 =	vimm.f32 $1.000000000e+00;
	s10 =	sadd.s32 $0xC000, s5;
	s11 =	sadd.s32 $0x10000, s5;
	s18 =	sshrl.u32 s5, $0x3  }
.LBB2_1:
0x10: {  	[tilespmem:s12], [sflag:$0x2] =	stream.linear.gather [hbm4b:s4+s3], $0x2800, $0x38;
	[tilespmem:$0x1A800] =	vst v63  }
0x11: {  	s20 =	sand.u32 $0xFE00, s3;
	s21 =	sand.u32 $0x70, s3;
	_ =	swait.ge [sflag:s13], $0x2800  }
0x12: {  	s22 =	sshrl.u32 s20, $0x2;
	s20 =	simm.s32 $0x40;
	[sflag:s13] =	ssyncset.done $0x0  }
0x13: {  	s22 =	sor.u32 s21, s22;
	s21 =	simm.s32 $0x0;
	[sflag:s13] =	ssyncadd.s32 $0xFFFFD800  }
.LBB2_2:
0x14: {  	p0 =	sne.s32 s20, $0xFFC0  }
0x15: {  	[tilespmem:s22+$0x16800] =	vst v0;
	s21 =	sadd.s32 $0x10, s21;
	s22 =	smov.u32 s20;
	s20 =	sadd.s32 $0x40, s20  }
.Ltmp0:
0x16: {  	(pc) =	sbr.rel @p0 .LBB2_2-.Ltmp0, $4  }
0x17: {  	_ = 	snop  }
0x18: {  	s22 =	sand.u32 $0xFE00, s22  }
0x19: {  	s23 =	sand.u32 $0x70, s21;
	s22 =	sshrl.u32 s22, $0x2  }
0x1a: {  	s22 =	sor.u32 s23, s22  }
0x1b: {  	[tilespmem:s22+$0x16800] =	vst v0  }
0x1c: {  	[spmem:s5] =	stream.linear.scatter [tilespmem:s14], [sflag:$0x2], $0x4000, $0x38;
	[tilespmem:$0x1A800] =	vst v63  }
0x1d: {  	_ =	swait.ge [sflag:s13], $0x4000  }
0x1e: {  	[sflag:s13] =	ssyncset.done $0x0  }
0x1f: {  	[sflag:s13] =	ssyncadd.s32 $0xFFFFC000  }
0x20: {  	[spmem:s8] =	stream.linear.scatter [tilespmem:s14], [sflag:$0x2], $0x4000, $0x38;
	[tilespmem:$0x1A800] =	vst v63  }
0x21: {  	_ =	swait.ge [sflag:s13], $0x4000  }
0x22: {  	[sflag:s13] =	ssyncset.done $0x0  }
0x23: {  	[sflag:s13] =	ssyncadd.s32 $0xFFFFC000  }
0x24: {  	[spmem:s9] =	stream.linear.scatter [tilespmem:s14], [sflag:$0x2], $0x4000, $0x38;
	[tilespmem:$0x1A800] =	vst v63  }
0x25: {  	_ =	swait.ge [sflag:s13], $0x4000  }
0x26: {  	[sflag:s13] =	ssyncset.done $0x0  }
0x27: {  	[sflag:s13] =	ssyncadd.s32 $0xFFFFC000  }
0x28: {  	[spmem:s10] =	stream.linear.scatter [tilespmem:s14], [sflag:$0x2], $0x4000, $0x38;
	[tilespmem:$0x1A800] =	vst v63  }
0x29: {  	_ =	swait.ge [sflag:s13], $0x4000  }
0x2a: {  	[sflag:s13] =	ssyncset.done $0x0  }
0x2b: {  	s20 =	simm.s32 $0x0;
	[sflag:s13] =	ssyncadd.s32 $0xFFFFC000  }
0x2c: {  	[spmem:s11] =	stream.linear.scatter [tilespmem:s14], [sflag:$0x2], $0x4000, $0x38;
	[tilespmem:$0x1A800] =	vst v63  }
0x2d: {  	s21 =	sand.u32 $0xFE00, s20;
	_ =	swait.ge [sflag:s13], $0x4000  }
0x2e: {  	s31 =	sand.u32 $0x70, s20;
	s23 =	sshrl.u32 s21, $0x2;
	[sflag:s13] =	ssyncset.done $0x0  }
0x2f: {  	s21 =	simm.s32 $0x40;
	s22 =	sor.u32 s31, s23;
	[sflag:s13] =	ssyncadd.s32 $0xFFFFC000  }
.LBB2_4:
0x30: {  	p0 =	sne.s32 s21, $0xFFC0  }
0x31: {  	[tilespmem:s22+$0x16800] =	vst v1;
	s20 =	sadd.s32 $0x10, s20;
	s22 =	smov.u32 s21;
	s21 =	sadd.s32 $0x40, s21  }
.Ltmp1:
0x32: {  	(pc) =	sbr.rel @p0 .LBB2_4-.Ltmp1, $4  }
0x33: {  	_ = 	snop  }
0x34: {  	s22 =	sand.u32 $0xFE00, s22  }
0x35: {  	s23 =	sand.u32 $0x70, s20;
	s22 =	sshrl.u32 s22, $0x2  }
0x36: {  	s22 =	sor.u32 s23, s22  }
0x37: {  	[tilespmem:s22+$0x16800] =	vst v1  }
0x38: {  	s20 =	simm.s32 $0x14000;
	[bflag:$0x0] =	sbarrier.arrive $0xFFFF  }
0x39: {  	[spmem:s1] =	stream.indirect.scatter.add.f32 [tilespmem:s14], [sflag:$0x1], $0x80, s20, s15, $0xb8;
	[tilespmem:$0x1A800] =	vst v63  }
0x3a: {  	s24 =	simm.s32 $0x14080  }
0x3b: {  	[spmem:s1] =	stream.indirect.scatter.add.f32 [tilespmem:s14], [sflag:$0x1], $0x80, s24, s15, $0xb8;
	[tilespmem:$0x1A800] =	vst v63  }
0x3c: {  	s25 =	simm.s32 $0x14100  }
0x3d: {  	[spmem:s1] =	stream.indirect.scatter.add.f32 [tilespmem:s14], [sflag:$0x1], $0x80, s25, s15, $0xb8;
	[tilespmem:$0x1A800] =	vst v63  }
0x3e: {  	s26 =	simm.s32 $0x14180  }
0x3f: {  	[spmem:s1] =	stream.indirect.scatter.add.f32 [tilespmem:s14], [sflag:$0x1], $0x80, s26, s15, $0xb8;
	[tilespmem:$0x1A800] =	vst v63  }
0x40: {  	s28 =	simm.s32 $0x14200  }
0x41: {  	[spmem:s1] =	stream.indirect.scatter.add.f32 [tilespmem:s14], [sflag:$0x1], $0x80, s28, s15, $0xb8;
	[tilespmem:$0x1A800] =	vst v63  }
0x42: {  	s29 =	simm.s32 $0x14280  }
0x43: {  	[spmem:s1] =	stream.indirect.scatter.add.f32 [tilespmem:s14], [sflag:$0x1], $0x80, s29, s15, $0xb8;
	[tilespmem:$0x1A800] =	vst v63  }
0x44: {  	s30 =	simm.s32 $0x14300  }
0x45: {  	[spmem:s1] =	stream.indirect.scatter.add.f32 [tilespmem:s14], [sflag:$0x1], $0x80, s30, s15, $0xb8;
	[tilespmem:$0x1A800] =	vst v63  }
0x46: {  	s31 =	simm.s32 $0x14380  }
0x47: {  	[spmem:s1] =	stream.indirect.scatter.add.f32 [tilespmem:s14], [sflag:$0x1], $0x80, s31, s15, $0xb8;
	[tilespmem:$0x1A800] =	vst v63  }
0x48: {  	_ =	swait.ge [sflag:s16], $0x4000  }
0x49: {  	[sflag:s16] =	ssyncset.done $0x0  }
0x4a: {  	[sflag:s16] =	ssyncadd.s32 $0xFFFFC000  }
0x4b: {  	_ =	swait.ge [sflag:s16], $0x4000  }
0x4c: {  	[sflag:s16] =	ssyncset.done $0x0  }
0x4d: {  	[sflag:s16] =	ssyncadd.s32 $0xFFFFC000  }
0x4e: {  	_ =	swait.ge [sflag:s16], $0x4000  }
0x4f: {  	[sflag:s16] =	ssyncset.done $0x0  }
0x50: {  	[sflag:s16] =	ssyncadd.s32 $0xFFFFC000  }
0x51: {  	_ =	swait.ge [sflag:s16], $0x4000  }
0x52: {  	[sflag:s16] =	ssyncset.done $0x0  }
0x53: {  	[sflag:s16] =	ssyncadd.s32 $0xFFFFC000  }
0x54: {  	_ =	swait.ge [sflag:s16], $0x4000  }
0x55: {  	[sflag:s16] =	ssyncset.done $0x0  }
0x56: {  	[sflag:s16] =	ssyncadd.s32 $0xFFFFC000  }
0x57: {  	_ =	swait.ge [sflag:s16], $0x4000  }
0x58: {  	[sflag:s16] =	ssyncset.done $0x0  }
0x59: {  	[sflag:s16] =	ssyncadd.s32 $0xFFFFC000  }
0x5a: {  	_ =	swait.ge [sflag:s16], $0x4000  }
0x5b: {  	[sflag:s16] =	ssyncset.done $0x0  }
0x5c: {  	[sflag:s16] =	ssyncadd.s32 $0xFFFFC000  }
0x5d: {  	_ =	swait.ge [sflag:s16], $0x4000  }
0x5e: {  	s23 =	simm.s32 $0x2000;
	s22 =	simm.s32 $0x400;
	[sflag:s16] =	ssyncset.done $0x0  }
.LBB2_6:
0x5f: {  	s24 =	sadd.s32 $0x14000, s22  }
0x60: {  	[sflag:s16] =	ssyncadd.s32 $0xFFFFC000;
	s21 =	smov.u32 s23;
	s20 =	sadd.s32 $0x1000, s23  }
0x61: {  	[spmem:s1] =	stream.indirect.scatter.add.f32 [tilespmem:s14], [sflag:$0x1], $0x80, s24, s15, $0xb8;
	[tilespmem:$0x1A800] =	vst v63  }
0x62: {  	p0 =	sne.s32 s23, $0x9000;
	s23 =	sadd.s32 $0x14080, s22  }
0x63: {  	[spmem:s1] =	stream.indirect.scatter.add.f32 [tilespmem:s14], [sflag:$0x1], $0x80, s23, s15, $0xb8;
	[tilespmem:$0x1A800] =	vst v63  }
0x64: {  	s23 =	sadd.s32 $0x14100, s22  }
0x65: {  	[spmem:s1] =	stream.indirect.scatter.add.f32 [tilespmem:s14], [sflag:$0x1], $0x80, s23, s15, $0xb8;
	[tilespmem:$0x1A800] =	vst v63  }
0x66: {  	s23 =	sadd.s32 $0x14180, s22  }
0x67: {  	[spmem:s1] =	stream.indirect.scatter.add.f32 [tilespmem:s14], [sflag:$0x1], $0x80, s23, s15, $0xb8;
	[tilespmem:$0x1A800] =	vst v63  }
0x68: {  	s23 =	sadd.s32 $0x14200, s22  }
0x69: {  	[spmem:s1] =	stream.indirect.scatter.add.f32 [tilespmem:s14], [sflag:$0x1], $0x80, s23, s15, $0xb8;
	[tilespmem:$0x1A800] =	vst v63  }
0x6a: {  	s23 =	sadd.s32 $0x14280, s22  }
0x6b: {  	[spmem:s1] =	stream.indirect.scatter.add.f32 [tilespmem:s14], [sflag:$0x1], $0x80, s23, s15, $0xb8;
	[tilespmem:$0x1A800] =	vst v63  }
0x6c: {  	s23 =	sadd.s32 $0x14300, s22  }
0x6d: {  	[spmem:s1] =	stream.indirect.scatter.add.f32 [tilespmem:s14], [sflag:$0x1], $0x80, s23, s15, $0xb8;
	[tilespmem:$0x1A800] =	vst v63  }
0x6e: {  	s22 =	sadd.s32 $0x14380, s22  }
0x6f: {  	[spmem:s1] =	stream.indirect.scatter.add.f32 [tilespmem:s14], [sflag:$0x1], $0x80, s22, s15, $0xb8;
	[tilespmem:$0x1A800] =	vst v63  }
0x70: {  	_ =	swait.ge [sflag:s16], $0x4000  }
0x71: {  	[sflag:s16] =	ssyncset.done $0x0  }
0x72: {  	[sflag:s16] =	ssyncadd.s32 $0xFFFFC000  }
0x73: {  	_ =	swait.ge [sflag:s16], $0x4000  }
0x74: {  	[sflag:s16] =	ssyncset.done $0x0  }
0x75: {  	[sflag:s16] =	ssyncadd.s32 $0xFFFFC000  }
0x76: {  	_ =	swait.ge [sflag:s16], $0x4000  }
0x77: {  	[sflag:s16] =	ssyncset.done $0x0  }
0x78: {  	[sflag:s16] =	ssyncadd.s32 $0xFFFFC000  }
0x79: {  	_ =	swait.ge [sflag:s16], $0x4000  }
0x7a: {  	[sflag:s16] =	ssyncset.done $0x0  }
0x7b: {  	[sflag:s16] =	ssyncadd.s32 $0xFFFFC000  }
0x7c: {  	_ =	swait.ge [sflag:s16], $0x4000  }
0x7d: {  	[sflag:s16] =	ssyncset.done $0x0  }
0x7e: {  	[sflag:s16] =	ssyncadd.s32 $0xFFFFC000  }
0x7f: {  	_ =	swait.ge [sflag:s16], $0x4000  }
0x80: {  	[sflag:s16] =	ssyncset.done $0x0  }
0x81: {  	[sflag:s16] =	ssyncadd.s32 $0xFFFFC000  }
.Ltmp2:
0x82: {  	_ =	swait.ge [sflag:s16], $0x4000;
	(pc) =	sbr.rel @p0 .LBB2_6-.Ltmp2, $4  }
0x83: {  	[sflag:s16] =	ssyncset.done $0x0  }
0x84: {  	[sflag:s16] =	ssyncadd.s32 $0xFFFFC000  }
0x85: {  	_ =	swait.ge [sflag:s16], $0x4000  }
0x86: {  	s23 =	smov.u32 s20;
	s22 =	sshra.s32 s21, $0x2;
	[sflag:s16] =	ssyncset.done $0x0  }
0x87: {  	s20 =	sadd.s32 $0x14000, s22;
	[sflag:s16] =	ssyncadd.s32 $0xFFFFC000  }
0x88: {  	[spmem:s1] =	stream.indirect.scatter.add.f32 [tilespmem:s14], [sflag:$0x1], $0x80, s20, s15, $0xb8;
	[tilespmem:$0x1A800] =	vst v63  }
0x89: {  	s24 =	sadd.s32 $0x14080, s22  }
0x8a: {  	[spmem:s1] =	stream.indirect.scatter.add.f32 [tilespmem:s14], [sflag:$0x1], $0x80, s24, s15, $0xb8;
	[tilespmem:$0x1A800] =	vst v63  }
0x8b: {  	s25 =	sadd.s32 $0x14100, s22  }
0x8c: {  	[spmem:s1] =	stream.indirect.scatter.add.f32 [tilespmem:s14], [sflag:$0x1], $0x80, s25, s15, $0xb8;
	[tilespmem:$0x1A800] =	vst v63  }
0x8d: {  	s26 =	sadd.s32 $0x14180, s22  }
0x8e: {  	[spmem:s1] =	stream.indirect.scatter.add.f32 [tilespmem:s14], [sflag:$0x1], $0x80, s26, s15, $0xb8;
	[tilespmem:$0x1A800] =	vst v63  }
0x8f: {  	s28 =	sadd.s32 $0x14200, s22  }
0x90: {  	[spmem:s1] =	stream.indirect.scatter.add.f32 [tilespmem:s14], [sflag:$0x1], $0x80, s28, s15, $0xb8;
	[tilespmem:$0x1A800] =	vst v63  }
0x91: {  	s29 =	sadd.s32 $0x14280, s22  }
0x92: {  	[spmem:s1] =	stream.indirect.scatter.add.f32 [tilespmem:s14], [sflag:$0x1], $0x80, s29, s15, $0xb8;
	[tilespmem:$0x1A800] =	vst v63  }
0x93: {  	s30 =	sadd.s32 $0x14300, s22  }
0x94: {  	[spmem:s1] =	stream.indirect.scatter.add.f32 [tilespmem:s14], [sflag:$0x1], $0x80, s30, s15, $0xb8;
	[tilespmem:$0x1A800] =	vst v63  }
0x95: {  	s31 =	sadd.s32 $0x14380, s22  }
0x96: {  	[spmem:s1] =	stream.indirect.scatter.add.f32 [tilespmem:s14], [sflag:$0x1], $0x80, s31, s15, $0xb8;
	[tilespmem:$0x1A800] =	vst v63  }
0x97: {  	_ =	swait.ge [sflag:s16], $0x4000  }
0x98: {  	[sflag:s16] =	ssyncset.done $0x0  }
0x99: {  	[sflag:s16] =	ssyncadd.s32 $0xFFFFC000  }
0x9a: {  	_ =	swait.ge [sflag:s16], $0x4000  }
0x9b: {  	[sflag:s16] =	ssyncset.done $0x0  }
0x9c: {  	[sflag:s16] =	ssyncadd.s32 $0xFFFFC000  }
0x9d: {  	_ =	swait.ge [sflag:s16], $0x4000  }
0x9e: {  	[sflag:s16] =	ssyncset.done $0x0  }
0x9f: {  	[sflag:s16] =	ssyncadd.s32 $0xFFFFC000  }
0xa0: {  	_ =	swait.ge [sflag:s16], $0x4000  }
0xa1: {  	[sflag:s16] =	ssyncset.done $0x0  }
0xa2: {  	[sflag:s16] =	ssyncadd.s32 $0xFFFFC000  }
0xa3: {  	_ =	swait.ge [sflag:s16], $0x4000  }
0xa4: {  	[sflag:s16] =	ssyncset.done $0x0  }
0xa5: {  	[sflag:s16] =	ssyncadd.s32 $0xFFFFC000  }
0xa6: {  	_ =	swait.ge [sflag:s16], $0x4000  }
0xa7: {  	[sflag:s16] =	ssyncset.done $0x0  }
0xa8: {  	[sflag:s16] =	ssyncadd.s32 $0xFFFFC000  }
0xa9: {  	_ =	swait.ge [sflag:s16], $0x4000  }
0xaa: {  	[sflag:s16] =	ssyncset.done $0x0  }
0xab: {  	[sflag:s16] =	ssyncadd.s32 $0xFFFFC000  }
0xac: {  	_ =	swait.ge [sflag:s16], $0x4000  }
0xad: {  	s19 =	sadd.s32 $0x1, s19;
	[sflag:s16] =	ssyncset.done $0x0  }
0xae: {  	p0 =	sne.s32 s19, s7;
	[sflag:s16] =	ssyncadd.s32 $0xFFFFC000  }
.Ltmp3:
0xaf: {  	[bflag:$0x0] =	sbarrier.arrive $0xFFFF;
	(pc) =	sbr.rel @p0 .LBB2_1-.Ltmp3, $4  }
0xb0: {  	[hbm:s6], [sflag:s17] =	dma.local [spmem:s18], $0x2800  }
0xb1: {  	_ =	swait.ge [sflag:s13], $0x2800  }
0xb2: {  	[sflag:s13] =	ssyncset.done $0x0  }
0xb3: {  	[sflag:s13] =	ssyncadd.s32 $0xFFFFD800  }
0xb4: {  	_ =	sfence.sel $0x180000  }
0xb5: {  	[bflag:$0x0] =	sbarrier.arrive $0xFFFF  }
0xb6: {  	p0 =	sne.s32 s2, $0x0;
	_ =	strace $0x90000047  }
0xb7: {  	s0 =	sadd.s32 @!p0 $0x100000, s0;
	[bflag:$0x2] =	sbarrier.arrive $0xFFFF  }
0xb8: {  	[sflag:s0] =	ssyncadd.tile.s32 @!p0 $0x1;
	_ =	shalt  }
.Lfunc_end2:
_tile_overlayer_lowered:
.L_overlay_start_2:
0xb9: {  	(tag) =	ssettag $0x2  }
0xba: {  	s0 =	rddreg [dreg:$0x0];
	s2 =	stileid.u32  }
0xbb: {  	s1 =	rddreg [dreg:$0x1];
	p0 =	sne.s32 s2, $0x0  }
0xbc: {  	s3 =	rddreg [dreg:$0x2];
	[bflag:$0x3] =	sbarrier.arrive $0xFFFF;
	s2 =	simm.s32 @!p0 $0x1C02  }
0xbd: {  	[timem:s3], [sflag:s2] =	dma.local @!p0 [hbm:s0], s1  }
0xbe: {  	s0 =	simm.s32 @!p0 $0x2  }
0xbf: {  	_ =	swait.ge @!p0 [sflag:s0], s1  }
0xc0: {  	s1 =	ssub.s32 @!p0 $0x0, s1;
	[sflag:s0] =	ssyncset.done @!p0 $0x0  }
0xc1: {  	[sflag:s0] =	ssyncadd.s32 @!p0 s1  }
0xc2: {  	[bflag:$0x3] =	sbarrier.arrive $0xFFFF  }
0xc3: {  	_ =	shalt  }

</sc_bundles>
